<compile_context>
chip_gen: v7x
topology: tpu7x:2x2x1
jax: 0.10.2.dev20260603
libtpu: 0.0.44.dev20260713+nightly
codegen_flags: <defaults>
</compile_context>

<pallas_src>
import jax
import jax.numpy as jnp
from jax import lax
from jax.experimental import pallas as pl
from jax.experimental.pallas import tpu as pltpu
from jax.experimental.pallas import tpu_sc as plsc
from functools import partial


def _fps(xyz, npoint):
    B, N, _ = xyz.shape
    def body(i, state):
        centroids, distance, farthest = state
        centroids = centroids.at[:, i].set(farthest)
        centroid = jax.vmap(lambda p, j: p[j])(xyz, farthest)[:, None, :]
        dist = jnp.sum((xyz - centroid) ** 2, axis=-1)
        distance = jnp.minimum(distance, dist)
        farthest = jnp.argmax(distance, axis=-1).astype(jnp.int32)
        return (centroids, distance, farthest)
    init = (jnp.zeros((B, npoint), dtype=jnp.int32),
            jnp.full((B, N), 1e10, dtype=xyz.dtype),
            jnp.zeros((B,), dtype=jnp.int32))
    centroids, _, _ = jax.lax.fori_loop(0, npoint, body, init)
    return centroids


def _index_points(points, idx):
    return jax.vmap(lambda p, i: p[i])(points, idx)


def _fps_kernel_body(npoint, x_ref, y_ref, z_ref, cx_ref, cy_ref, cz_ref,
                     dist_ref):
    B, N = x_ref.shape
    xr = x_ref[...]
    yr = y_ref[...]
    zr = z_ref[...]
    iota_n = lax.broadcasted_iota(jnp.int32, (B, N), 1)
    iota_p = lax.broadcasted_iota(jnp.int32, (B, npoint), 1)
    dist_ref[...] = jnp.full((B, N), 1e10, jnp.float32)

    def step(i, carry):
        far, cxa, cya, cza = carry
        onehot = iota_n == far
        fx = jnp.sum(jnp.where(onehot, xr, 0.0), axis=1, keepdims=True)
        fy = jnp.sum(jnp.where(onehot, yr, 0.0), axis=1, keepdims=True)
        fz = jnp.sum(jnp.where(onehot, zr, 0.0), axis=1, keepdims=True)
        slot = iota_p == i
        cxa = jnp.where(slot, fx, cxa)
        cya = jnp.where(slot, fy, cya)
        cza = jnp.where(slot, fz, cza)
        d = (xr - fx) ** 2 + (yr - fy) ** 2 + (zr - fz) ** 2
        dist = jnp.minimum(dist_ref[...], d)
        dist_ref[...] = dist
        mx = jnp.max(dist, axis=1, keepdims=True)
        idx = jnp.min(jnp.where(dist == mx, iota_n, N), axis=1, keepdims=True)
        return (idx.astype(jnp.int32), cxa, cya, cza)

    zc = jnp.zeros((B, npoint), jnp.float32)
    _, cxa, cya, cza = lax.fori_loop(
        0, npoint, step, (jnp.zeros((B, 1), jnp.int32), zc, zc, zc))
    cx_ref[...] = cxa
    cy_ref[...] = cya
    cz_ref[...] = cza


def _fps_tc(xb, yb, zb, npoint):
    B, N = xb.shape
    out = pl.pallas_call(
        partial(_fps_kernel_body, npoint),
        out_shape=[jax.ShapeDtypeStruct((B, npoint), jnp.float32)] * 3,
        scratch_shapes=[pltpu.VMEM((B, N), jnp.float32)],
    )(xb, yb, zb)
    return out


def _sa_mlp(new_points, Ws, bs):
    for W, b in zip(Ws, bs):
        new_points = jax.nn.relu(new_points @ W + b)
    return jnp.max(new_points, axis=2)


def _ball_group_sc(xyzt, cent, radius, nsample, n_chunks, s_half,
                   feats=None, nfeat=0):
    B3N = xyzt.shape[0]
    N = n_chunks * 16
    S = 2 * s_half
    B = B3N // (3 * N)
    C = 3 + nfeat
    r2 = jnp.float32(float(radius) ** 2)
    cap = 2 * nsample
    nf = max(nfeat, 1)
    if feats is None:
        feats = jnp.zeros((16,), jnp.float32)
        fvn = 16
    else:
        fvn = nf * N
    mesh = plsc.VectorSubcoreMesh(core_axis_name="c", subcore_axis_name="s")

    @partial(
        pl.kernel,
        mesh=mesh,
        compiler_params=pltpu.CompilerParams(needs_layout_passes=False),
        out_type=jax.ShapeDtypeStruct((B * S * C * nsample,), jnp.float32),
        scratch_types=[
            pltpu.VMEM((N,), jnp.float32),
            pltpu.VMEM((N,), jnp.float32),
            pltpu.VMEM((N,), jnp.float32),
            pltpu.VMEM((N,), jnp.float32),
            pltpu.VMEM((S,), jnp.float32),
            pltpu.VMEM((S,), jnp.float32),
            pltpu.VMEM((S,), jnp.float32),
            pltpu.VMEM((cap,), jnp.float32),
            pltpu.VMEM((cap,), jnp.float32),
            pltpu.VMEM((cap,), jnp.float32),
            pltpu.VMEM((fvn,), jnp.float32),
            pltpu.VMEM((nf * cap,), jnp.float32),
            pltpu.VMEM((s_half * C * nsample,), jnp.float32),
        ],
    )
    def k(xyzt_hbm, cent_hbm, feats_hbm, out_hbm, x_v, y_v, z_v, xn_v,
          cx_v, cy_v, cz_v, gx_b, gy_b, gz_b, f_v, gf_b, g_v):
        cid = lax.axis_index("c")
        sid = lax.axis_index("s")
        wid = sid * 2 + cid
        b = wid // 2
        half = wid % 2
        pltpu.sync_copy(xyzt_hbm.at[pl.ds(b * 3 * N, N)], x_v)
        pltpu.sync_copy(xyzt_hbm.at[pl.ds(b * 3 * N + N, N)], y_v)
        pltpu.sync_copy(xyzt_hbm.at[pl.ds(b * 3 * N + 2 * N, N)], z_v)
        pltpu.sync_copy(cent_hbm.at[pl.ds(b * 3 * S, S)], cx_v)
        pltpu.sync_copy(cent_hbm.at[pl.ds(b * 3 * S + S, S)], cy_v)
        pltpu.sync_copy(cent_hbm.at[pl.ds(b * 3 * S + 2 * S, S)], cz_v)
        if nfeat:
            pltpu.sync_copy(feats_hbm.at[pl.ds(b * nfeat * N, nfeat * N)],
                            f_v)

        iota16 = lax.iota(jnp.int32, 16)

        def norm_fn(i, carry):
            base = i * 16
            xv = x_v[pl.ds(base, 16)]
            yv = y_v[pl.ds(base, 16)]
            zv = z_v[pl.ds(base, 16)]
            xn_v[pl.ds(base, 16)] = xv * xv + yv * yv + zv * zv
            return carry
        lax.fori_loop(0, n_chunks, norm_fn, jnp.int32(0))

        def t2_row(s_local, carry):
            s_glob = half * s_half + s_local
            sidx = jnp.full((16,), s_glob, jnp.int32)
            cx = plsc.load_gather(cx_v, [sidx])
            cy = plsc.load_gather(cy_v, [sidx])
            cz = plsc.load_gather(cz_v, [sidx])
            cn = cx * cx + cy * cy + cz * cz
            iota16_ = lax.iota(jnp.int32, 16)

            def chunk_fn(i, kcnt):
                base = i * 16
                xv = x_v[pl.ds(base, 16)]
                yv = y_v[pl.ds(base, 16)]
                zv = z_v[pl.ds(base, 16)]
                nv = xn_v[pl.ds(base, 16)]
                d = -2.0 * (xv * cx + yv * cy + zv * cz) + nv + cn
                m = d <= r2
                ones = jnp.where(m, 1, 0).astype(jnp.int32)
                csum = plsc.cumsum(ones)
                tgt = kcnt + csum - 1
                mm = m & (tgt < cap - 16)
                plsc.store_scatter(gx_b, [tgt], xv - cx, mask=mm)
                plsc.store_scatter(gy_b, [tgt], yv - cy, mask=mm)
                plsc.store_scatter(gz_b, [tgt], zv - cz, mask=mm)
                for r in range(nfeat):
                    fv = f_v[pl.ds(r * N + base, 16)]
                    plsc.store_scatter(gf_b, [tgt + r * cap], fv, mask=mm)
                return kcnt + jnp.sum(ones)

            kcnt = lax.fori_loop(0, n_chunks, chunk_fn, jnp.int32(0))
            gbase = s_local * C * nsample
            zidx = jnp.zeros((16,), jnp.int32)
            g0x = plsc.load_gather(gx_b, [zidx])
            g0y = plsc.load_gather(gy_b, [zidx])
            g0z = plsc.load_gather(gz_b, [zidx])
            for cc in range(nsample // 16):
                pos = iota16_ + (cc * 16)
                keep = pos < kcnt
                vx = jnp.where(keep, gx_b[pl.ds(cc * 16, 16)], g0x)
                vy = jnp.where(keep, gy_b[pl.ds(cc * 16, 16)], g0y)
                vz = jnp.where(keep, gz_b[pl.ds(cc * 16, 16)], g0z)
                g_v[pl.ds(gbase + cc * 16, 16)] = vx
                g_v[pl.ds(gbase + nsample + cc * 16, 16)] = vy
                g_v[pl.ds(gbase + 2 * nsample + cc * 16, 16)] = vz
            for r in range(nfeat):
                g0f = plsc.load_gather(
                    gf_b, [jnp.full((16,), r * cap, jnp.int32)])
                for cc in range(nsample // 16):
                    pos = iota16_ + (cc * 16)
                    keep = pos < kcnt
                    vf = jnp.where(
                        keep, gf_b[pl.ds(r * cap + cc * 16, 16)], g0f)
                    g_v[pl.ds(gbase + (3 + r) * nsample + cc * 16, 16)] = vf
            return carry
        lax.fori_loop(0, s_half, t2_row, jnp.int32(0))
        pltpu.sync_copy(
            g_v, out_hbm.at[pl.ds((b * S + half * s_half) * C * nsample,
                                  s_half * C * nsample)])
        return

    return k(xyzt, cent, feats)


def _query_ball_ref(radius, nsample, xyz, new_xyz):
    B, N, _ = xyz.shape
    S = new_xyz.shape[1]
    d = -2.0 * jnp.einsum('bsc,bnc->bsn', new_xyz, xyz)
    d = d + jnp.sum(new_xyz ** 2, axis=-1)[:, :, None]
    d = d + jnp.sum(xyz ** 2, axis=-1)[:, None, :]
    group_idx = jnp.broadcast_to(jnp.arange(N, dtype=jnp.int32), (B, S, N))
    group_idx = jnp.where(d > radius ** 2, N, group_idx)
    group_idx = jnp.sort(group_idx, axis=-1)[:, :, :nsample]
    group_first = jnp.broadcast_to(group_idx[:, :, :1], group_idx.shape)
    group_idx = jnp.where(group_idx == N, group_first, group_idx)
    return group_idx


def _tail_kernel(xyz2_ref, p2_ref, W3_0_ref, b3_0_ref, W3_1_ref, b3_1_ref,
                 Wd1_ref, bd1_ref, Wd3_ref, bd3_ref, out_ref):
    B, S, _ = p2_ref.shape
    feats = jnp.concatenate([xyz2_ref[...], p2_ref[...]], axis=-1)
    h = feats.reshape(B * S, feats.shape[-1])
    h = jnp.maximum(jnp.dot(h, W3_0_ref[...],
                            preferred_element_type=jnp.float32) + b3_0_ref[...], 0.0)
    h = jnp.maximum(jnp.dot(h, W3_1_ref[...],
                            preferred_element_type=jnp.float32) + b3_1_ref[...], 0.0)
    h = jnp.max(h.reshape(B, S, -1), axis=1)
    h = jnp.maximum(jnp.dot(h, Wd1_ref[...],
                            preferred_element_type=jnp.float32) + bd1_ref[...], 0.0)
    z = jnp.dot(h, Wd3_ref[...], preferred_element_type=jnp.float32) + bd3_ref[...]
    out_ref[...] = jax.nn.sigmoid(z)


def kernel(input, W1_0, b1_0, W1_1, b1_1, W2_0, b2_0, W2_1, b2_1,
           W3_0, b3_0, W3_1, b3_1, Wd1, bd1, Wd3, bd3):
    x = input
    B, N, _ = x.shape

    xb = x[:, :, 0]
    yb = x[:, :, 1]
    zb = x[:, :, 2]
    cx1, cy1, cz1 = _fps_tc(xb, yb, zb, 256)
    new_xyz = jnp.stack([cx1, cy1, cz1], axis=-1)
    xyzt = jnp.stack([xb, yb, zb], axis=1).reshape(-1)
    cent = jnp.stack([cx1, cy1, cz1], axis=1).reshape(-1)
    g1 = _ball_group_sc(xyzt, cent, 0.1, 32, N // 16, 128)
    g1 = g1.reshape(B, 256, 3, 32)
    np1 = jnp.transpose(g1, (0, 1, 3, 2))
    p1 = _sa_mlp(np1, [W1_0, W1_1], [b1_0, b1_1])

    cx2, cy2, cz2 = _fps_tc(cx1, cy1, cz1, 128)
    xyz2 = jnp.stack([cx2, cy2, cz2], axis=-1)
    cent2 = jnp.stack([cx2, cy2, cz2], axis=1).reshape(-1)
    p1t = jnp.transpose(p1, (0, 2, 1)).reshape(-1)
    g2 = _ball_group_sc(cent, cent2, 0.2, 64, 256 // 16, 64,
                        feats=p1t, nfeat=16)
    g2 = g2.reshape(B, 128, 19, 64)
    np2 = jnp.transpose(g2, (0, 1, 3, 2))
    p2 = _sa_mlp(np2, [W2_0, W2_1], [b2_0, b2_1])

    pred = pl.pallas_call(
        _tail_kernel,
        out_shape=jax.ShapeDtypeStruct((B, 1), jnp.float32),
    )(xyz2, p2, W3_0, b3_0, W3_1, b3_1, Wd1, bd1, Wd3, bd3)
    return pred

# --- scband reference (transcript-rebuilt; emitter-appended) ---
"""Pipeline reference for scband-point-net2-ssg-9792525435016 (READ-ONLY COPY).

The authoritative reference and input builder live on the scoring server;
editing this copy changes nothing except your own understanding.
"""

import jax, jax.numpy as jnp
import numpy as np


def square_distance(src, dst):
    d = -2.0 * jnp.einsum('bsc,bnc->bsn', src, dst)
    d = d + jnp.sum(src ** 2, axis=-1)[:, :, None]
    d = d + jnp.sum(dst ** 2, axis=-1)[:, None, :]
    return d


def index_points(points, idx):
    return jax.vmap(lambda p, i: p[i])(points, idx)


def farthest_point_sample(xyz, npoint):
    xyz = jax.lax.stop_gradient(xyz)
    B, N, _ = xyz.shape
    def body(i, state):
        centroids, distance, farthest = state
        centroids = centroids.at[:, i].set(farthest)
        centroid = jax.vmap(lambda p, j: p[j])(xyz, farthest)[:, None, :]
        dist = jnp.sum((xyz - centroid) ** 2, axis=-1)
        distance = jnp.minimum(distance, dist)
        farthest = jnp.argmax(distance, axis=-1).astype(jnp.int32)
        return (centroids, distance, farthest)
    init = (jnp.zeros((B, npoint), dtype=jnp.int32),
            jnp.full((B, N), 1e10, dtype=xyz.dtype),
            jnp.zeros((B,), dtype=jnp.int32))
    centroids, _, _ = jax.lax.fori_loop(0, npoint, body, init)
    return centroids


def query_ball_point(radius, nsample, xyz, new_xyz):
    xyz = jax.lax.stop_gradient(xyz)
    new_xyz = jax.lax.stop_gradient(new_xyz)
    B, N, _ = xyz.shape
    S = new_xyz.shape[1]
    sqrdists = square_distance(new_xyz, xyz)
    group_idx = jnp.broadcast_to(jnp.arange(N, dtype=jnp.int32), (B, S, N))
    group_idx = jnp.where(sqrdists > radius ** 2, N, group_idx)
    group_idx = jnp.sort(group_idx, axis=-1)[:, :, :nsample]
    group_first = jnp.broadcast_to(group_idx[:, :, :1], group_idx.shape)
    group_idx = jnp.where(group_idx == N, group_first, group_idx)
    return group_idx


def sample_and_group(npoint, radius, nsample, xyz, points):
    fps_idx = farthest_point_sample(xyz, npoint)
    new_xyz = index_points(xyz, fps_idx)
    idx = query_ball_point(radius, nsample, xyz, new_xyz)
    grouped_xyz = index_points(xyz, idx)
    grouped_xyz_norm = grouped_xyz - new_xyz[:, :, None, :]
    if points is not None:
        grouped_points = index_points(points, idx)
        new_points = jnp.concatenate([grouped_xyz_norm, grouped_points], axis=-1)
    else:
        new_points = grouped_xyz_norm
    return new_xyz, new_points


def sa_mlp(new_points, Ws, bs):
    for W, b in zip(Ws, bs):
        new_points = jax.nn.relu(new_points @ W + b)
    return jnp.max(new_points, axis=2)


def pointnet2_ssg(x, W1_0, b1_0, W1_1, b1_1, W2_0, b2_0, W2_1, b2_1, W3_0, b3_0, W3_1, b3_1, Wd1, bd1, Wd3, bd3):
    B = x.shape[0]
    xyz1, np1 = sample_and_group(256, 0.1, 32, x, None)
    p1 = sa_mlp(np1, [W1_0, W1_1], [b1_0, b1_1])
    xyz2, np2 = sample_and_group(128, 0.2, 64, xyz1, p1)
    p2 = sa_mlp(np2, [W2_0, W2_1], [b2_0, b2_1])
    grouped = jnp.concatenate([xyz2[:, None, :, :], p2[:, None, :, :]], axis=-1)
    p3 = sa_mlp(grouped, [W3_0, W3_1], [b3_0, b3_1])
    net = p3.reshape(B, -1)
    net = jax.nn.relu(net @ Wd1 + bd1)
    pred = jax.nn.sigmoid(net @ Wd3 + bd3)
    return pred


def setup_inputs(seed: int = 0):
    key = jax.random.key(seed)
    ks = jax.random.split(key, 12)
    B, N = 16, 8192
    def w(k, shape):
        return jax.random.normal(k, shape, dtype=jnp.float32) * 0.1
    inp = {}
    inp['input'] = jax.random.uniform(ks[0], (B, N, 3), dtype=jnp.float32)
    inp['W1_0'] = w(ks[1], (3, 16)); inp['b1_0'] = jnp.zeros((16,), jnp.float32)
    inp['W1_1'] = w(ks[2], (16, 16)); inp['b1_1'] = jnp.zeros((16,), jnp.float32)
    inp['W2_0'] = w(ks[3], (19, 16)); inp['b2_0'] = jnp.zeros((16,), jnp.float32)
    inp['W2_1'] = w(ks[4], (16, 16)); inp['b2_1'] = jnp.zeros((16,), jnp.float32)
    inp['W3_0'] = w(ks[5], (19, 16)); inp['b3_0'] = jnp.zeros((16,), jnp.float32)
    inp['W3_1'] = w(ks[6], (16, 16)); inp['b3_1'] = jnp.zeros((16,), jnp.float32)
    inp['Wd1'] = w(ks[7], (16, 16)); inp['bd1'] = jnp.zeros((16,), jnp.float32)
    inp['Wd3'] = w(ks[8], (16, 1)); inp['bd3'] = jnp.zeros((1,), jnp.float32)
    return inp


def reference(input, W1_0, b1_0, W1_1, b1_1, W2_0, b2_0, W2_1, b2_1, W3_0, b3_0, W3_1, b3_1, Wd1, bd1, Wd3, bd3):
    return pointnet2_ssg(input, W1_0, b1_0, W1_1, b1_1, W2_0, b2_0, W2_1, b2_1, W3_0, b3_0, W3_1, b3_1, Wd1, bd1, Wd3, bd3)

if __name__ == "__main__":
    import jax
    _d = setup_inputs()
    print(jax.jit(kernel)(*tuple(_d.values())))

</pallas_src>

<mosaic_0001>
#map = affine_map<(d0, d1) -> (0)>
module attributes {stable_mosaic.version = 14 : i64} {
  func.func @_rewritten_body(%arg0: i32, %arg1: i32, %arg2: memref<12288xf32, #tpu.memory_space<hbm>>, %arg3: memref<6144xf32, #tpu.memory_space<hbm>>, %arg4: memref<65536xf32, #tpu.memory_space<hbm>>, %arg5: memref<1xf32, #tpu.memory_space<hbm>>, %arg6: memref<2490368xf32, #tpu.memory_space<hbm>>, %arg7: memref<256xf32, #tpu.memory_space<vmem>>, %arg8: memref<256xf32, #tpu.memory_space<vmem>>, %arg9: memref<256xf32, #tpu.memory_space<vmem>>, %arg10: memref<256xf32, #tpu.memory_space<vmem>>, %arg11: memref<128xf32, #tpu.memory_space<vmem>>, %arg12: memref<128xf32, #tpu.memory_space<vmem>>, %arg13: memref<128xf32, #tpu.memory_space<vmem>>, %arg14: memref<128xf32, #tpu.memory_space<vmem>>, %arg15: memref<128xf32, #tpu.memory_space<vmem>>, %arg16: memref<128xf32, #tpu.memory_space<vmem>>, %arg17: memref<4096xf32, #tpu.memory_space<vmem>>, %arg18: memref<2048xf32, #tpu.memory_space<vmem>>, %arg19: memref<77824xf32, #tpu.memory_space<vmem>>) attributes {dimension_semantics = [#tpu.dimension_semantics<core_parallel>, #tpu.dimension_semantics<subcore_parallel>], iteration_bounds = array<i64: 2, 16>, scalar_prefetch = 0 : i64, scratch_operands = 13 : i64, tpu.core_type = #tpu.core_type<sc_vector_subcore>, window_params = [{transform_indices = #map}, {transform_indices = #map}, {transform_indices = #map}, {transform_indices = #map}, {transform_indices = #map}]} {
    %empty_ref3A = memref.alloca() : memref<16xf32, #tpu.memory_space<vmem>>
    "tpu.region"() ({
      %run_scoped3A = tpu.sem_alloc : memref<!tpu.dma_semaphore, #tpu.memory_space<semaphore_mem>>
      %dma_start3A = arith.constant 0 : i32
      %dma_start3A_88 = tpu.memref_slice %empty_ref3A[%dma_start3A] : memref<16xf32, #tpu.memory_space<vmem>> -> memref<1xf32, #tpu.memory_space<vmem>>
      %dma_start3A_89 = arith.constant 0 : i32
      %dma_start3A_90 = tpu.memref_slice %empty_ref3A[%dma_start3A_89] : memref<16xf32, #tpu.memory_space<vmem>> -> memref<1xf32, #tpu.memory_space<vmem>>
      tpu.enqueue_dma source(%arg5 : memref<1xf32, #tpu.memory_space<hbm>>) target(%dma_start3A_90 : memref<1xf32, #tpu.memory_space<vmem>>) target_semaphore(%run_scoped3A : memref<!tpu.dma_semaphore, #tpu.memory_space<semaphore_mem>>)
      %dma_wait3A = arith.constant 0 : i32
      %dma_wait3A_91 = tpu.memref_slice %empty_ref3A[%dma_wait3A] : memref<16xf32, #tpu.memory_space<vmem>> -> memref<1xf32, #tpu.memory_space<vmem>>
      %dma_wait3A_92 = arith.constant 0 : i32
      %dma_wait3A_93 = tpu.memref_slice %empty_ref3A[%dma_wait3A_92] : memref<16xf32, #tpu.memory_space<vmem>> -> memref<1xf32, #tpu.memory_space<vmem>>
      tpu.wait_dma2 semaphore(%run_scoped3A : memref<!tpu.dma_semaphore, #tpu.memory_space<semaphore_mem>>) src(%arg5 : memref<1xf32, #tpu.memory_space<hbm>>) dst(%dma_wait3A_93 : memref<1xf32, #tpu.memory_space<vmem>>)
      tpu.yield
    }) : () -> ()
    %get3A = arith.constant 0 : index
    %get3A_0 = tpu.vector_load %empty_ref3A[%get3A] {strides = array<i32>} : memref<16xf32, #tpu.memory_space<vmem>>, vector<16xf32>,
    %slice3A = vector.extract_strided_slice %get3A_0 {offsets = [0], sizes = [1], strides = [1]} : vector<16xf32> to vector<1xf32>
    %squeeze3A = vector.extract %slice3A[0] : f32 from vector<1xf32>
    %mul3A = arith.constant 2 : i32
    %mul3A_1 = arith.muli %arg1, %mul3A : i32
    %add3A = arith.addi %mul3A_1, %arg0 : i32
    %jit3A = arith.constant 2 : i32
    %div3A = arith.divsi %add3A, %jit3A : i32
    %sign3A = arith.constant 0 : i32
    %sign3A_2 = arith.cmpi sgt, %add3A, %sign3A : i32
    %sign3A_3 = arith.extui %sign3A_2 : i1 to i32
    %sign3A_4 = arith.constant 0 : i32
    %sign3A_5 = arith.cmpi slt, %add3A, %sign3A_4 : i32
    %sign3A_6 = arith.extui %sign3A_5 : i1 to i32
    %sign3A_7 = arith.subi %sign3A_3, %sign3A_6 : i32
    %sign3A_8 = arith.constant 0 : i32
    %sign3A_9 = arith.cmpi sgt, %jit3A, %sign3A_8 : i32
    %sign3A_10 = arith.extui %sign3A_9 : i1 to i32
    %sign3A_11 = arith.constant 0 : i32
    %sign3A_12 = arith.cmpi slt, %jit3A, %sign3A_11 : i32
    %sign3A_13 = arith.extui %sign3A_12 : i1 to i32
    %sign3A_14 = arith.subi %sign3A_10, %sign3A_13 : i32
    %ne3A = arith.cmpi ne, %sign3A_7, %sign3A_14 : i32
    %rem3A = arith.remsi %add3A, %jit3A : i32
    %ne3A_15 = arith.constant 0 : i32
    %ne3A_16 = arith.cmpi ne, %rem3A, %ne3A_15 : i32
    %and3A = arith.andi %ne3A, %ne3A_16 : i1
    %sub3A = arith.constant 1 : i32
    %sub3A_17 = arith.subi %div3A, %sub3A : i32
    %select_n3A = arith.select %and3A, %sub3A_17, %div3A : i32
    %jit3A_18 = arith.constant 2 : i32
    %eq3A = arith.constant 0 : i32
    %eq3A_19 = arith.cmpi eq, %jit3A_18, %eq3A : i32
    %jit3A_20 = arith.constant 1 : i32
    %select_n3A_21 = arith.select %eq3A_19, %jit3A_20, %jit3A_18 : i32
    %rem3A_22 = arith.remsi %add3A, %select_n3A_21 : i32
    %ne3A_23 = arith.constant 0 : i32
    %ne3A_24 = arith.cmpi ne, %rem3A_22, %ne3A_23 : i32
    %lt3A = arith.constant 0 : i32
    %lt3A_25 = arith.cmpi slt, %rem3A_22, %lt3A : i32
    %lt3A_26 = arith.constant 0 : i32
    %lt3A_27 = arith.cmpi slt, %select_n3A_21, %lt3A_26 : i32
    %ne3A_28 = arith.xori %lt3A_25, %lt3A_27 : i1
    %and3A_29 = arith.andi %ne3A_28, %ne3A_24 : i1
    %add3A_30 = arith.addi %rem3A_22, %select_n3A_21 : i32
    %select_n3A_31 = arith.select %and3A_29, %add3A_30, %rem3A_22 : i32
    %mul3A_32 = arith.constant 3 : i32
    %mul3A_33 = arith.muli %select_n3A, %mul3A_32 : i32
    %mul3A_34 = arith.constant 256 : i32
    %mul3A_35 = arith.muli %mul3A_33, %mul3A_34 : i32
    "tpu.region"() ({
      %run_scoped3A = tpu.sem_alloc : memref<!tpu.dma_semaphore, #tpu.memory_space<semaphore_mem>>
      %dma_start3A = tpu.memref_slice %arg2[%mul3A_35] : memref<12288xf32, #tpu.memory_space<hbm>> -> memref<256xf32, #tpu.memory_space<hbm>>
      %dma_start3A_88 = tpu.memref_slice %arg2[%mul3A_35] : memref<12288xf32, #tpu.memory_space<hbm>> -> memref<256xf32, #tpu.memory_space<hbm>>
      tpu.enqueue_dma source(%dma_start3A_88 : memref<256xf32, #tpu.memory_space<hbm>>) target(%arg7 : memref<256xf32, #tpu.memory_space<vmem>>) target_semaphore(%run_scoped3A : memref<!tpu.dma_semaphore, #tpu.memory_space<semaphore_mem>>)
      %dma_wait3A = tpu.memref_slice %arg2[%mul3A_35] : memref<12288xf32, #tpu.memory_space<hbm>> -> memref<256xf32, #tpu.memory_space<hbm>>
      %dma_wait3A_89 = tpu.memref_slice %arg2[%mul3A_35] : memref<12288xf32, #tpu.memory_space<hbm>> -> memref<256xf32, #tpu.memory_space<hbm>>
      tpu.wait_dma2 semaphore(%run_scoped3A : memref<!tpu.dma_semaphore, #tpu.memory_space<semaphore_mem>>) src(%dma_wait3A_89 : memref<256xf32, #tpu.memory_space<hbm>>) dst(%arg7 : memref<256xf32, #tpu.memory_space<vmem>>)
      tpu.yield
    }) : () -> ()
    %mul3A_36 = arith.constant 3 : i32
    %mul3A_37 = arith.muli %select_n3A, %mul3A_36 : i32
    %mul3A_38 = arith.constant 256 : i32
    %mul3A_39 = arith.muli %mul3A_37, %mul3A_38 : i32
    %add3A_40 = arith.constant 256 : i32
    %add3A_41 = arith.addi %mul3A_39, %add3A_40 : i32
    "tpu.region"() ({
      %run_scoped3A = tpu.sem_alloc : memref<!tpu.dma_semaphore, #tpu.memory_space<semaphore_mem>>
      %dma_start3A = tpu.memref_slice %arg2[%add3A_41] : memref<12288xf32, #tpu.memory_space<hbm>> -> memref<256xf32, #tpu.memory_space<hbm>>
      %dma_start3A_88 = tpu.memref_slice %arg2[%add3A_41] : memref<12288xf32, #tpu.memory_space<hbm>> -> memref<256xf32, #tpu.memory_space<hbm>>
      tpu.enqueue_dma source(%dma_start3A_88 : memref<256xf32, #tpu.memory_space<hbm>>) target(%arg8 : memref<256xf32, #tpu.memory_space<vmem>>) target_semaphore(%run_scoped3A : memref<!tpu.dma_semaphore, #tpu.memory_space<semaphore_mem>>)
      %dma_wait3A = tpu.memref_slice %arg2[%add3A_41] : memref<12288xf32, #tpu.memory_space<hbm>> -> memref<256xf32, #tpu.memory_space<hbm>>
      %dma_wait3A_89 = tpu.memref_slice %arg2[%add3A_41] : memref<12288xf32, #tpu.memory_space<hbm>> -> memref<256xf32, #tpu.memory_space<hbm>>
      tpu.wait_dma2 semaphore(%run_scoped3A : memref<!tpu.dma_semaphore, #tpu.memory_space<semaphore_mem>>) src(%dma_wait3A_89 : memref<256xf32, #tpu.memory_space<hbm>>) dst(%arg8 : memref<256xf32, #tpu.memory_space<vmem>>)
      tpu.yield
    }) : () -> ()
    %mul3A_42 = arith.constant 3 : i32
    %mul3A_43 = arith.muli %select_n3A, %mul3A_42 : i32
    %mul3A_44 = arith.constant 256 : i32
    %mul3A_45 = arith.muli %mul3A_43, %mul3A_44 : i32
    %add3A_46 = arith.constant 512 : i32
    %add3A_47 = arith.addi %mul3A_45, %add3A_46 : i32
    "tpu.region"() ({
      %run_scoped3A = tpu.sem_alloc : memref<!tpu.dma_semaphore, #tpu.memory_space<semaphore_mem>>
      %dma_start3A = tpu.memref_slice %arg2[%add3A_47] : memref<12288xf32, #tpu.memory_space<hbm>> -> memref<256xf32, #tpu.memory_space<hbm>>
      %dma_start3A_88 = tpu.memref_slice %arg2[%add3A_47] : memref<12288xf32, #tpu.memory_space<hbm>> -> memref<256xf32, #tpu.memory_space<hbm>>
      tpu.enqueue_dma source(%dma_start3A_88 : memref<256xf32, #tpu.memory_space<hbm>>) target(%arg9 : memref<256xf32, #tpu.memory_space<vmem>>) target_semaphore(%run_scoped3A : memref<!tpu.dma_semaphore, #tpu.memory_space<semaphore_mem>>)
      %dma_wait3A = tpu.memref_slice %arg2[%add3A_47] : memref<12288xf32, #tpu.memory_space<hbm>> -> memref<256xf32, #tpu.memory_space<hbm>>
      %dma_wait3A_89 = tpu.memref_slice %arg2[%add3A_47] : memref<12288xf32, #tpu.memory_space<hbm>> -> memref<256xf32, #tpu.memory_space<hbm>>
      tpu.wait_dma2 semaphore(%run_scoped3A : memref<!tpu.dma_semaphore, #tpu.memory_space<semaphore_mem>>) src(%dma_wait3A_89 : memref<256xf32, #tpu.memory_space<hbm>>) dst(%arg9 : memref<256xf32, #tpu.memory_space<vmem>>)
      tpu.yield
    }) : () -> ()
    %mul3A_48 = arith.constant 3 : i32
    %mul3A_49 = arith.muli %select_n3A, %mul3A_48 : i32
    %mul3A_50 = arith.constant 128 : i32
    %mul3A_51 = arith.muli %mul3A_49, %mul3A_50 : i32
    "tpu.region"() ({
      %run_scoped3A = tpu.sem_alloc : memref<!tpu.dma_semaphore, #tpu.memory_space<semaphore_mem>>
      %dma_start3A = tpu.memref_slice %arg3[%mul3A_51] : memref<6144xf32, #tpu.memory_space<hbm>> -> memref<128xf32, #tpu.memory_space<hbm>>
      %dma_start3A_88 = tpu.memref_slice %arg3[%mul3A_51] : memref<6144xf32, #tpu.memory_space<hbm>> -> memref<128xf32, #tpu.memory_space<hbm>>
      tpu.enqueue_dma source(%dma_start3A_88 : memref<128xf32, #tpu.memory_space<hbm>>) target(%arg11 : memref<128xf32, #tpu.memory_space<vmem>>) target_semaphore(%run_scoped3A : memref<!tpu.dma_semaphore, #tpu.memory_space<semaphore_mem>>)
      %dma_wait3A = tpu.memref_slice %arg3[%mul3A_51] : memref<6144xf32, #tpu.memory_space<hbm>> -> memref<128xf32, #tpu.memory_space<hbm>>
      %dma_wait3A_89 = tpu.memref_slice %arg3[%mul3A_51] : memref<6144xf32, #tpu.memory_space<hbm>> -> memref<128xf32, #tpu.memory_space<hbm>>
      tpu.wait_dma2 semaphore(%run_scoped3A : memref<!tpu.dma_semaphore, #tpu.memory_space<semaphore_mem>>) src(%dma_wait3A_89 : memref<128xf32, #tpu.memory_space<hbm>>) dst(%arg11 : memref<128xf32, #tpu.memory_space<vmem>>)
      tpu.yield
    }) : () -> ()
    %mul3A_52 = arith.constant 3 : i32
    %mul3A_53 = arith.muli %select_n3A, %mul3A_52 : i32
    %mul3A_54 = arith.constant 128 : i32
    %mul3A_55 = arith.muli %mul3A_53, %mul3A_54 : i32
    %add3A_56 = arith.constant 128 : i32
    %add3A_57 = arith.addi %mul3A_55, %add3A_56 : i32
    "tpu.region"() ({
      %run_scoped3A = tpu.sem_alloc : memref<!tpu.dma_semaphore, #tpu.memory_space<semaphore_mem>>
      %dma_start3A = tpu.memref_slice %arg3[%add3A_57] : memref<6144xf32, #tpu.memory_space<hbm>> -> memref<128xf32, #tpu.memory_space<hbm>>
      %dma_start3A_88 = tpu.memref_slice %arg3[%add3A_57] : memref<6144xf32, #tpu.memory_space<hbm>> -> memref<128xf32, #tpu.memory_space<hbm>>
      tpu.enqueue_dma source(%dma_start3A_88 : memref<128xf32, #tpu.memory_space<hbm>>) target(%arg12 : memref<128xf32, #tpu.memory_space<vmem>>) target_semaphore(%run_scoped3A : memref<!tpu.dma_semaphore, #tpu.memory_space<semaphore_mem>>)
      %dma_wait3A = tpu.memref_slice %arg3[%add3A_57] : memref<6144xf32, #tpu.memory_space<hbm>> -> memref<128xf32, #tpu.memory_space<hbm>>
      %dma_wait3A_89 = tpu.memref_slice %arg3[%add3A_57] : memref<6144xf32, #tpu.memory_space<hbm>> -> memref<128xf32, #tpu.memory_space<hbm>>
      tpu.wait_dma2 semaphore(%run_scoped3A : memref<!tpu.dma_semaphore, #tpu.memory_space<semaphore_mem>>) src(%dma_wait3A_89 : memref<128xf32, #tpu.memory_space<hbm>>) dst(%arg12 : memref<128xf32, #tpu.memory_space<vmem>>)
      tpu.yield
    }) : () -> ()
    %mul3A_58 = arith.constant 3 : i32
    %mul3A_59 = arith.muli %select_n3A, %mul3A_58 : i32
    %mul3A_60 = arith.constant 128 : i32
    %mul3A_61 = arith.muli %mul3A_59, %mul3A_60 : i32
    %add3A_62 = arith.constant 256 : i32
    %add3A_63 = arith.addi %mul3A_61, %add3A_62 : i32
    "tpu.region"() ({
      %run_scoped3A = tpu.sem_alloc : memref<!tpu.dma_semaphore, #tpu.memory_space<semaphore_mem>>
      %dma_start3A = tpu.memref_slice %arg3[%add3A_63] : memref<6144xf32, #tpu.memory_space<hbm>> -> memref<128xf32, #tpu.memory_space<hbm>>
      %dma_start3A_88 = tpu.memref_slice %arg3[%add3A_63] : memref<6144xf32, #tpu.memory_space<hbm>> -> memref<128xf32, #tpu.memory_space<hbm>>
      tpu.enqueue_dma source(%dma_start3A_88 : memref<128xf32, #tpu.memory_space<hbm>>) target(%arg13 : memref<128xf32, #tpu.memory_space<vmem>>) target_semaphore(%run_scoped3A : memref<!tpu.dma_semaphore, #tpu.memory_space<semaphore_mem>>)
      %dma_wait3A = tpu.memref_slice %arg3[%add3A_63] : memref<6144xf32, #tpu.memory_space<hbm>> -> memref<128xf32, #tpu.memory_space<hbm>>
      %dma_wait3A_89 = tpu.memref_slice %arg3[%add3A_63] : memref<6144xf32, #tpu.memory_space<hbm>> -> memref<128xf32, #tpu.memory_space<hbm>>
      tpu.wait_dma2 semaphore(%run_scoped3A : memref<!tpu.dma_semaphore, #tpu.memory_space<semaphore_mem>>) src(%dma_wait3A_89 : memref<128xf32, #tpu.memory_space<hbm>>) dst(%arg13 : memref<128xf32, #tpu.memory_space<vmem>>)
      tpu.yield
    }) : () -> ()
    %mul3A_64 = arith.constant 16 : i32
    %mul3A_65 = arith.muli %select_n3A, %mul3A_64 : i32
    %mul3A_66 = arith.constant 256 : i32
    %mul3A_67 = arith.muli %mul3A_65, %mul3A_66 : i32
    "tpu.region"() ({
      %run_scoped3A = tpu.sem_alloc : memref<!tpu.dma_semaphore, #tpu.memory_space<semaphore_mem>>
      %dma_start3A = tpu.memref_slice %arg4[%mul3A_67] : memref<65536xf32, #tpu.memory_space<hbm>> -> memref<4096xf32, #tpu.memory_space<hbm>>
      %dma_start3A_88 = tpu.memref_slice %arg4[%mul3A_67] : memref<65536xf32, #tpu.memory_space<hbm>> -> memref<4096xf32, #tpu.memory_space<hbm>>
      tpu.enqueue_dma source(%dma_start3A_88 : memref<4096xf32, #tpu.memory_space<hbm>>) target(%arg17 : memref<4096xf32, #tpu.memory_space<vmem>>) target_semaphore(%run_scoped3A : memref<!tpu.dma_semaphore, #tpu.memory_space<semaphore_mem>>)
      %dma_wait3A = tpu.memref_slice %arg4[%mul3A_67] : memref<65536xf32, #tpu.memory_space<hbm>> -> memref<4096xf32, #tpu.memory_space<hbm>>
      %dma_wait3A_89 = tpu.memref_slice %arg4[%mul3A_67] : memref<65536xf32, #tpu.memory_space<hbm>> -> memref<4096xf32, #tpu.memory_space<hbm>>
      tpu.wait_dma2 semaphore(%run_scoped3A : memref<!tpu.dma_semaphore, #tpu.memory_space<semaphore_mem>>) src(%dma_wait3A_89 : memref<4096xf32, #tpu.memory_space<hbm>>) dst(%arg17 : memref<4096xf32, #tpu.memory_space<vmem>>)
      tpu.yield
    }) : () -> ()
    %iota3A = tpu.iota {dimensions = array<i32: 0>} : vector<16xi32>
    %scan3A = arith.constant 0 : i32
    %scan3A_68 = arith.constant 0 : i32
    %scan3A_69 = arith.constant 16 : i32
    %scan3A_70 = arith.addi %scan3A_68, %scan3A_69 : i32
    %scan3A_71 = arith.constant 1 : i32
    scf.for %scan3A_88 = %scan3A_68 to %scan3A_70 step %scan3A_71  : i32 {
      %mul3A_89 = arith.constant 16 : i32
      %mul3A_90 = arith.muli %scan3A_88, %mul3A_89 : i32
      %get3A_91 = arith.index_cast %mul3A_90 : i32 to index
      %get3A_92 = tpu.vector_load %arg7[%get3A_91] {strides = array<i32>} : memref<256xf32, #tpu.memory_space<vmem>>, vector<16xf32>,
      %get3A_93 = arith.index_cast %mul3A_90 : i32 to index
      %get3A_94 = tpu.vector_load %arg8[%get3A_93] {strides = array<i32>} : memref<256xf32, #tpu.memory_space<vmem>>, vector<16xf32>,
      %get3A_95 = arith.index_cast %mul3A_90 : i32 to index
      %get3A_96 = tpu.vector_load %arg9[%get3A_95] {strides = array<i32>} : memref<256xf32, #tpu.memory_space<vmem>>, vector<16xf32>,
      %mul3A_97 = arith.mulf %get3A_92, %get3A_92 : vector<16xf32>
      %mul3A_98 = arith.mulf %get3A_94, %get3A_94 : vector<16xf32>
      %add3A_99 = arith.addf %mul3A_97, %mul3A_98 : vector<16xf32>
      %mul3A_100 = arith.mulf %get3A_96, %get3A_96 : vector<16xf32>
      %add3A_101 = arith.addf %add3A_99, %mul3A_100 : vector<16xf32>
      %swap3A = arith.index_cast %mul3A_90 : i32 to index
      %swap3A_102 = tpu.vector_load %arg10[%swap3A] {strides = array<i32>} : memref<256xf32, #tpu.memory_space<vmem>>, vector<16xf32>,
      tpu.vector_store %arg10[%swap3A], %add3A_101 {strides = array<i32>} : memref<256xf32, #tpu.memory_space<vmem>>, vector<16xf32>,
    }
    %scan3A_72 = arith.constant 16 : i32
    %scan3A_73 = arith.constant 0 : i32
    %scan3A_74 = arith.constant 0 : i32
    %scan3A_75 = arith.constant 64 : i32
    %scan3A_76 = arith.addi %scan3A_74, %scan3A_75 : i32
    %scan3A_77 = arith.constant 1 : i32
    scf.for %scan3A_88 = %scan3A_74 to %scan3A_76 step %scan3A_77  : i32 {
      %mul3A_89 = arith.constant 64 : i32
      %mul3A_90 = arith.muli %select_n3A_31, %mul3A_89 : i32
      %add3A_91 = arith.addi %mul3A_90, %scan3A_88 : i32
      %broadcast_in_dim3A = vector.broadcast %add3A_91 : i32 to vector<16xi32>
      %gather3A = tpu.vector_load_idx %arg11[%broadcast_in_dim3A] : memref<128xf32, #tpu.memory_space<vmem>>[vector<16xi32>], vector<16xf32>,
      %gather3A_92 = tpu.vector_load_idx %arg12[%broadcast_in_dim3A] : memref<128xf32, #tpu.memory_space<vmem>>[vector<16xi32>], vector<16xf32>,
      %gather3A_93 = tpu.vector_load_idx %arg13[%broadcast_in_dim3A] : memref<128xf32, #tpu.memory_space<vmem>>[vector<16xi32>], vector<16xf32>,
      %mul3A_94 = arith.mulf %gather3A, %gather3A : vector<16xf32>
      %mul3A_95 = arith.mulf %gather3A_92, %gather3A_92 : vector<16xf32>
      %add3A_96 = arith.addf %mul3A_94, %mul3A_95 : vector<16xf32>
      %mul3A_97 = arith.mulf %gather3A_93, %gather3A_93 : vector<16xf32>
      %add3A_98 = arith.addf %add3A_96, %mul3A_97 : vector<16xf32>
      %iota3A_99 = tpu.iota {dimensions = array<i32: 0>} : vector<16xi32>
      %scan3A_100 = arith.constant 0 : i32
      %scan3A_101 = arith.constant 0 : i32
      %scan3A_102 = arith.constant 16 : i32
      %scan3A_103 = arith.addi %scan3A_101, %scan3A_102 : i32
      %scan3A_104 = arith.constant 1 : i32
      %scan3A_105 = scf.for %scan3A_1179 = %scan3A_101 to %scan3A_103 step %scan3A_104 iter_args(%scan3A_1180 = %scan3A_100) -> (i32)  : i32 {
        %mul3A_1181 = arith.constant 16 : i32
        %mul3A_1182 = arith.muli %scan3A_1179, %mul3A_1181 : i32
        %get3A_1183 = arith.index_cast %mul3A_1182 : i32 to index
        %get3A_1184 = tpu.vector_load %arg7[%get3A_1183] {strides = array<i32>} : memref<256xf32, #tpu.memory_space<vmem>>, vector<16xf32>,
        %get3A_1185 = arith.index_cast %mul3A_1182 : i32 to index
        %get3A_1186 = tpu.vector_load %arg8[%get3A_1185] {strides = array<i32>} : memref<256xf32, #tpu.memory_space<vmem>>, vector<16xf32>,
        %get3A_1187 = arith.index_cast %mul3A_1182 : i32 to index
        %get3A_1188 = tpu.vector_load %arg9[%get3A_1187] {strides = array<i32>} : memref<256xf32, #tpu.memory_space<vmem>>, vector<16xf32>,
        %get3A_1189 = arith.index_cast %mul3A_1182 : i32 to index
        %get3A_1190 = tpu.vector_load %arg10[%get3A_1189] {strides = array<i32>} : memref<256xf32, #tpu.memory_space<vmem>>, vector<16xf32>,
        %mul3A_1191 = arith.mulf %get3A_1184, %gather3A : vector<16xf32>
        %mul3A_1192 = arith.mulf %get3A_1186, %gather3A_92 : vector<16xf32>
        %add3A_1193 = arith.addf %mul3A_1191, %mul3A_1192 : vector<16xf32>
        %mul3A_1194 = arith.mulf %get3A_1188, %gather3A_93 : vector<16xf32>
        %add3A_1195 = arith.addf %add3A_1193, %mul3A_1194 : vector<16xf32>
        %mul3A_1196 = arith.constant -2.000000e+00 : f32
        %mul3A_1197 = vector.broadcast %mul3A_1196 : f32 to vector<16xf32>
        %mul3A_1198 = arith.mulf %mul3A_1197, %add3A_1195 : vector<16xf32>
        %add3A_1199 = arith.addf %mul3A_1198, %get3A_1190 : vector<16xf32>
        %add3A_1200 = arith.addf %add3A_1199, %add3A_98 : vector<16xf32>
        %le3A = vector.broadcast %squeeze3A : f32 to vector<16xf32>
        %le3A_1201 = arith.cmpf ole, %add3A_1200, %le3A : vector<16xf32>
        %jit3A_1202 = arith.constant 1 : i32
        %jit3A_1203 = arith.constant 0 : i32
        %broadcast_in_dim3A_1204 = vector.broadcast %jit3A_1202 : i32 to vector<16xi32>
        %broadcast_in_dim3A_1205 = vector.broadcast %jit3A_1203 : i32 to vector<16xi32>
        %select_n3A_1206 = arith.select %le3A_1201, %broadcast_in_dim3A_1204, %broadcast_in_dim3A_1205 : vector<16xi1>, vector<16xi32>
        %broadcast_in_dim3A_1207 = arith.constant true
        %broadcast_in_dim3A_1208 = vector.broadcast %broadcast_in_dim3A_1207 : i1 to vector<16xi1>
        %masked_cumsum3A = tpu.scan <sum>, %select_n3A_1206 masked %broadcast_in_dim3A_1208 : vector<16xi32>, vector<16xi1> -> vector<16xi32>
        %add3A_1209 = vector.broadcast %scan3A_1180 : i32 to vector<16xi32>
        %add3A_1210 = arith.addi %add3A_1209, %masked_cumsum3A : vector<16xi32>
        %sub3A_1211 = arith.constant 1 : i32
        %sub3A_1212 = vector.broadcast %sub3A_1211 : i32 to vector<16xi32>
        %sub3A_1213 = arith.subi %add3A_1210, %sub3A_1212 : vector<16xi32>
        %lt3A_1214 = arith.constant 112 : i32
        %lt3A_1215 = vector.broadcast %lt3A_1214 : i32 to vector<16xi32>
        %lt3A_1216 = arith.cmpi slt, %sub3A_1213, %lt3A_1215 : vector<16xi32>
        %and3A_1217 = arith.andi %le3A_1201, %lt3A_1216 : vector<16xi1>
        %sub3A_1218 = arith.subf %get3A_1184, %gather3A : vector<16xf32>
        tpu.vector_store_idx %arg14[%sub3A_1213], %sub3A_1218 masked %and3A_1217 : memref<128xf32, #tpu.memory_space<vmem>>[vector<16xi32>], vector<16xf32>, vector<16xi1>
        %sub3A_1219 = arith.subf %get3A_1186, %gather3A_92 : vector<16xf32>
        tpu.vector_store_idx %arg15[%sub3A_1213], %sub3A_1219 masked %and3A_1217 : memref<128xf32, #tpu.memory_space<vmem>>[vector<16xi32>], vector<16xf32>, vector<16xi1>
        %sub3A_1220 = arith.subf %get3A_1188, %gather3A_93 : vector<16xf32>
        tpu.vector_store_idx %arg16[%sub3A_1213], %sub3A_1220 masked %and3A_1217 : memref<128xf32, #tpu.memory_space<vmem>>[vector<16xi32>], vector<16xf32>, vector<16xi1>
        %add3A_1221 = arith.constant 0 : i32
        %add3A_1222 = arith.addi %add3A_1221, %mul3A_1182 : i32
        %get3A_1223 = arith.index_cast %add3A_1222 : i32 to index
        %get3A_1224 = tpu.vector_load %arg17[%get3A_1223] {strides = array<i32>} : memref<4096xf32, #tpu.memory_space<vmem>>, vector<16xf32>,
        %add3A_1225 = arith.constant 0 : i32
        %add3A_1226 = vector.broadcast %add3A_1225 : i32 to vector<16xi32>
        %add3A_1227 = arith.addi %sub3A_1213, %add3A_1226 : vector<16xi32>
        tpu.vector_store_idx %arg18[%add3A_1227], %get3A_1224 masked %and3A_1217 : memref<2048xf32, #tpu.memory_space<vmem>>[vector<16xi32>], vector<16xf32>, vector<16xi1>
        %add3A_1228 = arith.constant 256 : i32
        %add3A_1229 = arith.addi %add3A_1228, %mul3A_1182 : i32
        %get3A_1230 = arith.index_cast %add3A_1229 : i32 to index
        %get3A_1231 = tpu.vector_load %arg17[%get3A_1230] {strides = array<i32>} : memref<4096xf32, #tpu.memory_space<vmem>>, vector<16xf32>,
        %add3A_1232 = arith.constant 128 : i32
        %add3A_1233 = vector.broadcast %add3A_1232 : i32 to vector<16xi32>
        %add3A_1234 = arith.addi %sub3A_1213, %add3A_1233 : vector<16xi32>
        tpu.vector_store_idx %arg18[%add3A_1234], %get3A_1231 masked %and3A_1217 : memref<2048xf32, #tpu.memory_space<vmem>>[vector<16xi32>], vector<16xf32>, vector<16xi1>
        %add3A_1235 = arith.constant 512 : i32
        %add3A_1236 = arith.addi %add3A_1235, %mul3A_1182 : i32
        %get3A_1237 = arith.index_cast %add3A_1236 : i32 to index
        %get3A_1238 = tpu.vector_load %arg17[%get3A_1237] {strides = array<i32>} : memref<4096xf32, #tpu.memory_space<vmem>>, vector<16xf32>,
        %add3A_1239 = arith.constant 256 : i32
        %add3A_1240 = vector.broadcast %add3A_1239 : i32 to vector<16xi32>
        %add3A_1241 = arith.addi %sub3A_1213, %add3A_1240 : vector<16xi32>
        tpu.vector_store_idx %arg18[%add3A_1241], %get3A_1238 masked %and3A_1217 : memref<2048xf32, #tpu.memory_space<vmem>>[vector<16xi32>], vector<16xf32>, vector<16xi1>
        %add3A_1242 = arith.constant 768 : i32
        %add3A_1243 = arith.addi %add3A_1242, %mul3A_1182 : i32
        %get3A_1244 = arith.index_cast %add3A_1243 : i32 to index
        %get3A_1245 = tpu.vector_load %arg17[%get3A_1244] {strides = array<i32>} : memref<4096xf32, #tpu.memory_space<vmem>>, vector<16xf32>,
        %add3A_1246 = arith.constant 384 : i32
        %add3A_1247 = vector.broadcast %add3A_1246 : i32 to vector<16xi32>
        %add3A_1248 = arith.addi %sub3A_1213, %add3A_1247 : vector<16xi32>
        tpu.vector_store_idx %arg18[%add3A_1248], %get3A_1245 masked %and3A_1217 : memref<2048xf32, #tpu.memory_space<vmem>>[vector<16xi32>], vector<16xf32>, vector<16xi1>
        %add3A_1249 = arith.constant 1024 : i32
        %add3A_1250 = arith.addi %add3A_1249, %mul3A_1182 : i32
        %get3A_1251 = arith.index_cast %add3A_1250 : i32 to index
        %get3A_1252 = tpu.vector_load %arg17[%get3A_1251] {strides = array<i32>} : memref<4096xf32, #tpu.memory_space<vmem>>, vector<16xf32>,
        %add3A_1253 = arith.constant 512 : i32
        %add3A_1254 = vector.broadcast %add3A_1253 : i32 to vector<16xi32>
        %add3A_1255 = arith.addi %sub3A_1213, %add3A_1254 : vector<16xi32>
        tpu.vector_store_idx %arg18[%add3A_1255], %get3A_1252 masked %and3A_1217 : memref<2048xf32, #tpu.memory_space<vmem>>[vector<16xi32>], vector<16xf32>, vector<16xi1>
        %add3A_1256 = arith.constant 1280 : i32
        %add3A_1257 = arith.addi %add3A_1256, %mul3A_1182 : i32
        %get3A_1258 = arith.index_cast %add3A_1257 : i32 to index
        %get3A_1259 = tpu.vector_load %arg17[%get3A_1258] {strides = array<i32>} : memref<4096xf32, #tpu.memory_space<vmem>>, vector<16xf32>,
        %add3A_1260 = arith.constant 640 : i32
        %add3A_1261 = vector.broadcast %add3A_1260 : i32 to vector<16xi32>
        %add3A_1262 = arith.addi %sub3A_1213, %add3A_1261 : vector<16xi32>
        tpu.vector_store_idx %arg18[%add3A_1262], %get3A_1259 masked %and3A_1217 : memref<2048xf32, #tpu.memory_space<vmem>>[vector<16xi32>], vector<16xf32>, vector<16xi1>
        %add3A_1263 = arith.constant 1536 : i32
        %add3A_1264 = arith.addi %add3A_1263, %mul3A_1182 : i32
        %get3A_1265 = arith.index_cast %add3A_1264 : i32 to index
        %get3A_1266 = tpu.vector_load %arg17[%get3A_1265] {strides = array<i32>} : memref<4096xf32, #tpu.memory_space<vmem>>, vector<16xf32>,
        %add3A_1267 = arith.constant 768 : i32
        %add3A_1268 = vector.broadcast %add3A_1267 : i32 to vector<16xi32>
        %add3A_1269 = arith.addi %sub3A_1213, %add3A_1268 : vector<16xi32>
        tpu.vector_store_idx %arg18[%add3A_1269], %get3A_1266 masked %and3A_1217 : memref<2048xf32, #tpu.memory_space<vmem>>[vector<16xi32>], vector<16xf32>, vector<16xi1>
        %add3A_1270 = arith.constant 1792 : i32
        %add3A_1271 = arith.addi %add3A_1270, %mul3A_1182 : i32
        %get3A_1272 = arith.index_cast %add3A_1271 : i32 to index
        %get3A_1273 = tpu.vector_load %arg17[%get3A_1272] {strides = array<i32>} : memref<4096xf32, #tpu.memory_space<vmem>>, vector<16xf32>,
        %add3A_1274 = arith.constant 896 : i32
        %add3A_1275 = vector.broadcast %add3A_1274 : i32 to vector<16xi32>
        %add3A_1276 = arith.addi %sub3A_1213, %add3A_1275 : vector<16xi32>
        tpu.vector_store_idx %arg18[%add3A_1276], %get3A_1273 masked %and3A_1217 : memref<2048xf32, #tpu.memory_space<vmem>>[vector<16xi32>], vector<16xf32>, vector<16xi1>
        %add3A_1277 = arith.constant 2048 : i32
        %add3A_1278 = arith.addi %add3A_1277, %mul3A_1182 : i32
        %get3A_1279 = arith.index_cast %add3A_1278 : i32 to index
        %get3A_1280 = tpu.vector_load %arg17[%get3A_1279] {strides = array<i32>} : memref<4096xf32, #tpu.memory_space<vmem>>, vector<16xf32>,
        %add3A_1281 = arith.constant 1024 : i32
        %add3A_1282 = vector.broadcast %add3A_1281 : i32 to vector<16xi32>
        %add3A_1283 = arith.addi %sub3A_1213, %add3A_1282 : vector<16xi32>
        tpu.vector_store_idx %arg18[%add3A_1283], %get3A_1280 masked %and3A_1217 : memref<2048xf32, #tpu.memory_space<vmem>>[vector<16xi32>], vector<16xf32>, vector<16xi1>
        %add3A_1284 = arith.constant 2304 : i32
        %add3A_1285 = arith.addi %add3A_1284, %mul3A_1182 : i32
        %get3A_1286 = arith.index_cast %add3A_1285 : i32 to index
        %get3A_1287 = tpu.vector_load %arg17[%get3A_1286] {strides = array<i32>} : memref<4096xf32, #tpu.memory_space<vmem>>, vector<16xf32>,
        %add3A_1288 = arith.constant 1152 : i32
        %add3A_1289 = vector.broadcast %add3A_1288 : i32 to vector<16xi32>
        %add3A_1290 = arith.addi %sub3A_1213, %add3A_1289 : vector<16xi32>
        tpu.vector_store_idx %arg18[%add3A_1290], %get3A_1287 masked %and3A_1217 : memref<2048xf32, #tpu.memory_space<vmem>>[vector<16xi32>], vector<16xf32>, vector<16xi1>
        %add3A_1291 = arith.constant 2560 : i32
        %add3A_1292 = arith.addi %add3A_1291, %mul3A_1182 : i32
        %get3A_1293 = arith.index_cast %add3A_1292 : i32 to index
        %get3A_1294 = tpu.vector_load %arg17[%get3A_1293] {strides = array<i32>} : memref<4096xf32, #tpu.memory_space<vmem>>, vector<16xf32>,
        %add3A_1295 = arith.constant 1280 : i32
        %add3A_1296 = vector.broadcast %add3A_1295 : i32 to vector<16xi32>
        %add3A_1297 = arith.addi %sub3A_1213, %add3A_1296 : vector<16xi32>
        tpu.vector_store_idx %arg18[%add3A_1297], %get3A_1294 masked %and3A_1217 : memref<2048xf32, #tpu.memory_space<vmem>>[vector<16xi32>], vector<16xf32>, vector<16xi1>
        %add3A_1298 = arith.constant 2816 : i32
        %add3A_1299 = arith.addi %add3A_1298, %mul3A_1182 : i32
        %get3A_1300 = arith.index_cast %add3A_1299 : i32 to index
        %get3A_1301 = tpu.vector_load %arg17[%get3A_1300] {strides = array<i32>} : memref<4096xf32, #tpu.memory_space<vmem>>, vector<16xf32>,
        %add3A_1302 = arith.constant 1408 : i32
        %add3A_1303 = vector.broadcast %add3A_1302 : i32 to vector<16xi32>
        %add3A_1304 = arith.addi %sub3A_1213, %add3A_1303 : vector<16xi32>
        tpu.vector_store_idx %arg18[%add3A_1304], %get3A_1301 masked %and3A_1217 : memref<2048xf32, #tpu.memory_space<vmem>>[vector<16xi32>], vector<16xf32>, vector<16xi1>
        %add3A_1305 = arith.constant 3072 : i32
        %add3A_1306 = arith.addi %add3A_1305, %mul3A_1182 : i32
        %get3A_1307 = arith.index_cast %add3A_1306 : i32 to index
        %get3A_1308 = tpu.vector_load %arg17[%get3A_1307] {strides = array<i32>} : memref<4096xf32, #tpu.memory_space<vmem>>, vector<16xf32>,
        %add3A_1309 = arith.constant 1536 : i32
        %add3A_1310 = vector.broadcast %add3A_1309 : i32 to vector<16xi32>
        %add3A_1311 = arith.addi %sub3A_1213, %add3A_1310 : vector<16xi32>
        tpu.vector_store_idx %arg18[%add3A_1311], %get3A_1308 masked %and3A_1217 : memref<2048xf32, #tpu.memory_space<vmem>>[vector<16xi32>], vector<16xf32>, vector<16xi1>
        %add3A_1312 = arith.constant 3328 : i32
        %add3A_1313 = arith.addi %add3A_1312, %mul3A_1182 : i32
        %get3A_1314 = arith.index_cast %add3A_1313 : i32 to index
        %get3A_1315 = tpu.vector_load %arg17[%get3A_1314] {strides = array<i32>} : memref<4096xf32, #tpu.memory_space<vmem>>, vector<16xf32>,
        %add3A_1316 = arith.constant 1664 : i32
        %add3A_1317 = vector.broadcast %add3A_1316 : i32 to vector<16xi32>
        %add3A_1318 = arith.addi %sub3A_1213, %add3A_1317 : vector<16xi32>
        tpu.vector_store_idx %arg18[%add3A_1318], %get3A_1315 masked %and3A_1217 : memref<2048xf32, #tpu.memory_space<vmem>>[vector<16xi32>], vector<16xf32>, vector<16xi1>
        %add3A_1319 = arith.constant 3584 : i32
        %add3A_1320 = arith.addi %add3A_1319, %mul3A_1182 : i32
        %get3A_1321 = arith.index_cast %add3A_1320 : i32 to index
        %get3A_1322 = tpu.vector_load %arg17[%get3A_1321] {strides = array<i32>} : memref<4096xf32, #tpu.memory_space<vmem>>, vector<16xf32>,
        %add3A_1323 = arith.constant 1792 : i32
        %add3A_1324 = vector.broadcast %add3A_1323 : i32 to vector<16xi32>
        %add3A_1325 = arith.addi %sub3A_1213, %add3A_1324 : vector<16xi32>
        tpu.vector_store_idx %arg18[%add3A_1325], %get3A_1322 masked %and3A_1217 : memref<2048xf32, #tpu.memory_space<vmem>>[vector<16xi32>], vector<16xf32>, vector<16xi1>
        %add3A_1326 = arith.constant 3840 : i32
        %add3A_1327 = arith.addi %add3A_1326, %mul3A_1182 : i32
        %get3A_1328 = arith.index_cast %add3A_1327 : i32 to index
        %get3A_1329 = tpu.vector_load %arg17[%get3A_1328] {strides = array<i32>} : memref<4096xf32, #tpu.memory_space<vmem>>, vector<16xf32>,
        %add3A_1330 = arith.constant 1920 : i32
        %add3A_1331 = vector.broadcast %add3A_1330 : i32 to vector<16xi32>
        %add3A_1332 = arith.addi %sub3A_1213, %add3A_1331 : vector<16xi32>
        tpu.vector_store_idx %arg18[%add3A_1332], %get3A_1329 masked %and3A_1217 : memref<2048xf32, #tpu.memory_space<vmem>>[vector<16xi32>], vector<16xf32>, vector<16xi1>
        %reduce_sum3A = arith.constant true
        %reduce_sum3A_1333 = vector.broadcast %reduce_sum3A : i1 to vector<16xi1>
        %reduce_sum3A_1334 = tpu.scan <sum>, %select_n3A_1206 masked %reduce_sum3A_1333 : vector<16xi32>, vector<16xi1> -> vector<16xi32>
        %reduce_sum3A_1335 = vector.extract %reduce_sum3A_1334[15] : i32 from vector<16xi32>
        %add3A_1336 = arith.addi %scan3A_1180, %reduce_sum3A_1335 : i32
        scf.yield %add3A_1336 : i32
      }
      %scan3A_106 = arith.constant 16 : i32
      %mul3A_107 = arith.constant 19 : i32
      %mul3A_108 = arith.muli %scan3A_88, %mul3A_107 : i32
      %mul3A_109 = arith.constant 64 : i32
      %mul3A_110 = arith.muli %mul3A_108, %mul3A_109 : i32
      %broadcast_in_dim3A_111 = arith.constant 0 : i32
      %broadcast_in_dim3A_112 = vector.broadcast %broadcast_in_dim3A_111 : i32 to vector<16xi32>
      %gather3A_113 = tpu.vector_load_idx %arg14[%broadcast_in_dim3A_112] : memref<128xf32, #tpu.memory_space<vmem>>[vector<16xi32>], vector<16xf32>,
      %gather3A_114 = tpu.vector_load_idx %arg15[%broadcast_in_dim3A_112] : memref<128xf32, #tpu.memory_space<vmem>>[vector<16xi32>], vector<16xf32>,
      %gather3A_115 = tpu.vector_load_idx %arg16[%broadcast_in_dim3A_112] : memref<128xf32, #tpu.memory_space<vmem>>[vector<16xi32>], vector<16xf32>,
      %add3A_116 = arith.constant 0 : i32
      %add3A_117 = vector.broadcast %add3A_116 : i32 to vector<16xi32>
      %add3A_118 = arith.addi %iota3A_99, %add3A_117 : vector<16xi32>
      %lt3A_119 = vector.broadcast %scan3A_105 : i32 to vector<16xi32>
      %lt3A_120 = arith.cmpi slt, %add3A_118, %lt3A_119 : vector<16xi32>
      %get3A_121 = arith.constant 0 : index
      %get3A_122 = tpu.vector_load %arg14[%get3A_121] {strides = array<i32>} : memref<128xf32, #tpu.memory_space<vmem>>, vector<16xf32>,
      %select_n3A_123 = arith.select %lt3A_120, %get3A_122, %gather3A_113 : vector<16xi1>, vector<16xf32>
      %get3A_124 = arith.constant 0 : index
      %get3A_125 = tpu.vector_load %arg15[%get3A_124] {strides = array<i32>} : memref<128xf32, #tpu.memory_space<vmem>>, vector<16xf32>,
      %select_n3A_126 = arith.select %lt3A_120, %get3A_125, %gather3A_114 : vector<16xi1>, vector<16xf32>
      %get3A_127 = arith.constant 0 : index
      %get3A_128 = tpu.vector_load %arg16[%get3A_127] {strides = array<i32>} : memref<128xf32, #tpu.memory_space<vmem>>, vector<16xf32>,
      %select_n3A_129 = arith.select %lt3A_120, %get3A_128, %gather3A_115 : vector<16xi1>, vector<16xf32>
      %add3A_130 = arith.constant 0 : i32
      %add3A_131 = arith.addi %mul3A_110, %add3A_130 : i32
      %swap3A = arith.index_cast %add3A_131 : i32 to index
      %swap3A_132 = tpu.vector_load %arg19[%swap3A] {strides = array<i32>} : memref<77824xf32, #tpu.memory_space<vmem>>, vector<16xf32>,
      tpu.vector_store %arg19[%swap3A], %select_n3A_123 {strides = array<i32>} : memref<77824xf32, #tpu.memory_space<vmem>>, vector<16xf32>,
      %add3A_133 = arith.constant 64 : i32
      %add3A_134 = arith.addi %mul3A_110, %add3A_133 : i32
      %add3A_135 = arith.constant 0 : i32
      %add3A_136 = arith.addi %add3A_134, %add3A_135 : i32
      %swap3A_137 = arith.index_cast %add3A_136 : i32 to index
      %swap3A_138 = tpu.vector_load %arg19[%swap3A_137] {strides = array<i32>} : memref<77824xf32, #tpu.memory_space<vmem>>, vector<16xf32>,
      tpu.vector_store %arg19[%swap3A_137], %select_n3A_126 {strides = array<i32>} : memref<77824xf32, #tpu.memory_space<vmem>>, vector<16xf32>,
      %add3A_139 = arith.constant 128 : i32
      %add3A_140 = arith.addi %mul3A_110, %add3A_139 : i32
      %add3A_141 = arith.constant 0 : i32
      %add3A_142 = arith.addi %add3A_140, %add3A_141 : i32
      %swap3A_143 = arith.index_cast %add3A_142 : i32 to index
      %swap3A_144 = tpu.vector_load %arg19[%swap3A_143] {strides = array<i32>} : memref<77824xf32, #tpu.memory_space<vmem>>, vector<16xf32>,
      tpu.vector_store %arg19[%swap3A_143], %select_n3A_129 {strides = array<i32>} : memref<77824xf32, #tpu.memory_space<vmem>>, vector<16xf32>,
      %add3A_145 = arith.constant 16 : i32
      %add3A_146 = vector.broadcast %add3A_145 : i32 to vector<16xi32>
      %add3A_147 = arith.addi %iota3A_99, %add3A_146 : vector<16xi32>
      %lt3A_148 = vector.broadcast %scan3A_105 : i32 to vector<16xi32>
      %lt3A_149 = arith.cmpi slt, %add3A_147, %lt3A_148 : vector<16xi32>
      %get3A_150 = arith.constant 16 : index
      %get3A_151 = tpu.vector_load %arg14[%get3A_150] {strides = array<i32>} : memref<128xf32, #tpu.memory_space<vmem>>, vector<16xf32>,
      %select_n3A_152 = arith.select %lt3A_149, %get3A_151, %gather3A_113 : vector<16xi1>, vector<16xf32>
      %get3A_153 = arith.constant 16 : index
      %get3A_154 = tpu.vector_load %arg15[%get3A_153] {strides = array<i32>} : memref<128xf32, #tpu.memory_space<vmem>>, vector<16xf32>,
      %select_n3A_155 = arith.select %lt3A_149, %get3A_154, %gather3A_114 : vector<16xi1>, vector<16xf32>
      %get3A_156 = arith.constant 16 : index
      %get3A_157 = tpu.vector_load %arg16[%get3A_156] {strides = array<i32>} : memref<128xf32, #tpu.memory_space<vmem>>, vector<16xf32>,
      %select_n3A_158 = arith.select %lt3A_149, %get3A_157, %gather3A_115 : vector<16xi1>, vector<16xf32>
      %add3A_159 = arith.constant 16 : i32
      %add3A_160 = arith.addi %mul3A_110, %add3A_159 : i32
      %swap3A_161 = arith.index_cast %add3A_160 : i32 to index
      %swap3A_162 = tpu.vector_load %arg19[%swap3A_161] {strides = array<i32>} : memref<77824xf32, #tpu.memory_space<vmem>>, vector<16xf32>,
      tpu.vector_store %arg19[%swap3A_161], %select_n3A_152 {strides = array<i32>} : memref<77824xf32, #tpu.memory_space<vmem>>, vector<16xf32>,
      %add3A_163 = arith.constant 64 : i32
      %add3A_164 = arith.addi %mul3A_110, %add3A_163 : i32
      %add3A_165 = arith.constant 16 : i32
      %add3A_166 = arith.addi %add3A_164, %add3A_165 : i32
      %swap3A_167 = arith.index_cast %add3A_166 : i32 to index
      %swap3A_168 = tpu.vector_load %arg19[%swap3A_167] {strides = array<i32>} : memref<77824xf32, #tpu.memory_space<vmem>>, vector<16xf32>,
      tpu.vector_store %arg19[%swap3A_167], %select_n3A_155 {strides = array<i32>} : memref<77824xf32, #tpu.memory_space<vmem>>, vector<16xf32>,
      %add3A_169 = arith.constant 128 : i32
      %add3A_170 = arith.addi %mul3A_110, %add3A_169 : i32
      %add3A_171 = arith.constant 16 : i32
      %add3A_172 = arith.addi %add3A_170, %add3A_171 : i32
      %swap3A_173 = arith.index_cast %add3A_172 : i32 to index
      %swap3A_174 = tpu.vector_load %arg19[%swap3A_173] {strides = array<i32>} : memref<77824xf32, #tpu.memory_space<vmem>>, vector<16xf32>,
      tpu.vector_store %arg19[%swap3A_173], %select_n3A_158 {strides = array<i32>} : memref<77824xf32, #tpu.memory_space<vmem>>, vector<16xf32>,
      %add3A_175 = arith.constant 32 : i32
      %add3A_176 = vector.broadcast %add3A_175 : i32 to vector<16xi32>
      %add3A_177 = arith.addi %iota3A_99, %add3A_176 : vector<16xi32>
      %lt3A_178 = vector.broadcast %scan3A_105 : i32 to vector<16xi32>
      %lt3A_179 = arith.cmpi slt, %add3A_177, %lt3A_178 : vector<16xi32>
      %get3A_180 = arith.constant 32 : index
      %get3A_181 = tpu.vector_load %arg14[%get3A_180] {strides = array<i32>} : memref<128xf32, #tpu.memory_space<vmem>>, vector<16xf32>,
      %select_n3A_182 = arith.select %lt3A_179, %get3A_181, %gather3A_113 : vector<16xi1>, vector<16xf32>
      %get3A_183 = arith.constant 32 : index
      %get3A_184 = tpu.vector_load %arg15[%get3A_183] {strides = array<i32>} : memref<128xf32, #tpu.memory_space<vmem>>, vector<16xf32>,
      %select_n3A_185 = arith.select %lt3A_179, %get3A_184, %gather3A_114 : vector<16xi1>, vector<16xf32>
      %get3A_186 = arith.constant 32 : index
      %get3A_187 = tpu.vector_load %arg16[%get3A_186] {strides = array<i32>} : memref<128xf32, #tpu.memory_space<vmem>>, vector<16xf32>,
      %select_n3A_188 = arith.select %lt3A_179, %get3A_187, %gather3A_115 : vector<16xi1>, vector<16xf32>
      %add3A_189 = arith.constant 32 : i32
      %add3A_190 = arith.addi %mul3A_110, %add3A_189 : i32
      %swap3A_191 = arith.index_cast %add3A_190 : i32 to index
      %swap3A_192 = tpu.vector_load %arg19[%swap3A_191] {strides = array<i32>} : memref<77824xf32, #tpu.memory_space<vmem>>, vector<16xf32>,
      tpu.vector_store %arg19[%swap3A_191], %select_n3A_182 {strides = array<i32>} : memref<77824xf32, #tpu.memory_space<vmem>>, vector<16xf32>,
      %add3A_193 = arith.constant 64 : i32
      %add3A_194 = arith.addi %mul3A_110, %add3A_193 : i32
      %add3A_195 = arith.constant 32 : i32
      %add3A_196 = arith.addi %add3A_194, %add3A_195 : i32
      %swap3A_197 = arith.index_cast %add3A_196 : i32 to index
      %swap3A_198 = tpu.vector_load %arg19[%swap3A_197] {strides = array<i32>} : memref<77824xf32, #tpu.memory_space<vmem>>, vector<16xf32>,
      tpu.vector_store %arg19[%swap3A_197], %select_n3A_185 {strides = array<i32>} : memref<77824xf32, #tpu.memory_space<vmem>>, vector<16xf32>,
      %add3A_199 = arith.constant 128 : i32
      %add3A_200 = arith.addi %mul3A_110, %add3A_199 : i32
      %add3A_201 = arith.constant 32 : i32
      %add3A_202 = arith.addi %add3A_200, %add3A_201 : i32
      %swap3A_203 = arith.index_cast %add3A_202 : i32 to index
      %swap3A_204 = tpu.vector_load %arg19[%swap3A_203] {strides = array<i32>} : memref<77824xf32, #tpu.memory_space<vmem>>, vector<16xf32>,
      tpu.vector_store %arg19[%swap3A_203], %select_n3A_188 {strides = array<i32>} : memref<77824xf32, #tpu.memory_space<vmem>>, vector<16xf32>,
      %add3A_205 = arith.constant 48 : i32
      %add3A_206 = vector.broadcast %add3A_205 : i32 to vector<16xi32>
      %add3A_207 = arith.addi %iota3A_99, %add3A_206 : vector<16xi32>
      %lt3A_208 = vector.broadcast %scan3A_105 : i32 to vector<16xi32>
      %lt3A_209 = arith.cmpi slt, %add3A_207, %lt3A_208 : vector<16xi32>
      %get3A_210 = arith.constant 48 : index
      %get3A_211 = tpu.vector_load %arg14[%get3A_210] {strides = array<i32>} : memref<128xf32, #tpu.memory_space<vmem>>, vector<16xf32>,
      %select_n3A_212 = arith.select %lt3A_209, %get3A_211, %gather3A_113 : vector<16xi1>, vector<16xf32>
      %get3A_213 = arith.constant 48 : index
      %get3A_214 = tpu.vector_load %arg15[%get3A_213] {strides = array<i32>} : memref<128xf32, #tpu.memory_space<vmem>>, vector<16xf32>,
      %select_n3A_215 = arith.select %lt3A_209, %get3A_214, %gather3A_114 : vector<16xi1>, vector<16xf32>
      %get3A_216 = arith.constant 48 : index
      %get3A_217 = tpu.vector_load %arg16[%get3A_216] {strides = array<i32>} : memref<128xf32, #tpu.memory_space<vmem>>, vector<16xf32>,
      %select_n3A_218 = arith.select %lt3A_209, %get3A_217, %gather3A_115 : vector<16xi1>, vector<16xf32>
      %add3A_219 = arith.constant 48 : i32
      %add3A_220 = arith.addi %mul3A_110, %add3A_219 : i32
      %swap3A_221 = arith.index_cast %add3A_220 : i32 to index
      %swap3A_222 = tpu.vector_load %arg19[%swap3A_221] {strides = array<i32>} : memref<77824xf32, #tpu.memory_space<vmem>>, vector<16xf32>,
      tpu.vector_store %arg19[%swap3A_221], %select_n3A_212 {strides = array<i32>} : memref<77824xf32, #tpu.memory_space<vmem>>, vector<16xf32>,
      %add3A_223 = arith.constant 64 : i32
      %add3A_224 = arith.addi %mul3A_110, %add3A_223 : i32
      %add3A_225 = arith.constant 48 : i32
      %add3A_226 = arith.addi %add3A_224, %add3A_225 : i32
      %swap3A_227 = arith.index_cast %add3A_226 : i32 to index
      %swap3A_228 = tpu.vector_load %arg19[%swap3A_227] {strides = array<i32>} : memref<77824xf32, #tpu.memory_space<vmem>>, vector<16xf32>,
      tpu.vector_store %arg19[%swap3A_227], %select_n3A_215 {strides = array<i32>} : memref<77824xf32, #tpu.memory_space<vmem>>, vector<16xf32>,
      %add3A_229 = arith.constant 128 : i32
      %add3A_230 = arith.addi %mul3A_110, %add3A_229 : i32
      %add3A_231 = arith.constant 48 : i32
      %add3A_232 = arith.addi %add3A_230, %add3A_231 : i32
      %swap3A_233 = arith.index_cast %add3A_232 : i32 to index
      %swap3A_234 = tpu.vector_load %arg19[%swap3A_233] {strides = array<i32>} : memref<77824xf32, #tpu.memory_space<vmem>>, vector<16xf32>,
      tpu.vector_store %arg19[%swap3A_233], %select_n3A_218 {strides = array<i32>} : memref<77824xf32, #tpu.memory_space<vmem>>, vector<16xf32>,
      %broadcast_in_dim3A_235 = arith.constant 0 : i32
      %broadcast_in_dim3A_236 = vector.broadcast %broadcast_in_dim3A_235 : i32 to vector<16xi32>
      %gather3A_237 = tpu.vector_load_idx %arg18[%broadcast_in_dim3A_236] : memref<2048xf32, #tpu.memory_space<vmem>>[vector<16xi32>], vector<16xf32>,
      %add3A_238 = arith.constant 0 : i32
      %add3A_239 = vector.broadcast %add3A_238 : i32 to vector<16xi32>
      %add3A_240 = arith.addi %iota3A_99, %add3A_239 : vector<16xi32>
      %lt3A_241 = vector.broadcast %scan3A_105 : i32 to vector<16xi32>
      %lt3A_242 = arith.cmpi slt, %add3A_240, %lt3A_241 : vector<16xi32>
      %get3A_243 = arith.constant 0 : index
      %get3A_244 = tpu.vector_load %arg18[%get3A_243] {strides = array<i32>} : memref<2048xf32, #tpu.memory_space<vmem>>, vector<16xf32>,
      %select_n3A_245 = arith.select %lt3A_242, %get3A_244, %gather3A_237 : vector<16xi1>, vector<16xf32>
      %add3A_246 = arith.constant 192 : i32
      %add3A_247 = arith.addi %mul3A_110, %add3A_246 : i32
      %add3A_248 = arith.constant 0 : i32
      %add3A_249 = arith.addi %add3A_247, %add3A_248 : i32
      %swap3A_250 = arith.index_cast %add3A_249 : i32 to index
      %swap3A_251 = tpu.vector_load %arg19[%swap3A_250] {strides = array<i32>} : memref<77824xf32, #tpu.memory_space<vmem>>, vector<16xf32>,
      tpu.vector_store %arg19[%swap3A_250], %select_n3A_245 {strides = array<i32>} : memref<77824xf32, #tpu.memory_space<vmem>>, vector<16xf32>,
      %add3A_252 = arith.constant 16 : i32
      %add3A_253 = vector.broadcast %add3A_252 : i32 to vector<16xi32>
      %add3A_254 = arith.addi %iota3A_99, %add3A_253 : vector<16xi32>
      %lt3A_255 = vector.broadcast %scan3A_105 : i32 to vector<16xi32>
      %lt3A_256 = arith.cmpi slt, %add3A_254, %lt3A_255 : vector<16xi32>
      %get3A_257 = arith.constant 16 : index
      %get3A_258 = tpu.vector_load %arg18[%get3A_257] {strides = array<i32>} : memref<2048xf32, #tpu.memory_space<vmem>>, vector<16xf32>,
      %select_n3A_259 = arith.select %lt3A_256, %get3A_258, %gather3A_237 : vector<16xi1>, vector<16xf32>
      %add3A_260 = arith.constant 192 : i32
      %add3A_261 = arith.addi %mul3A_110, %add3A_260 : i32
      %add3A_262 = arith.constant 16 : i32
      %add3A_263 = arith.addi %add3A_261, %add3A_262 : i32
      %swap3A_264 = arith.index_cast %add3A_263 : i32 to index
      %swap3A_265 = tpu.vector_load %arg19[%swap3A_264] {strides = array<i32>} : memref<77824xf32, #tpu.memory_space<vmem>>, vector<16xf32>,
      tpu.vector_store %arg19[%swap3A_264], %select_n3A_259 {strides = array<i32>} : memref<77824xf32, #tpu.memory_space<vmem>>, vector<16xf32>,
      %add3A_266 = arith.constant 32 : i32
      %add3A_267 = vector.broadcast %add3A_266 : i32 to vector<16xi32>
      %add3A_268 = arith.addi %iota3A_99, %add3A_267 : vector<16xi32>
      %lt3A_269 = vector.broadcast %scan3A_105 : i32 to vector<16xi32>
      %lt3A_270 = arith.cmpi slt, %add3A_268, %lt3A_269 : vector<16xi32>
      %get3A_271 = arith.constant 32 : index
      %get3A_272 = tpu.vector_load %arg18[%get3A_271] {strides = array<i32>} : memref<2048xf32, #tpu.memory_space<vmem>>, vector<16xf32>,
      %select_n3A_273 = arith.select %lt3A_270, %get3A_272, %gather3A_237 : vector<16xi1>, vector<16xf32>
      %add3A_274 = arith.constant 192 : i32
      %add3A_275 = arith.addi %mul3A_110, %add3A_274 : i32
      %add3A_276 = arith.constant 32 : i32
      %add3A_277 = arith.addi %add3A_275, %add3A_276 : i32
      %swap3A_278 = arith.index_cast %add3A_277 : i32 to index
      %swap3A_279 = tpu.vector_load %arg19[%swap3A_278] {strides = array<i32>} : memref<77824xf32, #tpu.memory_space<vmem>>, vector<16xf32>,
      tpu.vector_store %arg19[%swap3A_278], %select_n3A_273 {strides = array<i32>} : memref<77824xf32, #tpu.memory_space<vmem>>, vector<16xf32>,
      %add3A_280 = arith.constant 48 : i32
      %add3A_281 = vector.broadcast %add3A_280 : i32 to vector<16xi32>
      %add3A_282 = arith.addi %iota3A_99, %add3A_281 : vector<16xi32>
      %lt3A_283 = vector.broadcast %scan3A_105 : i32 to vector<16xi32>
      %lt3A_284 = arith.cmpi slt, %add3A_282, %lt3A_283 : vector<16xi32>
      %get3A_285 = arith.constant 48 : index
      %get3A_286 = tpu.vector_load %arg18[%get3A_285] {strides = array<i32>} : memref<2048xf32, #tpu.memory_space<vmem>>, vector<16xf32>,
      %select_n3A_287 = arith.select %lt3A_284, %get3A_286, %gather3A_237 : vector<16xi1>, vector<16xf32>
      %add3A_288 = arith.constant 192 : i32
      %add3A_289 = arith.addi %mul3A_110, %add3A_288 : i32
      %add3A_290 = arith.constant 48 : i32
      %add3A_291 = arith.addi %add3A_289, %add3A_290 : i32
      %swap3A_292 = arith.index_cast %add3A_291 : i32 to index
      %swap3A_293 = tpu.vector_load %arg19[%swap3A_292] {strides = array<i32>} : memref<77824xf32, #tpu.memory_space<vmem>>, vector<16xf32>,
      tpu.vector_store %arg19[%swap3A_292], %select_n3A_287 {strides = array<i32>} : memref<77824xf32, #tpu.memory_space<vmem>>, vector<16xf32>,
      %broadcast_in_dim3A_294 = arith.constant 128 : i32
      %broadcast_in_dim3A_295 = vector.broadcast %broadcast_in_dim3A_294 : i32 to vector<16xi32>
      %gather3A_296 = tpu.vector_load_idx %arg18[%broadcast_in_dim3A_295] : memref<2048xf32, #tpu.memory_space<vmem>>[vector<16xi32>], vector<16xf32>,
      %add3A_297 = arith.constant 0 : i32
      %add3A_298 = vector.broadcast %add3A_297 : i32 to vector<16xi32>
      %add3A_299 = arith.addi %iota3A_99, %add3A_298 : vector<16xi32>
      %lt3A_300 = vector.broadcast %scan3A_105 : i32 to vector<16xi32>
      %lt3A_301 = arith.cmpi slt, %add3A_299, %lt3A_300 : vector<16xi32>
      %get3A_302 = arith.constant 128 : index
      %get3A_303 = tpu.vector_load %arg18[%get3A_302] {strides = array<i32>} : memref<2048xf32, #tpu.memory_space<vmem>>, vector<16xf32>,
      %select_n3A_304 = arith.select %lt3A_301, %get3A_303, %gather3A_296 : vector<16xi1>, vector<16xf32>
      %add3A_305 = arith.constant 256 : i32
      %add3A_306 = arith.addi %mul3A_110, %add3A_305 : i32
      %add3A_307 = arith.constant 0 : i32
      %add3A_308 = arith.addi %add3A_306, %add3A_307 : i32
      %swap3A_309 = arith.index_cast %add3A_308 : i32 to index
      %swap3A_310 = tpu.vector_load %arg19[%swap3A_309] {strides = array<i32>} : memref<77824xf32, #tpu.memory_space<vmem>>, vector<16xf32>,
      tpu.vector_store %arg19[%swap3A_309], %select_n3A_304 {strides = array<i32>} : memref<77824xf32, #tpu.memory_space<vmem>>, vector<16xf32>,
      %add3A_311 = arith.constant 16 : i32
      %add3A_312 = vector.broadcast %add3A_311 : i32 to vector<16xi32>
      %add3A_313 = arith.addi %iota3A_99, %add3A_312 : vector<16xi32>
      %lt3A_314 = vector.broadcast %scan3A_105 : i32 to vector<16xi32>
      %lt3A_315 = arith.cmpi slt, %add3A_313, %lt3A_314 : vector<16xi32>
      %get3A_316 = arith.constant 144 : index
      %get3A_317 = tpu.vector_load %arg18[%get3A_316] {strides = array<i32>} : memref<2048xf32, #tpu.memory_space<vmem>>, vector<16xf32>,
      %select_n3A_318 = arith.select %lt3A_315, %get3A_317, %gather3A_296 : vector<16xi1>, vector<16xf32>
      %add3A_319 = arith.constant 256 : i32
      %add3A_320 = arith.addi %mul3A_110, %add3A_319 : i32
      %add3A_321 = arith.constant 16 : i32
      %add3A_322 = arith.addi %add3A_320, %add3A_321 : i32
      %swap3A_323 = arith.index_cast %add3A_322 : i32 to index
      %swap3A_324 = tpu.vector_load %arg19[%swap3A_323] {strides = array<i32>} : memref<77824xf32, #tpu.memory_space<vmem>>, vector<16xf32>,
      tpu.vector_store %arg19[%swap3A_323], %select_n3A_318 {strides = array<i32>} : memref<77824xf32, #tpu.memory_space<vmem>>, vector<16xf32>,
      %add3A_325 = arith.constant 32 : i32
      %add3A_326 = vector.broadcast %add3A_325 : i32 to vector<16xi32>
      %add3A_327 = arith.addi %iota3A_99, %add3A_326 : vector<16xi32>
      %lt3A_328 = vector.broadcast %scan3A_105 : i32 to vector<16xi32>
      %lt3A_329 = arith.cmpi slt, %add3A_327, %lt3A_328 : vector<16xi32>
      %get3A_330 = arith.constant 160 : index
      %get3A_331 = tpu.vector_load %arg18[%get3A_330] {strides = array<i32>} : memref<2048xf32, #tpu.memory_space<vmem>>, vector<16xf32>,
      %select_n3A_332 = arith.select %lt3A_329, %get3A_331, %gather3A_296 : vector<16xi1>, vector<16xf32>
      %add3A_333 = arith.constant 256 : i32
      %add3A_334 = arith.addi %mul3A_110, %add3A_333 : i32
      %add3A_335 = arith.constant 32 : i32
      %add3A_336 = arith.addi %add3A_334, %add3A_335 : i32
      %swap3A_337 = arith.index_cast %add3A_336 : i32 to index
      %swap3A_338 = tpu.vector_load %arg19[%swap3A_337] {strides = array<i32>} : memref<77824xf32, #tpu.memory_space<vmem>>, vector<16xf32>,
      tpu.vector_store %arg19[%swap3A_337], %select_n3A_332 {strides = array<i32>} : memref<77824xf32, #tpu.memory_space<vmem>>, vector<16xf32>,
      %add3A_339 = arith.constant 48 : i32
      %add3A_340 = vector.broadcast %add3A_339 : i32 to vector<16xi32>
      %add3A_341 = arith.addi %iota3A_99, %add3A_340 : vector<16xi32>
      %lt3A_342 = vector.broadcast %scan3A_105 : i32 to vector<16xi32>
      %lt3A_343 = arith.cmpi slt, %add3A_341, %lt3A_342 : vector<16xi32>
      %get3A_344 = arith.constant 176 : index
      %get3A_345 = tpu.vector_load %arg18[%get3A_344] {strides = array<i32>} : memref<2048xf32, #tpu.memory_space<vmem>>, vector<16xf32>,
      %select_n3A_346 = arith.select %lt3A_343, %get3A_345, %gather3A_296 : vector<16xi1>, vector<16xf32>
      %add3A_347 = arith.constant 256 : i32
      %add3A_348 = arith.addi %mul3A_110, %add3A_347 : i32
      %add3A_349 = arith.constant 48 : i32
      %add3A_350 = arith.addi %add3A_348, %add3A_349 : i32
      %swap3A_351 = arith.index_cast %add3A_350 : i32 to index
      %swap3A_352 = tpu.vector_load %arg19[%swap3A_351] {strides = array<i32>} : memref<77824xf32, #tpu.memory_space<vmem>>, vector<16xf32>,
      tpu.vector_store %arg19[%swap3A_351], %select_n3A_346 {strides = array<i32>} : memref<77824xf32, #tpu.memory_space<vmem>>, vector<16xf32>,
      %broadcast_in_dim3A_353 = arith.constant 256 : i32
      %broadcast_in_dim3A_354 = vector.broadcast %broadcast_in_dim3A_353 : i32 to vector<16xi32>
      %gather3A_355 = tpu.vector_load_idx %arg18[%broadcast_in_dim3A_354] : memref<2048xf32, #tpu.memory_space<vmem>>[vector<16xi32>], vector<16xf32>,
      %add3A_356 = arith.constant 0 : i32
      %add3A_357 = vector.broadcast %add3A_356 : i32 to vector<16xi32>
      %add3A_358 = arith.addi %iota3A_99, %add3A_357 : vector<16xi32>
      %lt3A_359 = vector.broadcast %scan3A_105 : i32 to vector<16xi32>
      %lt3A_360 = arith.cmpi slt, %add3A_358, %lt3A_359 : vector<16xi32>
      %get3A_361 = arith.constant 256 : index
      %get3A_362 = tpu.vector_load %arg18[%get3A_361] {strides = array<i32>} : memref<2048xf32, #tpu.memory_space<vmem>>, vector<16xf32>,
      %select_n3A_363 = arith.select %lt3A_360, %get3A_362, %gather3A_355 : vector<16xi1>, vector<16xf32>
      %add3A_364 = arith.constant 320 : i32
      %add3A_365 = arith.addi %mul3A_110, %add3A_364 : i32
      %add3A_366 = arith.constant 0 : i32
      %add3A_367 = arith.addi %add3A_365, %add3A_366 : i32
      %swap3A_368 = arith.index_cast %add3A_367 : i32 to index
      %swap3A_369 = tpu.vector_load %arg19[%swap3A_368] {strides = array<i32>} : memref<77824xf32, #tpu.memory_space<vmem>>, vector<16xf32>,
      tpu.vector_store %arg19[%swap3A_368], %select_n3A_363 {strides = array<i32>} : memref<77824xf32, #tpu.memory_space<vmem>>, vector<16xf32>,
      %add3A_370 = arith.constant 16 : i32
      %add3A_371 = vector.broadcast %add3A_370 : i32 to vector<16xi32>
      %add3A_372 = arith.addi %iota3A_99, %add3A_371 : vector<16xi32>
      %lt3A_373 = vector.broadcast %scan3A_105 : i32 to vector<16xi32>
      %lt3A_374 = arith.cmpi slt, %add3A_372, %lt3A_373 : vector<16xi32>
      %get3A_375 = arith.constant 272 : index
      %get3A_376 = tpu.vector_load %arg18[%get3A_375] {strides = array<i32>} : memref<2048xf32, #tpu.memory_space<vmem>>, vector<16xf32>,
      %select_n3A_377 = arith.select %lt3A_374, %get3A_376, %gather3A_355 : vector<16xi1>, vector<16xf32>
      %add3A_378 = arith.constant 320 : i32
      %add3A_379 = arith.addi %mul3A_110, %add3A_378 : i32
      %add3A_380 = arith.constant 16 : i32
      %add3A_381 = arith.addi %add3A_379, %add3A_380 : i32
      %swap3A_382 = arith.index_cast %add3A_381 : i32 to index
      %swap3A_383 = tpu.vector_load %arg19[%swap3A_382] {strides = array<i32>} : memref<77824xf32, #tpu.memory_space<vmem>>, vector<16xf32>,
      tpu.vector_store %arg19[%swap3A_382], %select_n3A_377 {strides = array<i32>} : memref<77824xf32, #tpu.memory_space<vmem>>, vector<16xf32>,
      %add3A_384 = arith.constant 32 : i32
      %add3A_385 = vector.broadcast %add3A_384 : i32 to vector<16xi32>
      %add3A_386 = arith.addi %iota3A_99, %add3A_385 : vector<16xi32>
      %lt3A_387 = vector.broadcast %scan3A_105 : i32 to vector<16xi32>
      %lt3A_388 = arith.cmpi slt, %add3A_386, %lt3A_387 : vector<16xi32>
      %get3A_389 = arith.constant 288 : index
      %get3A_390 = tpu.vector_load %arg18[%get3A_389] {strides = array<i32>} : memref<2048xf32, #tpu.memory_space<vmem>>, vector<16xf32>,
      %select_n3A_391 = arith.select %lt3A_388, %get3A_390, %gather3A_355 : vector<16xi1>, vector<16xf32>
      %add3A_392 = arith.constant 320 : i32
      %add3A_393 = arith.addi %mul3A_110, %add3A_392 : i32
      %add3A_394 = arith.constant 32 : i32
      %add3A_395 = arith.addi %add3A_393, %add3A_394 : i32
      %swap3A_396 = arith.index_cast %add3A_395 : i32 to index
      %swap3A_397 = tpu.vector_load %arg19[%swap3A_396] {strides = array<i32>} : memref<77824xf32, #tpu.memory_space<vmem>>, vector<16xf32>,
      tpu.vector_store %arg19[%swap3A_396], %select_n3A_391 {strides = array<i32>} : memref<77824xf32, #tpu.memory_space<vmem>>, vector<16xf32>,
      %add3A_398 = arith.constant 48 : i32
      %add3A_399 = vector.broadcast %add3A_398 : i32 to vector<16xi32>
      %add3A_400 = arith.addi %iota3A_99, %add3A_399 : vector<16xi32>
      %lt3A_401 = vector.broadcast %scan3A_105 : i32 to vector<16xi32>
      %lt3A_402 = arith.cmpi slt, %add3A_400, %lt3A_401 : vector<16xi32>
      %get3A_403 = arith.constant 304 : index
      %get3A_404 = tpu.vector_load %arg18[%get3A_403] {strides = array<i32>} : memref<2048xf32, #tpu.memory_space<vmem>>, vector<16xf32>,
      %select_n3A_405 = arith.select %lt3A_402, %get3A_404, %gather3A_355 : vector<16xi1>, vector<16xf32>
      %add3A_406 = arith.constant 320 : i32
      %add3A_407 = arith.addi %mul3A_110, %add3A_406 : i32
      %add3A_408 = arith.constant 48 : i32
      %add3A_409 = arith.addi %add3A_407, %add3A_408 : i32
      %swap3A_410 = arith.index_cast %add3A_409 : i32 to index
      %swap3A_411 = tpu.vector_load %arg19[%swap3A_410] {strides = array<i32>} : memref<77824xf32, #tpu.memory_space<vmem>>, vector<16xf32>,
      tpu.vector_store %arg19[%swap3A_410], %select_n3A_405 {strides = array<i32>} : memref<77824xf32, #tpu.memory_space<vmem>>, vector<16xf32>,
      %broadcast_in_dim3A_412 = arith.constant 384 : i32
      %broadcast_in_dim3A_413 = vector.broadcast %broadcast_in_dim3A_412 : i32 to vector<16xi32>
      %gather3A_414 = tpu.vector_load_idx %arg18[%broadcast_in_dim3A_413] : memref<2048xf32, #tpu.memory_space<vmem>>[vector<16xi32>], vector<16xf32>,
      %add3A_415 = arith.constant 0 : i32
      %add3A_416 = vector.broadcast %add3A_415 : i32 to vector<16xi32>
      %add3A_417 = arith.addi %iota3A_99, %add3A_416 : vector<16xi32>
      %lt3A_418 = vector.broadcast %scan3A_105 : i32 to vector<16xi32>
      %lt3A_419 = arith.cmpi slt, %add3A_417, %lt3A_418 : vector<16xi32>
      %get3A_420 = arith.constant 384 : index
      %get3A_421 = tpu.vector_load %arg18[%get3A_420] {strides = array<i32>} : memref<2048xf32, #tpu.memory_space<vmem>>, vector<16xf32>,
      %select_n3A_422 = arith.select %lt3A_419, %get3A_421, %gather3A_414 : vector<16xi1>, vector<16xf32>
      %add3A_423 = arith.constant 384 : i32
      %add3A_424 = arith.addi %mul3A_110, %add3A_423 : i32
      %add3A_425 = arith.constant 0 : i32
      %add3A_426 = arith.addi %add3A_424, %add3A_425 : i32
      %swap3A_427 = arith.index_cast %add3A_426 : i32 to index
      %swap3A_428 = tpu.vector_load %arg19[%swap3A_427] {strides = array<i32>} : memref<77824xf32, #tpu.memory_space<vmem>>, vector<16xf32>,
      tpu.vector_store %arg19[%swap3A_427], %select_n3A_422 {strides = array<i32>} : memref<77824xf32, #tpu.memory_space<vmem>>, vector<16xf32>,
      %add3A_429 = arith.constant 16 : i32
      %add3A_430 = vector.broadcast %add3A_429 : i32 to vector<16xi32>
      %add3A_431 = arith.addi %iota3A_99, %add3A_430 : vector<16xi32>
      %lt3A_432 = vector.broadcast %scan3A_105 : i32 to vector<16xi32>
      %lt3A_433 = arith.cmpi slt, %add3A_431, %lt3A_432 : vector<16xi32>
      %get3A_434 = arith.constant 400 : index
      %get3A_435 = tpu.vector_load %arg18[%get3A_434] {strides = array<i32>} : memref<2048xf32, #tpu.memory_space<vmem>>, vector<16xf32>,
      %select_n3A_436 = arith.select %lt3A_433, %get3A_435, %gather3A_414 : vector<16xi1>, vector<16xf32>
      %add3A_437 = arith.constant 384 : i32
      %add3A_438 = arith.addi %mul3A_110, %add3A_437 : i32
      %add3A_439 = arith.constant 16 : i32
      %add3A_440 = arith.addi %add3A_438, %add3A_439 : i32
      %swap3A_441 = arith.index_cast %add3A_440 : i32 to index
      %swap3A_442 = tpu.vector_load %arg19[%swap3A_441] {strides = array<i32>} : memref<77824xf32, #tpu.memory_space<vmem>>, vector<16xf32>,
      tpu.vector_store %arg19[%swap3A_441], %select_n3A_436 {strides = array<i32>} : memref<77824xf32, #tpu.memory_space<vmem>>, vector<16xf32>,
      %add3A_443 = arith.constant 32 : i32
      %add3A_444 = vector.broadcast %add3A_443 : i32 to vector<16xi32>
      %add3A_445 = arith.addi %iota3A_99, %add3A_444 : vector<16xi32>
      %lt3A_446 = vector.broadcast %scan3A_105 : i32 to vector<16xi32>
      %lt3A_447 = arith.cmpi slt, %add3A_445, %lt3A_446 : vector<16xi32>
      %get3A_448 = arith.constant 416 : index
      %get3A_449 = tpu.vector_load %arg18[%get3A_448] {strides = array<i32>} : memref<2048xf32, #tpu.memory_space<vmem>>, vector<16xf32>,
      %select_n3A_450 = arith.select %lt3A_447, %get3A_449, %gather3A_414 : vector<16xi1>, vector<16xf32>
      %add3A_451 = arith.constant 384 : i32
      %add3A_452 = arith.addi %mul3A_110, %add3A_451 : i32
      %add3A_453 = arith.constant 32 : i32
      %add3A_454 = arith.addi %add3A_452, %add3A_453 : i32
      %swap3A_455 = arith.index_cast %add3A_454 : i32 to index
      %swap3A_456 = tpu.vector_load %arg19[%swap3A_455] {strides = array<i32>} : memref<77824xf32, #tpu.memory_space<vmem>>, vector<16xf32>,
      tpu.vector_store %arg19[%swap3A_455], %select_n3A_450 {strides = array<i32>} : memref<77824xf32, #tpu.memory_space<vmem>>, vector<16xf32>,
      %add3A_457 = arith.constant 48 : i32
      %add3A_458 = vector.broadcast %add3A_457 : i32 to vector<16xi32>
      %add3A_459 = arith.addi %iota3A_99, %add3A_458 : vector<16xi32>
      %lt3A_460 = vector.broadcast %scan3A_105 : i32 to vector<16xi32>
      %lt3A_461 = arith.cmpi slt, %add3A_459, %lt3A_460 : vector<16xi32>
      %get3A_462 = arith.constant 432 : index
      %get3A_463 = tpu.vector_load %arg18[%get3A_462] {strides = array<i32>} : memref<2048xf32, #tpu.memory_space<vmem>>, vector<16xf32>,
      %select_n3A_464 = arith.select %lt3A_461, %get3A_463, %gather3A_414 : vector<16xi1>, vector<16xf32>
      %add3A_465 = arith.constant 384 : i32
      %add3A_466 = arith.addi %mul3A_110, %add3A_465 : i32
      %add3A_467 = arith.constant 48 : i32
      %add3A_468 = arith.addi %add3A_466, %add3A_467 : i32
      %swap3A_469 = arith.index_cast %add3A_468 : i32 to index
      %swap3A_470 = tpu.vector_load %arg19[%swap3A_469] {strides = array<i32>} : memref<77824xf32, #tpu.memory_space<vmem>>, vector<16xf32>,
      tpu.vector_store %arg19[%swap3A_469], %select_n3A_464 {strides = array<i32>} : memref<77824xf32, #tpu.memory_space<vmem>>, vector<16xf32>,
      %broadcast_in_dim3A_471 = arith.constant 512 : i32
      %broadcast_in_dim3A_472 = vector.broadcast %broadcast_in_dim3A_471 : i32 to vector<16xi32>
      %gather3A_473 = tpu.vector_load_idx %arg18[%broadcast_in_dim3A_472] : memref<2048xf32, #tpu.memory_space<vmem>>[vector<16xi32>], vector<16xf32>,
      %add3A_474 = arith.constant 0 : i32
      %add3A_475 = vector.broadcast %add3A_474 : i32 to vector<16xi32>
      %add3A_476 = arith.addi %iota3A_99, %add3A_475 : vector<16xi32>
      %lt3A_477 = vector.broadcast %scan3A_105 : i32 to vector<16xi32>
      %lt3A_478 = arith.cmpi slt, %add3A_476, %lt3A_477 : vector<16xi32>
      %get3A_479 = arith.constant 512 : index
      %get3A_480 = tpu.vector_load %arg18[%get3A_479] {strides = array<i32>} : memref<2048xf32, #tpu.memory_space<vmem>>, vector<16xf32>,
      %select_n3A_481 = arith.select %lt3A_478, %get3A_480, %gather3A_473 : vector<16xi1>, vector<16xf32>
      %add3A_482 = arith.constant 448 : i32
      %add3A_483 = arith.addi %mul3A_110, %add3A_482 : i32
      %add3A_484 = arith.constant 0 : i32
      %add3A_485 = arith.addi %add3A_483, %add3A_484 : i32
      %swap3A_486 = arith.index_cast %add3A_485 : i32 to index
      %swap3A_487 = tpu.vector_load %arg19[%swap3A_486] {strides = array<i32>} : memref<77824xf32, #tpu.memory_space<vmem>>, vector<16xf32>,
      tpu.vector_store %arg19[%swap3A_486], %select_n3A_481 {strides = array<i32>} : memref<77824xf32, #tpu.memory_space<vmem>>, vector<16xf32>,
      %add3A_488 = arith.constant 16 : i32
      %add3A_489 = vector.broadcast %add3A_488 : i32 to vector<16xi32>
      %add3A_490 = arith.addi %iota3A_99, %add3A_489 : vector<16xi32>
      %lt3A_491 = vector.broadcast %scan3A_105 : i32 to vector<16xi32>
      %lt3A_492 = arith.cmpi slt, %add3A_490, %lt3A_491 : vector<16xi32>
      %get3A_493 = arith.constant 528 : index
      %get3A_494 = tpu.vector_load %arg18[%get3A_493] {strides = array<i32>} : memref<2048xf32, #tpu.memory_space<vmem>>, vector<16xf32>,
      %select_n3A_495 = arith.select %lt3A_492, %get3A_494, %gather3A_473 : vector<16xi1>, vector<16xf32>
      %add3A_496 = arith.constant 448 : i32
      %add3A_497 = arith.addi %mul3A_110, %add3A_496 : i32
      %add3A_498 = arith.constant 16 : i32
      %add3A_499 = arith.addi %add3A_497, %add3A_498 : i32
      %swap3A_500 = arith.index_cast %add3A_499 : i32 to index
      %swap3A_501 = tpu.vector_load %arg19[%swap3A_500] {strides = array<i32>} : memref<77824xf32, #tpu.memory_space<vmem>>, vector<16xf32>,
      tpu.vector_store %arg19[%swap3A_500], %select_n3A_495 {strides = array<i32>} : memref<77824xf32, #tpu.memory_space<vmem>>, vector<16xf32>,
      %add3A_502 = arith.constant 32 : i32
      %add3A_503 = vector.broadcast %add3A_502 : i32 to vector<16xi32>
      %add3A_504 = arith.addi %iota3A_99, %add3A_503 : vector<16xi32>
      %lt3A_505 = vector.broadcast %scan3A_105 : i32 to vector<16xi32>
      %lt3A_506 = arith.cmpi slt, %add3A_504, %lt3A_505 : vector<16xi32>
      %get3A_507 = arith.constant 544 : index
      %get3A_508 = tpu.vector_load %arg18[%get3A_507] {strides = array<i32>} : memref<2048xf32, #tpu.memory_space<vmem>>, vector<16xf32>,
      %select_n3A_509 = arith.select %lt3A_506, %get3A_508, %gather3A_473 : vector<16xi1>, vector<16xf32>
      %add3A_510 = arith.constant 448 : i32
      %add3A_511 = arith.addi %mul3A_110, %add3A_510 : i32
      %add3A_512 = arith.constant 32 : i32
      %add3A_513 = arith.addi %add3A_511, %add3A_512 : i32
      %swap3A_514 = arith.index_cast %add3A_513 : i32 to index
      %swap3A_515 = tpu.vector_load %arg19[%swap3A_514] {strides = array<i32>} : memref<77824xf32, #tpu.memory_space<vmem>>, vector<16xf32>,
      tpu.vector_store %arg19[%swap3A_514], %select_n3A_509 {strides = array<i32>} : memref<77824xf32, #tpu.memory_space<vmem>>, vector<16xf32>,
      %add3A_516 = arith.constant 48 : i32
      %add3A_517 = vector.broadcast %add3A_516 : i32 to vector<16xi32>
      %add3A_518 = arith.addi %iota3A_99, %add3A_517 : vector<16xi32>
      %lt3A_519 = vector.broadcast %scan3A_105 : i32 to vector<16xi32>
      %lt3A_520 = arith.cmpi slt, %add3A_518, %lt3A_519 : vector<16xi32>
      %get3A_521 = arith.constant 560 : index
      %get3A_522 = tpu.vector_load %arg18[%get3A_521] {strides = array<i32>} : memref<2048xf32, #tpu.memory_space<vmem>>, vector<16xf32>,
      %select_n3A_523 = arith.select %lt3A_520, %get3A_522, %gather3A_473 : vector<16xi1>, vector<16xf32>
      %add3A_524 = arith.constant 448 : i32
      %add3A_525 = arith.addi %mul3A_110, %add3A_524 : i32
      %add3A_526 = arith.constant 48 : i32
      %add3A_527 = arith.addi %add3A_525, %add3A_526 : i32
      %swap3A_528 = arith.index_cast %add3A_527 : i32 to index
      %swap3A_529 = tpu.vector_load %arg19[%swap3A_528] {strides = array<i32>} : memref<77824xf32, #tpu.memory_space<vmem>>, vector<16xf32>,
      tpu.vector_store %arg19[%swap3A_528], %select_n3A_523 {strides = array<i32>} : memref<77824xf32, #tpu.memory_space<vmem>>, vector<16xf32>,
      %broadcast_in_dim3A_530 = arith.constant 640 : i32
      %broadcast_in_dim3A_531 = vector.broadcast %broadcast_in_dim3A_530 : i32 to vector<16xi32>
      %gather3A_532 = tpu.vector_load_idx %arg18[%broadcast_in_dim3A_531] : memref<2048xf32, #tpu.memory_space<vmem>>[vector<16xi32>], vector<16xf32>,
      %add3A_533 = arith.constant 0 : i32
      %add3A_534 = vector.broadcast %add3A_533 : i32 to vector<16xi32>
      %add3A_535 = arith.addi %iota3A_99, %add3A_534 : vector<16xi32>
      %lt3A_536 = vector.broadcast %scan3A_105 : i32 to vector<16xi32>
      %lt3A_537 = arith.cmpi slt, %add3A_535, %lt3A_536 : vector<16xi32>
      %get3A_538 = arith.constant 640 : index
      %get3A_539 = tpu.vector_load %arg18[%get3A_538] {strides = array<i32>} : memref<2048xf32, #tpu.memory_space<vmem>>, vector<16xf32>,
      %select_n3A_540 = arith.select %lt3A_537, %get3A_539, %gather3A_532 : vector<16xi1>, vector<16xf32>
      %add3A_541 = arith.constant 512 : i32
      %add3A_542 = arith.addi %mul3A_110, %add3A_541 : i32
      %add3A_543 = arith.constant 0 : i32
      %add3A_544 = arith.addi %add3A_542, %add3A_543 : i32
      %swap3A_545 = arith.index_cast %add3A_544 : i32 to index
      %swap3A_546 = tpu.vector_load %arg19[%swap3A_545] {strides = array<i32>} : memref<77824xf32, #tpu.memory_space<vmem>>, vector<16xf32>,
      tpu.vector_store %arg19[%swap3A_545], %select_n3A_540 {strides = array<i32>} : memref<77824xf32, #tpu.memory_space<vmem>>, vector<16xf32>,
      %add3A_547 = arith.constant 16 : i32
      %add3A_548 = vector.broadcast %add3A_547 : i32 to vector<16xi32>
      %add3A_549 = arith.addi %iota3A_99, %add3A_548 : vector<16xi32>
      %lt3A_550 = vector.broadcast %scan3A_105 : i32 to vector<16xi32>
      %lt3A_551 = arith.cmpi slt, %add3A_549, %lt3A_550 : vector<16xi32>
      %get3A_552 = arith.constant 656 : index
      %get3A_553 = tpu.vector_load %arg18[%get3A_552] {strides = array<i32>} : memref<2048xf32, #tpu.memory_space<vmem>>, vector<16xf32>,
      %select_n3A_554 = arith.select %lt3A_551, %get3A_553, %gather3A_532 : vector<16xi1>, vector<16xf32>
      %add3A_555 = arith.constant 512 : i32
      %add3A_556 = arith.addi %mul3A_110, %add3A_555 : i32
      %add3A_557 = arith.constant 16 : i32
      %add3A_558 = arith.addi %add3A_556, %add3A_557 : i32
      %swap3A_559 = arith.index_cast %add3A_558 : i32 to index
      %swap3A_560 = tpu.vector_load %arg19[%swap3A_559] {strides = array<i32>} : memref<77824xf32, #tpu.memory_space<vmem>>, vector<16xf32>,
      tpu.vector_store %arg19[%swap3A_559], %select_n3A_554 {strides = array<i32>} : memref<77824xf32, #tpu.memory_space<vmem>>, vector<16xf32>,
      %add3A_561 = arith.constant 32 : i32
      %add3A_562 = vector.broadcast %add3A_561 : i32 to vector<16xi32>
      %add3A_563 = arith.addi %iota3A_99, %add3A_562 : vector<16xi32>
      %lt3A_564 = vector.broadcast %scan3A_105 : i32 to vector<16xi32>
      %lt3A_565 = arith.cmpi slt, %add3A_563, %lt3A_564 : vector<16xi32>
      %get3A_566 = arith.constant 672 : index
      %get3A_567 = tpu.vector_load %arg18[%get3A_566] {strides = array<i32>} : memref<2048xf32, #tpu.memory_space<vmem>>, vector<16xf32>,
      %select_n3A_568 = arith.select %lt3A_565, %get3A_567, %gather3A_532 : vector<16xi1>, vector<16xf32>
      %add3A_569 = arith.constant 512 : i32
      %add3A_570 = arith.addi %mul3A_110, %add3A_569 : i32
      %add3A_571 = arith.constant 32 : i32
      %add3A_572 = arith.addi %add3A_570, %add3A_571 : i32
      %swap3A_573 = arith.index_cast %add3A_572 : i32 to index
      %swap3A_574 = tpu.vector_load %arg19[%swap3A_573] {strides = array<i32>} : memref<77824xf32, #tpu.memory_space<vmem>>, vector<16xf32>,
      tpu.vector_store %arg19[%swap3A_573], %select_n3A_568 {strides = array<i32>} : memref<77824xf32, #tpu.memory_space<vmem>>, vector<16xf32>,
      %add3A_575 = arith.constant 48 : i32
      %add3A_576 = vector.broadcast %add3A_575 : i32 to vector<16xi32>
      %add3A_577 = arith.addi %iota3A_99, %add3A_576 : vector<16xi32>
      %lt3A_578 = vector.broadcast %scan3A_105 : i32 to vector<16xi32>
      %lt3A_579 = arith.cmpi slt, %add3A_577, %lt3A_578 : vector<16xi32>
      %get3A_580 = arith.constant 688 : index
      %get3A_581 = tpu.vector_load %arg18[%get3A_580] {strides = array<i32>} : memref<2048xf32, #tpu.memory_space<vmem>>, vector<16xf32>,
      %select_n3A_582 = arith.select %lt3A_579, %get3A_581, %gather3A_532 : vector<16xi1>, vector<16xf32>
      %add3A_583 = arith.constant 512 : i32
      %add3A_584 = arith.addi %mul3A_110, %add3A_583 : i32
      %add3A_585 = arith.constant 48 : i32
      %add3A_586 = arith.addi %add3A_584, %add3A_585 : i32
      %swap3A_587 = arith.index_cast %add3A_586 : i32 to index
      %swap3A_588 = tpu.vector_load %arg19[%swap3A_587] {strides = array<i32>} : memref<77824xf32, #tpu.memory_space<vmem>>, vector<16xf32>,
      tpu.vector_store %arg19[%swap3A_587], %select_n3A_582 {strides = array<i32>} : memref<77824xf32, #tpu.memory_space<vmem>>, vector<16xf32>,
      %broadcast_in_dim3A_589 = arith.constant 768 : i32
      %broadcast_in_dim3A_590 = vector.broadcast %broadcast_in_dim3A_589 : i32 to vector<16xi32>
      %gather3A_591 = tpu.vector_load_idx %arg18[%broadcast_in_dim3A_590] : memref<2048xf32, #tpu.memory_space<vmem>>[vector<16xi32>], vector<16xf32>,
      %add3A_592 = arith.constant 0 : i32
      %add3A_593 = vector.broadcast %add3A_592 : i32 to vector<16xi32>
      %add3A_594 = arith.addi %iota3A_99, %add3A_593 : vector<16xi32>
      %lt3A_595 = vector.broadcast %scan3A_105 : i32 to vector<16xi32>
      %lt3A_596 = arith.cmpi slt, %add3A_594, %lt3A_595 : vector<16xi32>
      %get3A_597 = arith.constant 768 : index
      %get3A_598 = tpu.vector_load %arg18[%get3A_597] {strides = array<i32>} : memref<2048xf32, #tpu.memory_space<vmem>>, vector<16xf32>,
      %select_n3A_599 = arith.select %lt3A_596, %get3A_598, %gather3A_591 : vector<16xi1>, vector<16xf32>
      %add3A_600 = arith.constant 576 : i32
      %add3A_601 = arith.addi %mul3A_110, %add3A_600 : i32
      %add3A_602 = arith.constant 0 : i32
      %add3A_603 = arith.addi %add3A_601, %add3A_602 : i32
      %swap3A_604 = arith.index_cast %add3A_603 : i32 to index
      %swap3A_605 = tpu.vector_load %arg19[%swap3A_604] {strides = array<i32>} : memref<77824xf32, #tpu.memory_space<vmem>>, vector<16xf32>,
      tpu.vector_store %arg19[%swap3A_604], %select_n3A_599 {strides = array<i32>} : memref<77824xf32, #tpu.memory_space<vmem>>, vector<16xf32>,
      %add3A_606 = arith.constant 16 : i32
      %add3A_607 = vector.broadcast %add3A_606 : i32 to vector<16xi32>
      %add3A_608 = arith.addi %iota3A_99, %add3A_607 : vector<16xi32>
      %lt3A_609 = vector.broadcast %scan3A_105 : i32 to vector<16xi32>
      %lt3A_610 = arith.cmpi slt, %add3A_608, %lt3A_609 : vector<16xi32>
      %get3A_611 = arith.constant 784 : index
      %get3A_612 = tpu.vector_load %arg18[%get3A_611] {strides = array<i32>} : memref<2048xf32, #tpu.memory_space<vmem>>, vector<16xf32>,
      %select_n3A_613 = arith.select %lt3A_610, %get3A_612, %gather3A_591 : vector<16xi1>, vector<16xf32>
      %add3A_614 = arith.constant 576 : i32
      %add3A_615 = arith.addi %mul3A_110, %add3A_614 : i32
      %add3A_616 = arith.constant 16 : i32
      %add3A_617 = arith.addi %add3A_615, %add3A_616 : i32
      %swap3A_618 = arith.index_cast %add3A_617 : i32 to index
      %swap3A_619 = tpu.vector_load %arg19[%swap3A_618] {strides = array<i32>} : memref<77824xf32, #tpu.memory_space<vmem>>, vector<16xf32>,
      tpu.vector_store %arg19[%swap3A_618], %select_n3A_613 {strides = array<i32>} : memref<77824xf32, #tpu.memory_space<vmem>>, vector<16xf32>,
      %add3A_620 = arith.constant 32 : i32
      %add3A_621 = vector.broadcast %add3A_620 : i32 to vector<16xi32>
      %add3A_622 = arith.addi %iota3A_99, %add3A_621 : vector<16xi32>
      %lt3A_623 = vector.broadcast %scan3A_105 : i32 to vector<16xi32>
      %lt3A_624 = arith.cmpi slt, %add3A_622, %lt3A_623 : vector<16xi32>
      %get3A_625 = arith.constant 800 : index
      %get3A_626 = tpu.vector_load %arg18[%get3A_625] {strides = array<i32>} : memref<2048xf32, #tpu.memory_space<vmem>>, vector<16xf32>,
      %select_n3A_627 = arith.select %lt3A_624, %get3A_626, %gather3A_591 : vector<16xi1>, vector<16xf32>
      %add3A_628 = arith.constant 576 : i32
      %add3A_629 = arith.addi %mul3A_110, %add3A_628 : i32
      %add3A_630 = arith.constant 32 : i32
      %add3A_631 = arith.addi %add3A_629, %add3A_630 : i32
      %swap3A_632 = arith.index_cast %add3A_631 : i32 to index
      %swap3A_633 = tpu.vector_load %arg19[%swap3A_632] {strides = array<i32>} : memref<77824xf32, #tpu.memory_space<vmem>>, vector<16xf32>,
      tpu.vector_store %arg19[%swap3A_632], %select_n3A_627 {strides = array<i32>} : memref<77824xf32, #tpu.memory_space<vmem>>, vector<16xf32>,
      %add3A_634 = arith.constant 48 : i32
      %add3A_635 = vector.broadcast %add3A_634 : i32 to vector<16xi32>
      %add3A_636 = arith.addi %iota3A_99, %add3A_635 : vector<16xi32>
      %lt3A_637 = vector.broadcast %scan3A_105 : i32 to vector<16xi32>
      %lt3A_638 = arith.cmpi slt, %add3A_636, %lt3A_637 : vector<16xi32>
      %get3A_639 = arith.constant 816 : index
      %get3A_640 = tpu.vector_load %arg18[%get3A_639] {strides = array<i32>} : memref<2048xf32, #tpu.memory_space<vmem>>, vector<16xf32>,
      %select_n3A_641 = arith.select %lt3A_638, %get3A_640, %gather3A_591 : vector<16xi1>, vector<16xf32>
      %add3A_642 = arith.constant 576 : i32
      %add3A_643 = arith.addi %mul3A_110, %add3A_642 : i32
      %add3A_644 = arith.constant 48 : i32
      %add3A_645 = arith.addi %add3A_643, %add3A_644 : i32
      %swap3A_646 = arith.index_cast %add3A_645 : i32 to index
      %swap3A_647 = tpu.vector_load %arg19[%swap3A_646] {strides = array<i32>} : memref<77824xf32, #tpu.memory_space<vmem>>, vector<16xf32>,
      tpu.vector_store %arg19[%swap3A_646], %select_n3A_641 {strides = array<i32>} : memref<77824xf32, #tpu.memory_space<vmem>>, vector<16xf32>,
      %broadcast_in_dim3A_648 = arith.constant 896 : i32
      %broadcast_in_dim3A_649 = vector.broadcast %broadcast_in_dim3A_648 : i32 to vector<16xi32>
      %gather3A_650 = tpu.vector_load_idx %arg18[%broadcast_in_dim3A_649] : memref<2048xf32, #tpu.memory_space<vmem>>[vector<16xi32>], vector<16xf32>,
      %add3A_651 = arith.constant 0 : i32
      %add3A_652 = vector.broadcast %add3A_651 : i32 to vector<16xi32>
      %add3A_653 = arith.addi %iota3A_99, %add3A_652 : vector<16xi32>
      %lt3A_654 = vector.broadcast %scan3A_105 : i32 to vector<16xi32>
      %lt3A_655 = arith.cmpi slt, %add3A_653, %lt3A_654 : vector<16xi32>
      %get3A_656 = arith.constant 896 : index
      %get3A_657 = tpu.vector_load %arg18[%get3A_656] {strides = array<i32>} : memref<2048xf32, #tpu.memory_space<vmem>>, vector<16xf32>,
      %select_n3A_658 = arith.select %lt3A_655, %get3A_657, %gather3A_650 : vector<16xi1>, vector<16xf32>
      %add3A_659 = arith.constant 640 : i32
      %add3A_660 = arith.addi %mul3A_110, %add3A_659 : i32
      %add3A_661 = arith.constant 0 : i32
      %add3A_662 = arith.addi %add3A_660, %add3A_661 : i32
      %swap3A_663 = arith.index_cast %add3A_662 : i32 to index
      %swap3A_664 = tpu.vector_load %arg19[%swap3A_663] {strides = array<i32>} : memref<77824xf32, #tpu.memory_space<vmem>>, vector<16xf32>,
      tpu.vector_store %arg19[%swap3A_663], %select_n3A_658 {strides = array<i32>} : memref<77824xf32, #tpu.memory_space<vmem>>, vector<16xf32>,
      %add3A_665 = arith.constant 16 : i32
      %add3A_666 = vector.broadcast %add3A_665 : i32 to vector<16xi32>
      %add3A_667 = arith.addi %iota3A_99, %add3A_666 : vector<16xi32>
      %lt3A_668 = vector.broadcast %scan3A_105 : i32 to vector<16xi32>
      %lt3A_669 = arith.cmpi slt, %add3A_667, %lt3A_668 : vector<16xi32>
      %get3A_670 = arith.constant 912 : index
      %get3A_671 = tpu.vector_load %arg18[%get3A_670] {strides = array<i32>} : memref<2048xf32, #tpu.memory_space<vmem>>, vector<16xf32>,
      %select_n3A_672 = arith.select %lt3A_669, %get3A_671, %gather3A_650 : vector<16xi1>, vector<16xf32>
      %add3A_673 = arith.constant 640 : i32
      %add3A_674 = arith.addi %mul3A_110, %add3A_673 : i32
      %add3A_675 = arith.constant 16 : i32
      %add3A_676 = arith.addi %add3A_674, %add3A_675 : i32
      %swap3A_677 = arith.index_cast %add3A_676 : i32 to index
      %swap3A_678 = tpu.vector_load %arg19[%swap3A_677] {strides = array<i32>} : memref<77824xf32, #tpu.memory_space<vmem>>, vector<16xf32>,
      tpu.vector_store %arg19[%swap3A_677], %select_n3A_672 {strides = array<i32>} : memref<77824xf32, #tpu.memory_space<vmem>>, vector<16xf32>,
      %add3A_679 = arith.constant 32 : i32
      %add3A_680 = vector.broadcast %add3A_679 : i32 to vector<16xi32>
      %add3A_681 = arith.addi %iota3A_99, %add3A_680 : vector<16xi32>
      %lt3A_682 = vector.broadcast %scan3A_105 : i32 to vector<16xi32>
      %lt3A_683 = arith.cmpi slt, %add3A_681, %lt3A_682 : vector<16xi32>
      %get3A_684 = arith.constant 928 : index
      %get3A_685 = tpu.vector_load %arg18[%get3A_684] {strides = array<i32>} : memref<2048xf32, #tpu.memory_space<vmem>>, vector<16xf32>,
      %select_n3A_686 = arith.select %lt3A_683, %get3A_685, %gather3A_650 : vector<16xi1>, vector<16xf32>
      %add3A_687 = arith.constant 640 : i32
      %add3A_688 = arith.addi %mul3A_110, %add3A_687 : i32
      %add3A_689 = arith.constant 32 : i32
      %add3A_690 = arith.addi %add3A_688, %add3A_689 : i32
      %swap3A_691 = arith.index_cast %add3A_690 : i32 to index
      %swap3A_692 = tpu.vector_load %arg19[%swap3A_691] {strides = array<i32>} : memref<77824xf32, #tpu.memory_space<vmem>>, vector<16xf32>,
      tpu.vector_store %arg19[%swap3A_691], %select_n3A_686 {strides = array<i32>} : memref<77824xf32, #tpu.memory_space<vmem>>, vector<16xf32>,
      %add3A_693 = arith.constant 48 : i32
      %add3A_694 = vector.broadcast %add3A_693 : i32 to vector<16xi32>
      %add3A_695 = arith.addi %iota3A_99, %add3A_694 : vector<16xi32>
      %lt3A_696 = vector.broadcast %scan3A_105 : i32 to vector<16xi32>
      %lt3A_697 = arith.cmpi slt, %add3A_695, %lt3A_696 : vector<16xi32>
      %get3A_698 = arith.constant 944 : index
      %get3A_699 = tpu.vector_load %arg18[%get3A_698] {strides = array<i32>} : memref<2048xf32, #tpu.memory_space<vmem>>, vector<16xf32>,
      %select_n3A_700 = arith.select %lt3A_697, %get3A_699, %gather3A_650 : vector<16xi1>, vector<16xf32>
      %add3A_701 = arith.constant 640 : i32
      %add3A_702 = arith.addi %mul3A_110, %add3A_701 : i32
      %add3A_703 = arith.constant 48 : i32
      %add3A_704 = arith.addi %add3A_702, %add3A_703 : i32
      %swap3A_705 = arith.index_cast %add3A_704 : i32 to index
      %swap3A_706 = tpu.vector_load %arg19[%swap3A_705] {strides = array<i32>} : memref<77824xf32, #tpu.memory_space<vmem>>, vector<16xf32>,
      tpu.vector_store %arg19[%swap3A_705], %select_n3A_700 {strides = array<i32>} : memref<77824xf32, #tpu.memory_space<vmem>>, vector<16xf32>,
      %broadcast_in_dim3A_707 = arith.constant 1024 : i32
      %broadcast_in_dim3A_708 = vector.broadcast %broadcast_in_dim3A_707 : i32 to vector<16xi32>
      %gather3A_709 = tpu.vector_load_idx %arg18[%broadcast_in_dim3A_708] : memref<2048xf32, #tpu.memory_space<vmem>>[vector<16xi32>], vector<16xf32>,
      %add3A_710 = arith.constant 0 : i32
      %add3A_711 = vector.broadcast %add3A_710 : i32 to vector<16xi32>
      %add3A_712 = arith.addi %iota3A_99, %add3A_711 : vector<16xi32>
      %lt3A_713 = vector.broadcast %scan3A_105 : i32 to vector<16xi32>
      %lt3A_714 = arith.cmpi slt, %add3A_712, %lt3A_713 : vector<16xi32>
      %get3A_715 = arith.constant 1024 : index
      %get3A_716 = tpu.vector_load %arg18[%get3A_715] {strides = array<i32>} : memref<2048xf32, #tpu.memory_space<vmem>>, vector<16xf32>,
      %select_n3A_717 = arith.select %lt3A_714, %get3A_716, %gather3A_709 : vector<16xi1>, vector<16xf32>
      %add3A_718 = arith.constant 704 : i32
      %add3A_719 = arith.addi %mul3A_110, %add3A_718 : i32
      %add3A_720 = arith.constant 0 : i32
      %add3A_721 = arith.addi %add3A_719, %add3A_720 : i32
      %swap3A_722 = arith.index_cast %add3A_721 : i32 to index
      %swap3A_723 = tpu.vector_load %arg19[%swap3A_722] {strides = array<i32>} : memref<77824xf32, #tpu.memory_space<vmem>>, vector<16xf32>,
      tpu.vector_store %arg19[%swap3A_722], %select_n3A_717 {strides = array<i32>} : memref<77824xf32, #tpu.memory_space<vmem>>, vector<16xf32>,
      %add3A_724 = arith.constant 16 : i32
      %add3A_725 = vector.broadcast %add3A_724 : i32 to vector<16xi32>
      %add3A_726 = arith.addi %iota3A_99, %add3A_725 : vector<16xi32>
      %lt3A_727 = vector.broadcast %scan3A_105 : i32 to vector<16xi32>
      %lt3A_728 = arith.cmpi slt, %add3A_726, %lt3A_727 : vector<16xi32>
      %get3A_729 = arith.constant 1040 : index
      %get3A_730 = tpu.vector_load %arg18[%get3A_729] {strides = array<i32>} : memref<2048xf32, #tpu.memory_space<vmem>>, vector<16xf32>,
      %select_n3A_731 = arith.select %lt3A_728, %get3A_730, %gather3A_709 : vector<16xi1>, vector<16xf32>
      %add3A_732 = arith.constant 704 : i32
      %add3A_733 = arith.addi %mul3A_110, %add3A_732 : i32
      %add3A_734 = arith.constant 16 : i32
      %add3A_735 = arith.addi %add3A_733, %add3A_734 : i32
      %swap3A_736 = arith.index_cast %add3A_735 : i32 to index
      %swap3A_737 = tpu.vector_load %arg19[%swap3A_736] {strides = array<i32>} : memref<77824xf32, #tpu.memory_space<vmem>>, vector<16xf32>,
      tpu.vector_store %arg19[%swap3A_736], %select_n3A_731 {strides = array<i32>} : memref<77824xf32, #tpu.memory_space<vmem>>, vector<16xf32>,
      %add3A_738 = arith.constant 32 : i32
      %add3A_739 = vector.broadcast %add3A_738 : i32 to vector<16xi32>
      %add3A_740 = arith.addi %iota3A_99, %add3A_739 : vector<16xi32>
      %lt3A_741 = vector.broadcast %scan3A_105 : i32 to vector<16xi32>
      %lt3A_742 = arith.cmpi slt, %add3A_740, %lt3A_741 : vector<16xi32>
      %get3A_743 = arith.constant 1056 : index
      %get3A_744 = tpu.vector_load %arg18[%get3A_743] {strides = array<i32>} : memref<2048xf32, #tpu.memory_space<vmem>>, vector<16xf32>,
      %select_n3A_745 = arith.select %lt3A_742, %get3A_744, %gather3A_709 : vector<16xi1>, vector<16xf32>
      %add3A_746 = arith.constant 704 : i32
      %add3A_747 = arith.addi %mul3A_110, %add3A_746 : i32
      %add3A_748 = arith.constant 32 : i32
      %add3A_749 = arith.addi %add3A_747, %add3A_748 : i32
      %swap3A_750 = arith.index_cast %add3A_749 : i32 to index
      %swap3A_751 = tpu.vector_load %arg19[%swap3A_750] {strides = array<i32>} : memref<77824xf32, #tpu.memory_space<vmem>>, vector<16xf32>,
      tpu.vector_store %arg19[%swap3A_750], %select_n3A_745 {strides = array<i32>} : memref<77824xf32, #tpu.memory_space<vmem>>, vector<16xf32>,
      %add3A_752 = arith.constant 48 : i32
      %add3A_753 = vector.broadcast %add3A_752 : i32 to vector<16xi32>
      %add3A_754 = arith.addi %iota3A_99, %add3A_753 : vector<16xi32>
      %lt3A_755 = vector.broadcast %scan3A_105 : i32 to vector<16xi32>
      %lt3A_756 = arith.cmpi slt, %add3A_754, %lt3A_755 : vector<16xi32>
      %get3A_757 = arith.constant 1072 : index
      %get3A_758 = tpu.vector_load %arg18[%get3A_757] {strides = array<i32>} : memref<2048xf32, #tpu.memory_space<vmem>>, vector<16xf32>,
      %select_n3A_759 = arith.select %lt3A_756, %get3A_758, %gather3A_709 : vector<16xi1>, vector<16xf32>
      %add3A_760 = arith.constant 704 : i32
      %add3A_761 = arith.addi %mul3A_110, %add3A_760 : i32
      %add3A_762 = arith.constant 48 : i32
      %add3A_763 = arith.addi %add3A_761, %add3A_762 : i32
      %swap3A_764 = arith.index_cast %add3A_763 : i32 to index
      %swap3A_765 = tpu.vector_load %arg19[%swap3A_764] {strides = array<i32>} : memref<77824xf32, #tpu.memory_space<vmem>>, vector<16xf32>,
      tpu.vector_store %arg19[%swap3A_764], %select_n3A_759 {strides = array<i32>} : memref<77824xf32, #tpu.memory_space<vmem>>, vector<16xf32>,
      %broadcast_in_dim3A_766 = arith.constant 1152 : i32
      %broadcast_in_dim3A_767 = vector.broadcast %broadcast_in_dim3A_766 : i32 to vector<16xi32>
      %gather3A_768 = tpu.vector_load_idx %arg18[%broadcast_in_dim3A_767] : memref<2048xf32, #tpu.memory_space<vmem>>[vector<16xi32>], vector<16xf32>,
      %add3A_769 = arith.constant 0 : i32
      %add3A_770 = vector.broadcast %add3A_769 : i32 to vector<16xi32>
      %add3A_771 = arith.addi %iota3A_99, %add3A_770 : vector<16xi32>
      %lt3A_772 = vector.broadcast %scan3A_105 : i32 to vector<16xi32>
      %lt3A_773 = arith.cmpi slt, %add3A_771, %lt3A_772 : vector<16xi32>
      %get3A_774 = arith.constant 1152 : index
      %get3A_775 = tpu.vector_load %arg18[%get3A_774] {strides = array<i32>} : memref<2048xf32, #tpu.memory_space<vmem>>, vector<16xf32>,
      %select_n3A_776 = arith.select %lt3A_773, %get3A_775, %gather3A_768 : vector<16xi1>, vector<16xf32>
      %add3A_777 = arith.constant 768 : i32
      %add3A_778 = arith.addi %mul3A_110, %add3A_777 : i32
      %add3A_779 = arith.constant 0 : i32
      %add3A_780 = arith.addi %add3A_778, %add3A_779 : i32
      %swap3A_781 = arith.index_cast %add3A_780 : i32 to index
      %swap3A_782 = tpu.vector_load %arg19[%swap3A_781] {strides = array<i32>} : memref<77824xf32, #tpu.memory_space<vmem>>, vector<16xf32>,
      tpu.vector_store %arg19[%swap3A_781], %select_n3A_776 {strides = array<i32>} : memref<77824xf32, #tpu.memory_space<vmem>>, vector<16xf32>,
      %add3A_783 = arith.constant 16 : i32
      %add3A_784 = vector.broadcast %add3A_783 : i32 to vector<16xi32>
      %add3A_785 = arith.addi %iota3A_99, %add3A_784 : vector<16xi32>
      %lt3A_786 = vector.broadcast %scan3A_105 : i32 to vector<16xi32>
      %lt3A_787 = arith.cmpi slt, %add3A_785, %lt3A_786 : vector<16xi32>
      %get3A_788 = arith.constant 1168 : index
      %get3A_789 = tpu.vector_load %arg18[%get3A_788] {strides = array<i32>} : memref<2048xf32, #tpu.memory_space<vmem>>, vector<16xf32>,
      %select_n3A_790 = arith.select %lt3A_787, %get3A_789, %gather3A_768 : vector<16xi1>, vector<16xf32>
      %add3A_791 = arith.constant 768 : i32
      %add3A_792 = arith.addi %mul3A_110, %add3A_791 : i32
      %add3A_793 = arith.constant 16 : i32
      %add3A_794 = arith.addi %add3A_792, %add3A_793 : i32
      %swap3A_795 = arith.index_cast %add3A_794 : i32 to index
      %swap3A_796 = tpu.vector_load %arg19[%swap3A_795] {strides = array<i32>} : memref<77824xf32, #tpu.memory_space<vmem>>, vector<16xf32>,
      tpu.vector_store %arg19[%swap3A_795], %select_n3A_790 {strides = array<i32>} : memref<77824xf32, #tpu.memory_space<vmem>>, vector<16xf32>,
      %add3A_797 = arith.constant 32 : i32
      %add3A_798 = vector.broadcast %add3A_797 : i32 to vector<16xi32>
      %add3A_799 = arith.addi %iota3A_99, %add3A_798 : vector<16xi32>
      %lt3A_800 = vector.broadcast %scan3A_105 : i32 to vector<16xi32>
      %lt3A_801 = arith.cmpi slt, %add3A_799, %lt3A_800 : vector<16xi32>
      %get3A_802 = arith.constant 1184 : index
      %get3A_803 = tpu.vector_load %arg18[%get3A_802] {strides = array<i32>} : memref<2048xf32, #tpu.memory_space<vmem>>, vector<16xf32>,
      %select_n3A_804 = arith.select %lt3A_801, %get3A_803, %gather3A_768 : vector<16xi1>, vector<16xf32>
      %add3A_805 = arith.constant 768 : i32
      %add3A_806 = arith.addi %mul3A_110, %add3A_805 : i32
      %add3A_807 = arith.constant 32 : i32
      %add3A_808 = arith.addi %add3A_806, %add3A_807 : i32
      %swap3A_809 = arith.index_cast %add3A_808 : i32 to index
      %swap3A_810 = tpu.vector_load %arg19[%swap3A_809] {strides = array<i32>} : memref<77824xf32, #tpu.memory_space<vmem>>, vector<16xf32>,
      tpu.vector_store %arg19[%swap3A_809], %select_n3A_804 {strides = array<i32>} : memref<77824xf32, #tpu.memory_space<vmem>>, vector<16xf32>,
      %add3A_811 = arith.constant 48 : i32
      %add3A_812 = vector.broadcast %add3A_811 : i32 to vector<16xi32>
      %add3A_813 = arith.addi %iota3A_99, %add3A_812 : vector<16xi32>
      %lt3A_814 = vector.broadcast %scan3A_105 : i32 to vector<16xi32>
      %lt3A_815 = arith.cmpi slt, %add3A_813, %lt3A_814 : vector<16xi32>
      %get3A_816 = arith.constant 1200 : index
      %get3A_817 = tpu.vector_load %arg18[%get3A_816] {strides = array<i32>} : memref<2048xf32, #tpu.memory_space<vmem>>, vector<16xf32>,
      %select_n3A_818 = arith.select %lt3A_815, %get3A_817, %gather3A_768 : vector<16xi1>, vector<16xf32>
      %add3A_819 = arith.constant 768 : i32
      %add3A_820 = arith.addi %mul3A_110, %add3A_819 : i32
      %add3A_821 = arith.constant 48 : i32
      %add3A_822 = arith.addi %add3A_820, %add3A_821 : i32
      %swap3A_823 = arith.index_cast %add3A_822 : i32 to index
      %swap3A_824 = tpu.vector_load %arg19[%swap3A_823] {strides = array<i32>} : memref<77824xf32, #tpu.memory_space<vmem>>, vector<16xf32>,
      tpu.vector_store %arg19[%swap3A_823], %select_n3A_818 {strides = array<i32>} : memref<77824xf32, #tpu.memory_space<vmem>>, vector<16xf32>,
      %broadcast_in_dim3A_825 = arith.constant 1280 : i32
      %broadcast_in_dim3A_826 = vector.broadcast %broadcast_in_dim3A_825 : i32 to vector<16xi32>
      %gather3A_827 = tpu.vector_load_idx %arg18[%broadcast_in_dim3A_826] : memref<2048xf32, #tpu.memory_space<vmem>>[vector<16xi32>], vector<16xf32>,
      %add3A_828 = arith.constant 0 : i32
      %add3A_829 = vector.broadcast %add3A_828 : i32 to vector<16xi32>
      %add3A_830 = arith.addi %iota3A_99, %add3A_829 : vector<16xi32>
      %lt3A_831 = vector.broadcast %scan3A_105 : i32 to vector<16xi32>
      %lt3A_832 = arith.cmpi slt, %add3A_830, %lt3A_831 : vector<16xi32>
      %get3A_833 = arith.constant 1280 : index
      %get3A_834 = tpu.vector_load %arg18[%get3A_833] {strides = array<i32>} : memref<2048xf32, #tpu.memory_space<vmem>>, vector<16xf32>,
      %select_n3A_835 = arith.select %lt3A_832, %get3A_834, %gather3A_827 : vector<16xi1>, vector<16xf32>
      %add3A_836 = arith.constant 832 : i32
      %add3A_837 = arith.addi %mul3A_110, %add3A_836 : i32
      %add3A_838 = arith.constant 0 : i32
      %add3A_839 = arith.addi %add3A_837, %add3A_838 : i32
      %swap3A_840 = arith.index_cast %add3A_839 : i32 to index
      %swap3A_841 = tpu.vector_load %arg19[%swap3A_840] {strides = array<i32>} : memref<77824xf32, #tpu.memory_space<vmem>>, vector<16xf32>,
      tpu.vector_store %arg19[%swap3A_840], %select_n3A_835 {strides = array<i32>} : memref<77824xf32, #tpu.memory_space<vmem>>, vector<16xf32>,
      %add3A_842 = arith.constant 16 : i32
      %add3A_843 = vector.broadcast %add3A_842 : i32 to vector<16xi32>
      %add3A_844 = arith.addi %iota3A_99, %add3A_843 : vector<16xi32>
      %lt3A_845 = vector.broadcast %scan3A_105 : i32 to vector<16xi32>
      %lt3A_846 = arith.cmpi slt, %add3A_844, %lt3A_845 : vector<16xi32>
      %get3A_847 = arith.constant 1296 : index
      %get3A_848 = tpu.vector_load %arg18[%get3A_847] {strides = array<i32>} : memref<2048xf32, #tpu.memory_space<vmem>>, vector<16xf32>,
      %select_n3A_849 = arith.select %lt3A_846, %get3A_848, %gather3A_827 : vector<16xi1>, vector<16xf32>
      %add3A_850 = arith.constant 832 : i32
      %add3A_851 = arith.addi %mul3A_110, %add3A_850 : i32
      %add3A_852 = arith.constant 16 : i32
      %add3A_853 = arith.addi %add3A_851, %add3A_852 : i32
      %swap3A_854 = arith.index_cast %add3A_853 : i32 to index
      %swap3A_855 = tpu.vector_load %arg19[%swap3A_854] {strides = array<i32>} : memref<77824xf32, #tpu.memory_space<vmem>>, vector<16xf32>,
      tpu.vector_store %arg19[%swap3A_854], %select_n3A_849 {strides = array<i32>} : memref<77824xf32, #tpu.memory_space<vmem>>, vector<16xf32>,
      %add3A_856 = arith.constant 32 : i32
      %add3A_857 = vector.broadcast %add3A_856 : i32 to vector<16xi32>
      %add3A_858 = arith.addi %iota3A_99, %add3A_857 : vector<16xi32>
      %lt3A_859 = vector.broadcast %scan3A_105 : i32 to vector<16xi32>
      %lt3A_860 = arith.cmpi slt, %add3A_858, %lt3A_859 : vector<16xi32>
      %get3A_861 = arith.constant 1312 : index
      %get3A_862 = tpu.vector_load %arg18[%get3A_861] {strides = array<i32>} : memref<2048xf32, #tpu.memory_space<vmem>>, vector<16xf32>,
      %select_n3A_863 = arith.select %lt3A_860, %get3A_862, %gather3A_827 : vector<16xi1>, vector<16xf32>
      %add3A_864 = arith.constant 832 : i32
      %add3A_865 = arith.addi %mul3A_110, %add3A_864 : i32
      %add3A_866 = arith.constant 32 : i32
      %add3A_867 = arith.addi %add3A_865, %add3A_866 : i32
      %swap3A_868 = arith.index_cast %add3A_867 : i32 to index
      %swap3A_869 = tpu.vector_load %arg19[%swap3A_868] {strides = array<i32>} : memref<77824xf32, #tpu.memory_space<vmem>>, vector<16xf32>,
      tpu.vector_store %arg19[%swap3A_868], %select_n3A_863 {strides = array<i32>} : memref<77824xf32, #tpu.memory_space<vmem>>, vector<16xf32>,
      %add3A_870 = arith.constant 48 : i32
      %add3A_871 = vector.broadcast %add3A_870 : i32 to vector<16xi32>
      %add3A_872 = arith.addi %iota3A_99, %add3A_871 : vector<16xi32>
      %lt3A_873 = vector.broadcast %scan3A_105 : i32 to vector<16xi32>
      %lt3A_874 = arith.cmpi slt, %add3A_872, %lt3A_873 : vector<16xi32>
      %get3A_875 = arith.constant 1328 : index
      %get3A_876 = tpu.vector_load %arg18[%get3A_875] {strides = array<i32>} : memref<2048xf32, #tpu.memory_space<vmem>>, vector<16xf32>,
      %select_n3A_877 = arith.select %lt3A_874, %get3A_876, %gather3A_827 : vector<16xi1>, vector<16xf32>
      %add3A_878 = arith.constant 832 : i32
      %add3A_879 = arith.addi %mul3A_110, %add3A_878 : i32
      %add3A_880 = arith.constant 48 : i32
      %add3A_881 = arith.addi %add3A_879, %add3A_880 : i32
      %swap3A_882 = arith.index_cast %add3A_881 : i32 to index
      %swap3A_883 = tpu.vector_load %arg19[%swap3A_882] {strides = array<i32>} : memref<77824xf32, #tpu.memory_space<vmem>>, vector<16xf32>,
      tpu.vector_store %arg19[%swap3A_882], %select_n3A_877 {strides = array<i32>} : memref<77824xf32, #tpu.memory_space<vmem>>, vector<16xf32>,
      %broadcast_in_dim3A_884 = arith.constant 1408 : i32
      %broadcast_in_dim3A_885 = vector.broadcast %broadcast_in_dim3A_884 : i32 to vector<16xi32>
      %gather3A_886 = tpu.vector_load_idx %arg18[%broadcast_in_dim3A_885] : memref<2048xf32, #tpu.memory_space<vmem>>[vector<16xi32>], vector<16xf32>,
      %add3A_887 = arith.constant 0 : i32
      %add3A_888 = vector.broadcast %add3A_887 : i32 to vector<16xi32>
      %add3A_889 = arith.addi %iota3A_99, %add3A_888 : vector<16xi32>
      %lt3A_890 = vector.broadcast %scan3A_105 : i32 to vector<16xi32>
      %lt3A_891 = arith.cmpi slt, %add3A_889, %lt3A_890 : vector<16xi32>
      %get3A_892 = arith.constant 1408 : index
      %get3A_893 = tpu.vector_load %arg18[%get3A_892] {strides = array<i32>} : memref<2048xf32, #tpu.memory_space<vmem>>, vector<16xf32>,
      %select_n3A_894 = arith.select %lt3A_891, %get3A_893, %gather3A_886 : vector<16xi1>, vector<16xf32>
      %add3A_895 = arith.constant 896 : i32
      %add3A_896 = arith.addi %mul3A_110, %add3A_895 : i32
      %add3A_897 = arith.constant 0 : i32
      %add3A_898 = arith.addi %add3A_896, %add3A_897 : i32
      %swap3A_899 = arith.index_cast %add3A_898 : i32 to index
      %swap3A_900 = tpu.vector_load %arg19[%swap3A_899] {strides = array<i32>} : memref<77824xf32, #tpu.memory_space<vmem>>, vector<16xf32>,
      tpu.vector_store %arg19[%swap3A_899], %select_n3A_894 {strides = array<i32>} : memref<77824xf32, #tpu.memory_space<vmem>>, vector<16xf32>,
      %add3A_901 = arith.constant 16 : i32
      %add3A_902 = vector.broadcast %add3A_901 : i32 to vector<16xi32>
      %add3A_903 = arith.addi %iota3A_99, %add3A_902 : vector<16xi32>
      %lt3A_904 = vector.broadcast %scan3A_105 : i32 to vector<16xi32>
      %lt3A_905 = arith.cmpi slt, %add3A_903, %lt3A_904 : vector<16xi32>
      %get3A_906 = arith.constant 1424 : index
      %get3A_907 = tpu.vector_load %arg18[%get3A_906] {strides = array<i32>} : memref<2048xf32, #tpu.memory_space<vmem>>, vector<16xf32>,
      %select_n3A_908 = arith.select %lt3A_905, %get3A_907, %gather3A_886 : vector<16xi1>, vector<16xf32>
      %add3A_909 = arith.constant 896 : i32
      %add3A_910 = arith.addi %mul3A_110, %add3A_909 : i32
      %add3A_911 = arith.constant 16 : i32
      %add3A_912 = arith.addi %add3A_910, %add3A_911 : i32
      %swap3A_913 = arith.index_cast %add3A_912 : i32 to index
      %swap3A_914 = tpu.vector_load %arg19[%swap3A_913] {strides = array<i32>} : memref<77824xf32, #tpu.memory_space<vmem>>, vector<16xf32>,
      tpu.vector_store %arg19[%swap3A_913], %select_n3A_908 {strides = array<i32>} : memref<77824xf32, #tpu.memory_space<vmem>>, vector<16xf32>,
      %add3A_915 = arith.constant 32 : i32
      %add3A_916 = vector.broadcast %add3A_915 : i32 to vector<16xi32>
      %add3A_917 = arith.addi %iota3A_99, %add3A_916 : vector<16xi32>
      %lt3A_918 = vector.broadcast %scan3A_105 : i32 to vector<16xi32>
      %lt3A_919 = arith.cmpi slt, %add3A_917, %lt3A_918 : vector<16xi32>
      %get3A_920 = arith.constant 1440 : index
      %get3A_921 = tpu.vector_load %arg18[%get3A_920] {strides = array<i32>} : memref<2048xf32, #tpu.memory_space<vmem>>, vector<16xf32>,
      %select_n3A_922 = arith.select %lt3A_919, %get3A_921, %gather3A_886 : vector<16xi1>, vector<16xf32>
      %add3A_923 = arith.constant 896 : i32
      %add3A_924 = arith.addi %mul3A_110, %add3A_923 : i32
      %add3A_925 = arith.constant 32 : i32
      %add3A_926 = arith.addi %add3A_924, %add3A_925 : i32
      %swap3A_927 = arith.index_cast %add3A_926 : i32 to index
      %swap3A_928 = tpu.vector_load %arg19[%swap3A_927] {strides = array<i32>} : memref<77824xf32, #tpu.memory_space<vmem>>, vector<16xf32>,
      tpu.vector_store %arg19[%swap3A_927], %select_n3A_922 {strides = array<i32>} : memref<77824xf32, #tpu.memory_space<vmem>>, vector<16xf32>,
      %add3A_929 = arith.constant 48 : i32
      %add3A_930 = vector.broadcast %add3A_929 : i32 to vector<16xi32>
      %add3A_931 = arith.addi %iota3A_99, %add3A_930 : vector<16xi32>
      %lt3A_932 = vector.broadcast %scan3A_105 : i32 to vector<16xi32>
      %lt3A_933 = arith.cmpi slt, %add3A_931, %lt3A_932 : vector<16xi32>
      %get3A_934 = arith.constant 1456 : index
      %get3A_935 = tpu.vector_load %arg18[%get3A_934] {strides = array<i32>} : memref<2048xf32, #tpu.memory_space<vmem>>, vector<16xf32>,
      %select_n3A_936 = arith.select %lt3A_933, %get3A_935, %gather3A_886 : vector<16xi1>, vector<16xf32>
      %add3A_937 = arith.constant 896 : i32
      %add3A_938 = arith.addi %mul3A_110, %add3A_937 : i32
      %add3A_939 = arith.constant 48 : i32
      %add3A_940 = arith.addi %add3A_938, %add3A_939 : i32
      %swap3A_941 = arith.index_cast %add3A_940 : i32 to index
      %swap3A_942 = tpu.vector_load %arg19[%swap3A_941] {strides = array<i32>} : memref<77824xf32, #tpu.memory_space<vmem>>, vector<16xf32>,
      tpu.vector_store %arg19[%swap3A_941], %select_n3A_936 {strides = array<i32>} : memref<77824xf32, #tpu.memory_space<vmem>>, vector<16xf32>,
      %broadcast_in_dim3A_943 = arith.constant 1536 : i32
      %broadcast_in_dim3A_944 = vector.broadcast %broadcast_in_dim3A_943 : i32 to vector<16xi32>
      %gather3A_945 = tpu.vector_load_idx %arg18[%broadcast_in_dim3A_944] : memref<2048xf32, #tpu.memory_space<vmem>>[vector<16xi32>], vector<16xf32>,
      %add3A_946 = arith.constant 0 : i32
      %add3A_947 = vector.broadcast %add3A_946 : i32 to vector<16xi32>
      %add3A_948 = arith.addi %iota3A_99, %add3A_947 : vector<16xi32>
      %lt3A_949 = vector.broadcast %scan3A_105 : i32 to vector<16xi32>
      %lt3A_950 = arith.cmpi slt, %add3A_948, %lt3A_949 : vector<16xi32>
      %get3A_951 = arith.constant 1536 : index
      %get3A_952 = tpu.vector_load %arg18[%get3A_951] {strides = array<i32>} : memref<2048xf32, #tpu.memory_space<vmem>>, vector<16xf32>,
      %select_n3A_953 = arith.select %lt3A_950, %get3A_952, %gather3A_945 : vector<16xi1>, vector<16xf32>
      %add3A_954 = arith.constant 960 : i32
      %add3A_955 = arith.addi %mul3A_110, %add3A_954 : i32
      %add3A_956 = arith.constant 0 : i32
      %add3A_957 = arith.addi %add3A_955, %add3A_956 : i32
      %swap3A_958 = arith.index_cast %add3A_957 : i32 to index
      %swap3A_959 = tpu.vector_load %arg19[%swap3A_958] {strides = array<i32>} : memref<77824xf32, #tpu.memory_space<vmem>>, vector<16xf32>,
      tpu.vector_store %arg19[%swap3A_958], %select_n3A_953 {strides = array<i32>} : memref<77824xf32, #tpu.memory_space<vmem>>, vector<16xf32>,
      %add3A_960 = arith.constant 16 : i32
      %add3A_961 = vector.broadcast %add3A_960 : i32 to vector<16xi32>
      %add3A_962 = arith.addi %iota3A_99, %add3A_961 : vector<16xi32>
      %lt3A_963 = vector.broadcast %scan3A_105 : i32 to vector<16xi32>
      %lt3A_964 = arith.cmpi slt, %add3A_962, %lt3A_963 : vector<16xi32>
      %get3A_965 = arith.constant 1552 : index
      %get3A_966 = tpu.vector_load %arg18[%get3A_965] {strides = array<i32>} : memref<2048xf32, #tpu.memory_space<vmem>>, vector<16xf32>,
      %select_n3A_967 = arith.select %lt3A_964, %get3A_966, %gather3A_945 : vector<16xi1>, vector<16xf32>
      %add3A_968 = arith.constant 960 : i32
      %add3A_969 = arith.addi %mul3A_110, %add3A_968 : i32
      %add3A_970 = arith.constant 16 : i32
      %add3A_971 = arith.addi %add3A_969, %add3A_970 : i32
      %swap3A_972 = arith.index_cast %add3A_971 : i32 to index
      %swap3A_973 = tpu.vector_load %arg19[%swap3A_972] {strides = array<i32>} : memref<77824xf32, #tpu.memory_space<vmem>>, vector<16xf32>,
      tpu.vector_store %arg19[%swap3A_972], %select_n3A_967 {strides = array<i32>} : memref<77824xf32, #tpu.memory_space<vmem>>, vector<16xf32>,
      %add3A_974 = arith.constant 32 : i32
      %add3A_975 = vector.broadcast %add3A_974 : i32 to vector<16xi32>
      %add3A_976 = arith.addi %iota3A_99, %add3A_975 : vector<16xi32>
      %lt3A_977 = vector.broadcast %scan3A_105 : i32 to vector<16xi32>
      %lt3A_978 = arith.cmpi slt, %add3A_976, %lt3A_977 : vector<16xi32>
      %get3A_979 = arith.constant 1568 : index
      %get3A_980 = tpu.vector_load %arg18[%get3A_979] {strides = array<i32>} : memref<2048xf32, #tpu.memory_space<vmem>>, vector<16xf32>,
      %select_n3A_981 = arith.select %lt3A_978, %get3A_980, %gather3A_945 : vector<16xi1>, vector<16xf32>
      %add3A_982 = arith.constant 960 : i32
      %add3A_983 = arith.addi %mul3A_110, %add3A_982 : i32
      %add3A_984 = arith.constant 32 : i32
      %add3A_985 = arith.addi %add3A_983, %add3A_984 : i32
      %swap3A_986 = arith.index_cast %add3A_985 : i32 to index
      %swap3A_987 = tpu.vector_load %arg19[%swap3A_986] {strides = array<i32>} : memref<77824xf32, #tpu.memory_space<vmem>>, vector<16xf32>,
      tpu.vector_store %arg19[%swap3A_986], %select_n3A_981 {strides = array<i32>} : memref<77824xf32, #tpu.memory_space<vmem>>, vector<16xf32>,
      %add3A_988 = arith.constant 48 : i32
      %add3A_989 = vector.broadcast %add3A_988 : i32 to vector<16xi32>
      %add3A_990 = arith.addi %iota3A_99, %add3A_989 : vector<16xi32>
      %lt3A_991 = vector.broadcast %scan3A_105 : i32 to vector<16xi32>
      %lt3A_992 = arith.cmpi slt, %add3A_990, %lt3A_991 : vector<16xi32>
      %get3A_993 = arith.constant 1584 : index
      %get3A_994 = tpu.vector_load %arg18[%get3A_993] {strides = array<i32>} : memref<2048xf32, #tpu.memory_space<vmem>>, vector<16xf32>,
      %select_n3A_995 = arith.select %lt3A_992, %get3A_994, %gather3A_945 : vector<16xi1>, vector<16xf32>
      %add3A_996 = arith.constant 960 : i32
      %add3A_997 = arith.addi %mul3A_110, %add3A_996 : i32
      %add3A_998 = arith.constant 48 : i32
      %add3A_999 = arith.addi %add3A_997, %add3A_998 : i32
      %swap3A_1000 = arith.index_cast %add3A_999 : i32 to index
      %swap3A_1001 = tpu.vector_load %arg19[%swap3A_1000] {strides = array<i32>} : memref<77824xf32, #tpu.memory_space<vmem>>, vector<16xf32>,
      tpu.vector_store %arg19[%swap3A_1000], %select_n3A_995 {strides = array<i32>} : memref<77824xf32, #tpu.memory_space<vmem>>, vector<16xf32>,
      %broadcast_in_dim3A_1002 = arith.constant 1664 : i32
      %broadcast_in_dim3A_1003 = vector.broadcast %broadcast_in_dim3A_1002 : i32 to vector<16xi32>
      %gather3A_1004 = tpu.vector_load_idx %arg18[%broadcast_in_dim3A_1003] : memref<2048xf32, #tpu.memory_space<vmem>>[vector<16xi32>], vector<16xf32>,
      %add3A_1005 = arith.constant 0 : i32
      %add3A_1006 = vector.broadcast %add3A_1005 : i32 to vector<16xi32>
      %add3A_1007 = arith.addi %iota3A_99, %add3A_1006 : vector<16xi32>
      %lt3A_1008 = vector.broadcast %scan3A_105 : i32 to vector<16xi32>
      %lt3A_1009 = arith.cmpi slt, %add3A_1007, %lt3A_1008 : vector<16xi32>
      %get3A_1010 = arith.constant 1664 : index
      %get3A_1011 = tpu.vector_load %arg18[%get3A_1010] {strides = array<i32>} : memref<2048xf32, #tpu.memory_space<vmem>>, vector<16xf32>,
      %select_n3A_1012 = arith.select %lt3A_1009, %get3A_1011, %gather3A_1004 : vector<16xi1>, vector<16xf32>
      %add3A_1013 = arith.constant 1024 : i32
      %add3A_1014 = arith.addi %mul3A_110, %add3A_1013 : i32
      %add3A_1015 = arith.constant 0 : i32
      %add3A_1016 = arith.addi %add3A_1014, %add3A_1015 : i32
      %swap3A_1017 = arith.index_cast %add3A_1016 : i32 to index
      %swap3A_1018 = tpu.vector_load %arg19[%swap3A_1017] {strides = array<i32>} : memref<77824xf32, #tpu.memory_space<vmem>>, vector<16xf32>,
      tpu.vector_store %arg19[%swap3A_1017], %select_n3A_1012 {strides = array<i32>} : memref<77824xf32, #tpu.memory_space<vmem>>, vector<16xf32>,
      %add3A_1019 = arith.constant 16 : i32
      %add3A_1020 = vector.broadcast %add3A_1019 : i32 to vector<16xi32>
      %add3A_1021 = arith.addi %iota3A_99, %add3A_1020 : vector<16xi32>
      %lt3A_1022 = vector.broadcast %scan3A_105 : i32 to vector<16xi32>
      %lt3A_1023 = arith.cmpi slt, %add3A_1021, %lt3A_1022 : vector<16xi32>
      %get3A_1024 = arith.constant 1680 : index
      %get3A_1025 = tpu.vector_load %arg18[%get3A_1024] {strides = array<i32>} : memref<2048xf32, #tpu.memory_space<vmem>>, vector<16xf32>,
      %select_n3A_1026 = arith.select %lt3A_1023, %get3A_1025, %gather3A_1004 : vector<16xi1>, vector<16xf32>
      %add3A_1027 = arith.constant 1024 : i32
      %add3A_1028 = arith.addi %mul3A_110, %add3A_1027 : i32
      %add3A_1029 = arith.constant 16 : i32
      %add3A_1030 = arith.addi %add3A_1028, %add3A_1029 : i32
      %swap3A_1031 = arith.index_cast %add3A_1030 : i32 to index
      %swap3A_1032 = tpu.vector_load %arg19[%swap3A_1031] {strides = array<i32>} : memref<77824xf32, #tpu.memory_space<vmem>>, vector<16xf32>,
      tpu.vector_store %arg19[%swap3A_1031], %select_n3A_1026 {strides = array<i32>} : memref<77824xf32, #tpu.memory_space<vmem>>, vector<16xf32>,
      %add3A_1033 = arith.constant 32 : i32
      %add3A_1034 = vector.broadcast %add3A_1033 : i32 to vector<16xi32>
      %add3A_1035 = arith.addi %iota3A_99, %add3A_1034 : vector<16xi32>
      %lt3A_1036 = vector.broadcast %scan3A_105 : i32 to vector<16xi32>
      %lt3A_1037 = arith.cmpi slt, %add3A_1035, %lt3A_1036 : vector<16xi32>
      %get3A_1038 = arith.constant 1696 : index
      %get3A_1039 = tpu.vector_load %arg18[%get3A_1038] {strides = array<i32>} : memref<2048xf32, #tpu.memory_space<vmem>>, vector<16xf32>,
      %select_n3A_1040 = arith.select %lt3A_1037, %get3A_1039, %gather3A_1004 : vector<16xi1>, vector<16xf32>
      %add3A_1041 = arith.constant 1024 : i32
      %add3A_1042 = arith.addi %mul3A_110, %add3A_1041 : i32
      %add3A_1043 = arith.constant 32 : i32
      %add3A_1044 = arith.addi %add3A_1042, %add3A_1043 : i32
      %swap3A_1045 = arith.index_cast %add3A_1044 : i32 to index
      %swap3A_1046 = tpu.vector_load %arg19[%swap3A_1045] {strides = array<i32>} : memref<77824xf32, #tpu.memory_space<vmem>>, vector<16xf32>,
      tpu.vector_store %arg19[%swap3A_1045], %select_n3A_1040 {strides = array<i32>} : memref<77824xf32, #tpu.memory_space<vmem>>, vector<16xf32>,
      %add3A_1047 = arith.constant 48 : i32
      %add3A_1048 = vector.broadcast %add3A_1047 : i32 to vector<16xi32>
      %add3A_1049 = arith.addi %iota3A_99, %add3A_1048 : vector<16xi32>
      %lt3A_1050 = vector.broadcast %scan3A_105 : i32 to vector<16xi32>
      %lt3A_1051 = arith.cmpi slt, %add3A_1049, %lt3A_1050 : vector<16xi32>
      %get3A_1052 = arith.constant 1712 : index
      %get3A_1053 = tpu.vector_load %arg18[%get3A_1052] {strides = array<i32>} : memref<2048xf32, #tpu.memory_space<vmem>>, vector<16xf32>,
      %select_n3A_1054 = arith.select %lt3A_1051, %get3A_1053, %gather3A_1004 : vector<16xi1>, vector<16xf32>
      %add3A_1055 = arith.constant 1024 : i32
      %add3A_1056 = arith.addi %mul3A_110, %add3A_1055 : i32
      %add3A_1057 = arith.constant 48 : i32
      %add3A_1058 = arith.addi %add3A_1056, %add3A_1057 : i32
      %swap3A_1059 = arith.index_cast %add3A_1058 : i32 to index
      %swap3A_1060 = tpu.vector_load %arg19[%swap3A_1059] {strides = array<i32>} : memref<77824xf32, #tpu.memory_space<vmem>>, vector<16xf32>,
      tpu.vector_store %arg19[%swap3A_1059], %select_n3A_1054 {strides = array<i32>} : memref<77824xf32, #tpu.memory_space<vmem>>, vector<16xf32>,
      %broadcast_in_dim3A_1061 = arith.constant 1792 : i32
      %broadcast_in_dim3A_1062 = vector.broadcast %broadcast_in_dim3A_1061 : i32 to vector<16xi32>
      %gather3A_1063 = tpu.vector_load_idx %arg18[%broadcast_in_dim3A_1062] : memref<2048xf32, #tpu.memory_space<vmem>>[vector<16xi32>], vector<16xf32>,
      %add3A_1064 = arith.constant 0 : i32
      %add3A_1065 = vector.broadcast %add3A_1064 : i32 to vector<16xi32>
      %add3A_1066 = arith.addi %iota3A_99, %add3A_1065 : vector<16xi32>
      %lt3A_1067 = vector.broadcast %scan3A_105 : i32 to vector<16xi32>
      %lt3A_1068 = arith.cmpi slt, %add3A_1066, %lt3A_1067 : vector<16xi32>
      %get3A_1069 = arith.constant 1792 : index
      %get3A_1070 = tpu.vector_load %arg18[%get3A_1069] {strides = array<i32>} : memref<2048xf32, #tpu.memory_space<vmem>>, vector<16xf32>,
      %select_n3A_1071 = arith.select %lt3A_1068, %get3A_1070, %gather3A_1063 : vector<16xi1>, vector<16xf32>
      %add3A_1072 = arith.constant 1088 : i32
      %add3A_1073 = arith.addi %mul3A_110, %add3A_1072 : i32
      %add3A_1074 = arith.constant 0 : i32
      %add3A_1075 = arith.addi %add3A_1073, %add3A_1074 : i32
      %swap3A_1076 = arith.index_cast %add3A_1075 : i32 to index
      %swap3A_1077 = tpu.vector_load %arg19[%swap3A_1076] {strides = array<i32>} : memref<77824xf32, #tpu.memory_space<vmem>>, vector<16xf32>,
      tpu.vector_store %arg19[%swap3A_1076], %select_n3A_1071 {strides = array<i32>} : memref<77824xf32, #tpu.memory_space<vmem>>, vector<16xf32>,
      %add3A_1078 = arith.constant 16 : i32
      %add3A_1079 = vector.broadcast %add3A_1078 : i32 to vector<16xi32>
      %add3A_1080 = arith.addi %iota3A_99, %add3A_1079 : vector<16xi32>
      %lt3A_1081 = vector.broadcast %scan3A_105 : i32 to vector<16xi32>
      %lt3A_1082 = arith.cmpi slt, %add3A_1080, %lt3A_1081 : vector<16xi32>
      %get3A_1083 = arith.constant 1808 : index
      %get3A_1084 = tpu.vector_load %arg18[%get3A_1083] {strides = array<i32>} : memref<2048xf32, #tpu.memory_space<vmem>>, vector<16xf32>,
      %select_n3A_1085 = arith.select %lt3A_1082, %get3A_1084, %gather3A_1063 : vector<16xi1>, vector<16xf32>
      %add3A_1086 = arith.constant 1088 : i32
      %add3A_1087 = arith.addi %mul3A_110, %add3A_1086 : i32
      %add3A_1088 = arith.constant 16 : i32
      %add3A_1089 = arith.addi %add3A_1087, %add3A_1088 : i32
      %swap3A_1090 = arith.index_cast %add3A_1089 : i32 to index
      %swap3A_1091 = tpu.vector_load %arg19[%swap3A_1090] {strides = array<i32>} : memref<77824xf32, #tpu.memory_space<vmem>>, vector<16xf32>,
      tpu.vector_store %arg19[%swap3A_1090], %select_n3A_1085 {strides = array<i32>} : memref<77824xf32, #tpu.memory_space<vmem>>, vector<16xf32>,
      %add3A_1092 = arith.constant 32 : i32
      %add3A_1093 = vector.broadcast %add3A_1092 : i32 to vector<16xi32>
      %add3A_1094 = arith.addi %iota3A_99, %add3A_1093 : vector<16xi32>
      %lt3A_1095 = vector.broadcast %scan3A_105 : i32 to vector<16xi32>
      %lt3A_1096 = arith.cmpi slt, %add3A_1094, %lt3A_1095 : vector<16xi32>
      %get3A_1097 = arith.constant 1824 : index
      %get3A_1098 = tpu.vector_load %arg18[%get3A_1097] {strides = array<i32>} : memref<2048xf32, #tpu.memory_space<vmem>>, vector<16xf32>,
      %select_n3A_1099 = arith.select %lt3A_1096, %get3A_1098, %gather3A_1063 : vector<16xi1>, vector<16xf32>
      %add3A_1100 = arith.constant 1088 : i32
      %add3A_1101 = arith.addi %mul3A_110, %add3A_1100 : i32
      %add3A_1102 = arith.constant 32 : i32
      %add3A_1103 = arith.addi %add3A_1101, %add3A_1102 : i32
      %swap3A_1104 = arith.index_cast %add3A_1103 : i32 to index
      %swap3A_1105 = tpu.vector_load %arg19[%swap3A_1104] {strides = array<i32>} : memref<77824xf32, #tpu.memory_space<vmem>>, vector<16xf32>,
      tpu.vector_store %arg19[%swap3A_1104], %select_n3A_1099 {strides = array<i32>} : memref<77824xf32, #tpu.memory_space<vmem>>, vector<16xf32>,
      %add3A_1106 = arith.constant 48 : i32
      %add3A_1107 = vector.broadcast %add3A_1106 : i32 to vector<16xi32>
      %add3A_1108 = arith.addi %iota3A_99, %add3A_1107 : vector<16xi32>
      %lt3A_1109 = vector.broadcast %scan3A_105 : i32 to vector<16xi32>
      %lt3A_1110 = arith.cmpi slt, %add3A_1108, %lt3A_1109 : vector<16xi32>
      %get3A_1111 = arith.constant 1840 : index
      %get3A_1112 = tpu.vector_load %arg18[%get3A_1111] {strides = array<i32>} : memref<2048xf32, #tpu.memory_space<vmem>>, vector<16xf32>,
      %select_n3A_1113 = arith.select %lt3A_1110, %get3A_1112, %gather3A_1063 : vector<16xi1>, vector<16xf32>
      %add3A_1114 = arith.constant 1088 : i32
      %add3A_1115 = arith.addi %mul3A_110, %add3A_1114 : i32
      %add3A_1116 = arith.constant 48 : i32
      %add3A_1117 = arith.addi %add3A_1115, %add3A_1116 : i32
      %swap3A_1118 = arith.index_cast %add3A_1117 : i32 to index
      %swap3A_1119 = tpu.vector_load %arg19[%swap3A_1118] {strides = array<i32>} : memref<77824xf32, #tpu.memory_space<vmem>>, vector<16xf32>,
      tpu.vector_store %arg19[%swap3A_1118], %select_n3A_1113 {strides = array<i32>} : memref<77824xf32, #tpu.memory_space<vmem>>, vector<16xf32>,
      %broadcast_in_dim3A_1120 = arith.constant 1920 : i32
      %broadcast_in_dim3A_1121 = vector.broadcast %broadcast_in_dim3A_1120 : i32 to vector<16xi32>
      %gather3A_1122 = tpu.vector_load_idx %arg18[%broadcast_in_dim3A_1121] : memref<2048xf32, #tpu.memory_space<vmem>>[vector<16xi32>], vector<16xf32>,
      %add3A_1123 = arith.constant 0 : i32
      %add3A_1124 = vector.broadcast %add3A_1123 : i32 to vector<16xi32>
      %add3A_1125 = arith.addi %iota3A_99, %add3A_1124 : vector<16xi32>
      %lt3A_1126 = vector.broadcast %scan3A_105 : i32 to vector<16xi32>
      %lt3A_1127 = arith.cmpi slt, %add3A_1125, %lt3A_1126 : vector<16xi32>
      %get3A_1128 = arith.constant 1920 : index
      %get3A_1129 = tpu.vector_load %arg18[%get3A_1128] {strides = array<i32>} : memref<2048xf32, #tpu.memory_space<vmem>>, vector<16xf32>,
      %select_n3A_1130 = arith.select %lt3A_1127, %get3A_1129, %gather3A_1122 : vector<16xi1>, vector<16xf32>
      %add3A_1131 = arith.constant 1152 : i32
      %add3A_1132 = arith.addi %mul3A_110, %add3A_1131 : i32
      %add3A_1133 = arith.constant 0 : i32
      %add3A_1134 = arith.addi %add3A_1132, %add3A_1133 : i32
      %swap3A_1135 = arith.index_cast %add3A_1134 : i32 to index
      %swap3A_1136 = tpu.vector_load %arg19[%swap3A_1135] {strides = array<i32>} : memref<77824xf32, #tpu.memory_space<vmem>>, vector<16xf32>,
      tpu.vector_store %arg19[%swap3A_1135], %select_n3A_1130 {strides = array<i32>} : memref<77824xf32, #tpu.memory_space<vmem>>, vector<16xf32>,
      %add3A_1137 = arith.constant 16 : i32
      %add3A_1138 = vector.broadcast %add3A_1137 : i32 to vector<16xi32>
      %add3A_1139 = arith.addi %iota3A_99, %add3A_1138 : vector<16xi32>
      %lt3A_1140 = vector.broadcast %scan3A_105 : i32 to vector<16xi32>
      %lt3A_1141 = arith.cmpi slt, %add3A_1139, %lt3A_1140 : vector<16xi32>
      %get3A_1142 = arith.constant 1936 : index
      %get3A_1143 = tpu.vector_load %arg18[%get3A_1142] {strides = array<i32>} : memref<2048xf32, #tpu.memory_space<vmem>>, vector<16xf32>,
      %select_n3A_1144 = arith.select %lt3A_1141, %get3A_1143, %gather3A_1122 : vector<16xi1>, vector<16xf32>
      %add3A_1145 = arith.constant 1152 : i32
      %add3A_1146 = arith.addi %mul3A_110, %add3A_1145 : i32
      %add3A_1147 = arith.constant 16 : i32
      %add3A_1148 = arith.addi %add3A_1146, %add3A_1147 : i32
      %swap3A_1149 = arith.index_cast %add3A_1148 : i32 to index
      %swap3A_1150 = tpu.vector_load %arg19[%swap3A_1149] {strides = array<i32>} : memref<77824xf32, #tpu.memory_space<vmem>>, vector<16xf32>,
      tpu.vector_store %arg19[%swap3A_1149], %select_n3A_1144 {strides = array<i32>} : memref<77824xf32, #tpu.memory_space<vmem>>, vector<16xf32>,
      %add3A_1151 = arith.constant 32 : i32
      %add3A_1152 = vector.broadcast %add3A_1151 : i32 to vector<16xi32>
      %add3A_1153 = arith.addi %iota3A_99, %add3A_1152 : vector<16xi32>
      %lt3A_1154 = vector.broadcast %scan3A_105 : i32 to vector<16xi32>
      %lt3A_1155 = arith.cmpi slt, %add3A_1153, %lt3A_1154 : vector<16xi32>
      %get3A_1156 = arith.constant 1952 : index
      %get3A_1157 = tpu.vector_load %arg18[%get3A_1156] {strides = array<i32>} : memref<2048xf32, #tpu.memory_space<vmem>>, vector<16xf32>,
      %select_n3A_1158 = arith.select %lt3A_1155, %get3A_1157, %gather3A_1122 : vector<16xi1>, vector<16xf32>
      %add3A_1159 = arith.constant 1152 : i32
      %add3A_1160 = arith.addi %mul3A_110, %add3A_1159 : i32
      %add3A_1161 = arith.constant 32 : i32
      %add3A_1162 = arith.addi %add3A_1160, %add3A_1161 : i32
      %swap3A_1163 = arith.index_cast %add3A_1162 : i32 to index
      %swap3A_1164 = tpu.vector_load %arg19[%swap3A_1163] {strides = array<i32>} : memref<77824xf32, #tpu.memory_space<vmem>>, vector<16xf32>,
      tpu.vector_store %arg19[%swap3A_1163], %select_n3A_1158 {strides = array<i32>} : memref<77824xf32, #tpu.memory_space<vmem>>, vector<16xf32>,
      %add3A_1165 = arith.constant 48 : i32
      %add3A_1166 = vector.broadcast %add3A_1165 : i32 to vector<16xi32>
      %add3A_1167 = arith.addi %iota3A_99, %add3A_1166 : vector<16xi32>
      %lt3A_1168 = vector.broadcast %scan3A_105 : i32 to vector<16xi32>
      %lt3A_1169 = arith.cmpi slt, %add3A_1167, %lt3A_1168 : vector<16xi32>
      %get3A_1170 = arith.constant 1968 : index
      %get3A_1171 = tpu.vector_load %arg18[%get3A_1170] {strides = array<i32>} : memref<2048xf32, #tpu.memory_space<vmem>>, vector<16xf32>,
      %select_n3A_1172 = arith.select %lt3A_1169, %get3A_1171, %gather3A_1122 : vector<16xi1>, vector<16xf32>
      %add3A_1173 = arith.constant 1152 : i32
      %add3A_1174 = arith.addi %mul3A_110, %add3A_1173 : i32
      %add3A_1175 = arith.constant 48 : i32
      %add3A_1176 = arith.addi %add3A_1174, %add3A_1175 : i32
      %swap3A_1177 = arith.index_cast %add3A_1176 : i32 to index
      %swap3A_1178 = tpu.vector_load %arg19[%swap3A_1177] {strides = array<i32>} : memref<77824xf32, #tpu.memory_space<vmem>>, vector<16xf32>,
      tpu.vector_store %arg19[%swap3A_1177], %select_n3A_1172 {strides = array<i32>} : memref<77824xf32, #tpu.memory_space<vmem>>, vector<16xf32>,
    }
    %scan3A_78 = arith.constant 64 : i32
    %mul3A_79 = arith.constant 128 : i32
    %mul3A_80 = arith.muli %select_n3A, %mul3A_79 : i32
    %mul3A_81 = arith.constant 64 : i32
    %mul3A_82 = arith.muli %select_n3A_31, %mul3A_81 : i32
    %add3A_83 = arith.addi %mul3A_80, %mul3A_82 : i32
    %mul3A_84 = arith.constant 19 : i32
    %mul3A_85 = arith.muli %add3A_83, %mul3A_84 : i32
    %mul3A_86 = arith.constant 64 : i32
    %mul3A_87 = arith.muli %mul3A_85, %mul3A_86 : i32
    "tpu.region"() ({
      %run_scoped3A = tpu.sem_alloc : memref<!tpu.dma_semaphore, #tpu.memory_space<semaphore_mem>>
      %dma_start3A = tpu.memref_slice %arg6[%mul3A_87] : memref<2490368xf32, #tpu.memory_space<hbm>> -> memref<77824xf32, #tpu.memory_space<hbm>>
      %dma_start3A_88 = tpu.memref_slice %arg6[%mul3A_87] : memref<2490368xf32, #tpu.memory_space<hbm>> -> memref<77824xf32, #tpu.memory_space<hbm>>
      tpu.enqueue_dma source(%arg19 : memref<77824xf32, #tpu.memory_space<vmem>>) target(%dma_start3A_88 : memref<77824xf32, #tpu.memory_space<hbm>>) target_semaphore(%run_scoped3A : memref<!tpu.dma_semaphore, #tpu.memory_space<semaphore_mem>>)
      %dma_wait3A = tpu.memref_slice %arg6[%mul3A_87] : memref<2490368xf32, #tpu.memory_space<hbm>> -> memref<77824xf32, #tpu.memory_space<hbm>>
      %dma_wait3A_89 = tpu.memref_slice %arg6[%mul3A_87] : memref<2490368xf32, #tpu.memory_space<hbm>> -> memref<77824xf32, #tpu.memory_space<hbm>>
      tpu.wait_dma2 semaphore(%run_scoped3A : memref<!tpu.dma_semaphore, #tpu.memory_space<semaphore_mem>>) src(%arg19 : memref<77824xf32, #tpu.memory_space<vmem>>) dst(%dma_wait3A_89 : memref<77824xf32, #tpu.memory_space<hbm>>)
      tpu.yield
    }) : () -> ()
    return
  }
}

#map = affine_map<(d0, d1) -> (0)>
module attributes {stable_mosaic.version = 14 : i64} {
  func.func @_rewritten_body(%arg0: i32, %arg1: i32, %arg2: memref<393216xf32, #tpu.memory_space<hbm>>, %arg3: memref<12288xf32, #tpu.memory_space<hbm>>, %arg4: memref<16xf32, #tpu.memory_space<hbm>>, %arg5: memref<1xf32, #tpu.memory_space<hbm>>, %arg6: memref<393216xf32, #tpu.memory_space<hbm>>, %arg7: memref<8192xf32, #tpu.memory_space<vmem>>, %arg8: memref<8192xf32, #tpu.memory_space<vmem>>, %arg9: memref<8192xf32, #tpu.memory_space<vmem>>, %arg10: memref<8192xf32, #tpu.memory_space<vmem>>, %arg11: memref<256xf32, #tpu.memory_space<vmem>>, %arg12: memref<256xf32, #tpu.memory_space<vmem>>, %arg13: memref<256xf32, #tpu.memory_space<vmem>>, %arg14: memref<64xf32, #tpu.memory_space<vmem>>, %arg15: memref<64xf32, #tpu.memory_space<vmem>>, %arg16: memref<64xf32, #tpu.memory_space<vmem>>, %arg17: memref<16xf32, #tpu.memory_space<vmem>>, %arg18: memref<64xf32, #tpu.memory_space<vmem>>, %arg19: memref<12288xf32, #tpu.memory_space<vmem>>) attributes {dimension_semantics = [#tpu.dimension_semantics<core_parallel>, #tpu.dimension_semantics<subcore_parallel>], iteration_bounds = array<i64: 2, 16>, scalar_prefetch = 0 : i64, scratch_operands = 13 : i64, tpu.core_type = #tpu.core_type<sc_vector_subcore>, window_params = [{transform_indices = #map}, {transform_indices = #map}, {transform_indices = #map}, {transform_indices = #map}, {transform_indices = #map}]} {
    %empty_ref3A = memref.alloca() : memref<16xf32, #tpu.memory_space<vmem>>
    "tpu.region"() ({
      %run_scoped3A = tpu.sem_alloc : memref<!tpu.dma_semaphore, #tpu.memory_space<semaphore_mem>>
      %dma_start3A = arith.constant 0 : i32
      %dma_start3A_84 = tpu.memref_slice %empty_ref3A[%dma_start3A] : memref<16xf32, #tpu.memory_space<vmem>> -> memref<1xf32, #tpu.memory_space<vmem>>
      %dma_start3A_85 = arith.constant 0 : i32
      %dma_start3A_86 = tpu.memref_slice %empty_ref3A[%dma_start3A_85] : memref<16xf32, #tpu.memory_space<vmem>> -> memref<1xf32, #tpu.memory_space<vmem>>
      tpu.enqueue_dma source(%arg5 : memref<1xf32, #tpu.memory_space<hbm>>) target(%dma_start3A_86 : memref<1xf32, #tpu.memory_space<vmem>>) target_semaphore(%run_scoped3A : memref<!tpu.dma_semaphore, #tpu.memory_space<semaphore_mem>>)
      %dma_wait3A = arith.constant 0 : i32
      %dma_wait3A_87 = tpu.memref_slice %empty_ref3A[%dma_wait3A] : memref<16xf32, #tpu.memory_space<vmem>> -> memref<1xf32, #tpu.memory_space<vmem>>
      %dma_wait3A_88 = arith.constant 0 : i32
      %dma_wait3A_89 = tpu.memref_slice %empty_ref3A[%dma_wait3A_88] : memref<16xf32, #tpu.memory_space<vmem>> -> memref<1xf32, #tpu.memory_space<vmem>>
      tpu.wait_dma2 semaphore(%run_scoped3A : memref<!tpu.dma_semaphore, #tpu.memory_space<semaphore_mem>>) src(%arg5 : memref<1xf32, #tpu.memory_space<hbm>>) dst(%dma_wait3A_89 : memref<1xf32, #tpu.memory_space<vmem>>)
      tpu.yield
    }) : () -> ()
    %get3A = arith.constant 0 : index
    %get3A_0 = tpu.vector_load %empty_ref3A[%get3A] {strides = array<i32>} : memref<16xf32, #tpu.memory_space<vmem>>, vector<16xf32>,
    %slice3A = vector.extract_strided_slice %get3A_0 {offsets = [0], sizes = [1], strides = [1]} : vector<16xf32> to vector<1xf32>
    %squeeze3A = vector.extract %slice3A[0] : f32 from vector<1xf32>
    %mul3A = arith.constant 2 : i32
    %mul3A_1 = arith.muli %arg1, %mul3A : i32
    %add3A = arith.addi %mul3A_1, %arg0 : i32
    %jit3A = arith.constant 2 : i32
    %div3A = arith.divsi %add3A, %jit3A : i32
    %sign3A = arith.constant 0 : i32
    %sign3A_2 = arith.cmpi sgt, %add3A, %sign3A : i32
    %sign3A_3 = arith.extui %sign3A_2 : i1 to i32
    %sign3A_4 = arith.constant 0 : i32
    %sign3A_5 = arith.cmpi slt, %add3A, %sign3A_4 : i32
    %sign3A_6 = arith.extui %sign3A_5 : i1 to i32
    %sign3A_7 = arith.subi %sign3A_3, %sign3A_6 : i32
    %sign3A_8 = arith.constant 0 : i32
    %sign3A_9 = arith.cmpi sgt, %jit3A, %sign3A_8 : i32
    %sign3A_10 = arith.extui %sign3A_9 : i1 to i32
    %sign3A_11 = arith.constant 0 : i32
    %sign3A_12 = arith.cmpi slt, %jit3A, %sign3A_11 : i32
    %sign3A_13 = arith.extui %sign3A_12 : i1 to i32
    %sign3A_14 = arith.subi %sign3A_10, %sign3A_13 : i32
    %ne3A = arith.cmpi ne, %sign3A_7, %sign3A_14 : i32
    %rem3A = arith.remsi %add3A, %jit3A : i32
    %ne3A_15 = arith.constant 0 : i32
    %ne3A_16 = arith.cmpi ne, %rem3A, %ne3A_15 : i32
    %and3A = arith.andi %ne3A, %ne3A_16 : i1
    %sub3A = arith.constant 1 : i32
    %sub3A_17 = arith.subi %div3A, %sub3A : i32
    %select_n3A = arith.select %and3A, %sub3A_17, %div3A : i32
    %jit3A_18 = arith.constant 2 : i32
    %eq3A = arith.constant 0 : i32
    %eq3A_19 = arith.cmpi eq, %jit3A_18, %eq3A : i32
    %jit3A_20 = arith.constant 1 : i32
    %select_n3A_21 = arith.select %eq3A_19, %jit3A_20, %jit3A_18 : i32
    %rem3A_22 = arith.remsi %add3A, %select_n3A_21 : i32
    %ne3A_23 = arith.constant 0 : i32
    %ne3A_24 = arith.cmpi ne, %rem3A_22, %ne3A_23 : i32
    %lt3A = arith.constant 0 : i32
    %lt3A_25 = arith.cmpi slt, %rem3A_22, %lt3A : i32
    %lt3A_26 = arith.constant 0 : i32
    %lt3A_27 = arith.cmpi slt, %select_n3A_21, %lt3A_26 : i32
    %ne3A_28 = arith.xori %lt3A_25, %lt3A_27 : i1
    %and3A_29 = arith.andi %ne3A_28, %ne3A_24 : i1
    %add3A_30 = arith.addi %rem3A_22, %select_n3A_21 : i32
    %select_n3A_31 = arith.select %and3A_29, %add3A_30, %rem3A_22 : i32
    %mul3A_32 = arith.constant 3 : i32
    %mul3A_33 = arith.muli %select_n3A, %mul3A_32 : i32
    %mul3A_34 = arith.constant 8192 : i32
    %mul3A_35 = arith.muli %mul3A_33, %mul3A_34 : i32
    "tpu.region"() ({
      %run_scoped3A = tpu.sem_alloc : memref<!tpu.dma_semaphore, #tpu.memory_space<semaphore_mem>>
      %dma_start3A = tpu.memref_slice %arg2[%mul3A_35] : memref<393216xf32, #tpu.memory_space<hbm>> -> memref<8192xf32, #tpu.memory_space<hbm>>
      %dma_start3A_84 = tpu.memref_slice %arg2[%mul3A_35] : memref<393216xf32, #tpu.memory_space<hbm>> -> memref<8192xf32, #tpu.memory_space<hbm>>
      tpu.enqueue_dma source(%dma_start3A_84 : memref<8192xf32, #tpu.memory_space<hbm>>) target(%arg7 : memref<8192xf32, #tpu.memory_space<vmem>>) target_semaphore(%run_scoped3A : memref<!tpu.dma_semaphore, #tpu.memory_space<semaphore_mem>>)
      %dma_wait3A = tpu.memref_slice %arg2[%mul3A_35] : memref<393216xf32, #tpu.memory_space<hbm>> -> memref<8192xf32, #tpu.memory_space<hbm>>
      %dma_wait3A_85 = tpu.memref_slice %arg2[%mul3A_35] : memref<393216xf32, #tpu.memory_space<hbm>> -> memref<8192xf32, #tpu.memory_space<hbm>>
      tpu.wait_dma2 semaphore(%run_scoped3A : memref<!tpu.dma_semaphore, #tpu.memory_space<semaphore_mem>>) src(%dma_wait3A_85 : memref<8192xf32, #tpu.memory_space<hbm>>) dst(%arg7 : memref<8192xf32, #tpu.memory_space<vmem>>)
      tpu.yield
    }) : () -> ()
    %mul3A_36 = arith.constant 3 : i32
    %mul3A_37 = arith.muli %select_n3A, %mul3A_36 : i32
    %mul3A_38 = arith.constant 8192 : i32
    %mul3A_39 = arith.muli %mul3A_37, %mul3A_38 : i32
    %add3A_40 = arith.constant 8192 : i32
    %add3A_41 = arith.addi %mul3A_39, %add3A_40 : i32
    "tpu.region"() ({
      %run_scoped3A = tpu.sem_alloc : memref<!tpu.dma_semaphore, #tpu.memory_space<semaphore_mem>>
      %dma_start3A = tpu.memref_slice %arg2[%add3A_41] : memref<393216xf32, #tpu.memory_space<hbm>> -> memref<8192xf32, #tpu.memory_space<hbm>>
      %dma_start3A_84 = tpu.memref_slice %arg2[%add3A_41] : memref<393216xf32, #tpu.memory_space<hbm>> -> memref<8192xf32, #tpu.memory_space<hbm>>
      tpu.enqueue_dma source(%dma_start3A_84 : memref<8192xf32, #tpu.memory_space<hbm>>) target(%arg8 : memref<8192xf32, #tpu.memory_space<vmem>>) target_semaphore(%run_scoped3A : memref<!tpu.dma_semaphore, #tpu.memory_space<semaphore_mem>>)
      %dma_wait3A = tpu.memref_slice %arg2[%add3A_41] : memref<393216xf32, #tpu.memory_space<hbm>> -> memref<8192xf32, #tpu.memory_space<hbm>>
      %dma_wait3A_85 = tpu.memref_slice %arg2[%add3A_41] : memref<393216xf32, #tpu.memory_space<hbm>> -> memref<8192xf32, #tpu.memory_space<hbm>>
      tpu.wait_dma2 semaphore(%run_scoped3A : memref<!tpu.dma_semaphore, #tpu.memory_space<semaphore_mem>>) src(%dma_wait3A_85 : memref<8192xf32, #tpu.memory_space<hbm>>) dst(%arg8 : memref<8192xf32, #tpu.memory_space<vmem>>)
      tpu.yield
    }) : () -> ()
    %mul3A_42 = arith.constant 3 : i32
    %mul3A_43 = arith.muli %select_n3A, %mul3A_42 : i32
    %mul3A_44 = arith.constant 8192 : i32
    %mul3A_45 = arith.muli %mul3A_43, %mul3A_44 : i32
    %add3A_46 = arith.constant 16384 : i32
    %add3A_47 = arith.addi %mul3A_45, %add3A_46 : i32
    "tpu.region"() ({
      %run_scoped3A = tpu.sem_alloc : memref<!tpu.dma_semaphore, #tpu.memory_space<semaphore_mem>>
      %dma_start3A = tpu.memref_slice %arg2[%add3A_47] : memref<393216xf32, #tpu.memory_space<hbm>> -> memref<8192xf32, #tpu.memory_space<hbm>>
      %dma_start3A_84 = tpu.memref_slice %arg2[%add3A_47] : memref<393216xf32, #tpu.memory_space<hbm>> -> memref<8192xf32, #tpu.memory_space<hbm>>
      tpu.enqueue_dma source(%dma_start3A_84 : memref<8192xf32, #tpu.memory_space<hbm>>) target(%arg9 : memref<8192xf32, #tpu.memory_space<vmem>>) target_semaphore(%run_scoped3A : memref<!tpu.dma_semaphore, #tpu.memory_space<semaphore_mem>>)
      %dma_wait3A = tpu.memref_slice %arg2[%add3A_47] : memref<393216xf32, #tpu.memory_space<hbm>> -> memref<8192xf32, #tpu.memory_space<hbm>>
      %dma_wait3A_85 = tpu.memref_slice %arg2[%add3A_47] : memref<393216xf32, #tpu.memory_space<hbm>> -> memref<8192xf32, #tpu.memory_space<hbm>>
      tpu.wait_dma2 semaphore(%run_scoped3A : memref<!tpu.dma_semaphore, #tpu.memory_space<semaphore_mem>>) src(%dma_wait3A_85 : memref<8192xf32, #tpu.memory_space<hbm>>) dst(%arg9 : memref<8192xf32, #tpu.memory_space<vmem>>)
      tpu.yield
    }) : () -> ()
    %mul3A_48 = arith.constant 3 : i32
    %mul3A_49 = arith.muli %select_n3A, %mul3A_48 : i32
    %mul3A_50 = arith.constant 256 : i32
    %mul3A_51 = arith.muli %mul3A_49, %mul3A_50 : i32
    "tpu.region"() ({
      %run_scoped3A = tpu.sem_alloc : memref<!tpu.dma_semaphore, #tpu.memory_space<semaphore_mem>>
      %dma_start3A = tpu.memref_slice %arg3[%mul3A_51] : memref<12288xf32, #tpu.memory_space<hbm>> -> memref<256xf32, #tpu.memory_space<hbm>>
      %dma_start3A_84 = tpu.memref_slice %arg3[%mul3A_51] : memref<12288xf32, #tpu.memory_space<hbm>> -> memref<256xf32, #tpu.memory_space<hbm>>
      tpu.enqueue_dma source(%dma_start3A_84 : memref<256xf32, #tpu.memory_space<hbm>>) target(%arg11 : memref<256xf32, #tpu.memory_space<vmem>>) target_semaphore(%run_scoped3A : memref<!tpu.dma_semaphore, #tpu.memory_space<semaphore_mem>>)
      %dma_wait3A = tpu.memref_slice %arg3[%mul3A_51] : memref<12288xf32, #tpu.memory_space<hbm>> -> memref<256xf32, #tpu.memory_space<hbm>>
      %dma_wait3A_85 = tpu.memref_slice %arg3[%mul3A_51] : memref<12288xf32, #tpu.memory_space<hbm>> -> memref<256xf32, #tpu.memory_space<hbm>>
      tpu.wait_dma2 semaphore(%run_scoped3A : memref<!tpu.dma_semaphore, #tpu.memory_space<semaphore_mem>>) src(%dma_wait3A_85 : memref<256xf32, #tpu.memory_space<hbm>>) dst(%arg11 : memref<256xf32, #tpu.memory_space<vmem>>)
      tpu.yield
    }) : () -> ()
    %mul3A_52 = arith.constant 3 : i32
    %mul3A_53 = arith.muli %select_n3A, %mul3A_52 : i32
    %mul3A_54 = arith.constant 256 : i32
    %mul3A_55 = arith.muli %mul3A_53, %mul3A_54 : i32
    %add3A_56 = arith.constant 256 : i32
    %add3A_57 = arith.addi %mul3A_55, %add3A_56 : i32
    "tpu.region"() ({
      %run_scoped3A = tpu.sem_alloc : memref<!tpu.dma_semaphore, #tpu.memory_space<semaphore_mem>>
      %dma_start3A = tpu.memref_slice %arg3[%add3A_57] : memref<12288xf32, #tpu.memory_space<hbm>> -> memref<256xf32, #tpu.memory_space<hbm>>
      %dma_start3A_84 = tpu.memref_slice %arg3[%add3A_57] : memref<12288xf32, #tpu.memory_space<hbm>> -> memref<256xf32, #tpu.memory_space<hbm>>
      tpu.enqueue_dma source(%dma_start3A_84 : memref<256xf32, #tpu.memory_space<hbm>>) target(%arg12 : memref<256xf32, #tpu.memory_space<vmem>>) target_semaphore(%run_scoped3A : memref<!tpu.dma_semaphore, #tpu.memory_space<semaphore_mem>>)
      %dma_wait3A = tpu.memref_slice %arg3[%add3A_57] : memref<12288xf32, #tpu.memory_space<hbm>> -> memref<256xf32, #tpu.memory_space<hbm>>
      %dma_wait3A_85 = tpu.memref_slice %arg3[%add3A_57] : memref<12288xf32, #tpu.memory_space<hbm>> -> memref<256xf32, #tpu.memory_space<hbm>>
      tpu.wait_dma2 semaphore(%run_scoped3A : memref<!tpu.dma_semaphore, #tpu.memory_space<semaphore_mem>>) src(%dma_wait3A_85 : memref<256xf32, #tpu.memory_space<hbm>>) dst(%arg12 : memref<256xf32, #tpu.memory_space<vmem>>)
      tpu.yield
    }) : () -> ()
    %mul3A_58 = arith.constant 3 : i32
    %mul3A_59 = arith.muli %select_n3A, %mul3A_58 : i32
    %mul3A_60 = arith.constant 256 : i32
    %mul3A_61 = arith.muli %mul3A_59, %mul3A_60 : i32
    %add3A_62 = arith.constant 512 : i32
    %add3A_63 = arith.addi %mul3A_61, %add3A_62 : i32
    "tpu.region"() ({
      %run_scoped3A = tpu.sem_alloc : memref<!tpu.dma_semaphore, #tpu.memory_space<semaphore_mem>>
      %dma_start3A = tpu.memref_slice %arg3[%add3A_63] : memref<12288xf32, #tpu.memory_space<hbm>> -> memref<256xf32, #tpu.memory_space<hbm>>
      %dma_start3A_84 = tpu.memref_slice %arg3[%add3A_63] : memref<12288xf32, #tpu.memory_space<hbm>> -> memref<256xf32, #tpu.memory_space<hbm>>
      tpu.enqueue_dma source(%dma_start3A_84 : memref<256xf32, #tpu.memory_space<hbm>>) target(%arg13 : memref<256xf32, #tpu.memory_space<vmem>>) target_semaphore(%run_scoped3A : memref<!tpu.dma_semaphore, #tpu.memory_space<semaphore_mem>>)
      %dma_wait3A = tpu.memref_slice %arg3[%add3A_63] : memref<12288xf32, #tpu.memory_space<hbm>> -> memref<256xf32, #tpu.memory_space<hbm>>
      %dma_wait3A_85 = tpu.memref_slice %arg3[%add3A_63] : memref<12288xf32, #tpu.memory_space<hbm>> -> memref<256xf32, #tpu.memory_space<hbm>>
      tpu.wait_dma2 semaphore(%run_scoped3A : memref<!tpu.dma_semaphore, #tpu.memory_space<semaphore_mem>>) src(%dma_wait3A_85 : memref<256xf32, #tpu.memory_space<hbm>>) dst(%arg13 : memref<256xf32, #tpu.memory_space<vmem>>)
      tpu.yield
    }) : () -> ()
    %iota3A = tpu.iota {dimensions = array<i32: 0>} : vector<16xi32>
    %scan3A = arith.constant 0 : i32
    %scan3A_64 = arith.constant 0 : i32
    %scan3A_65 = arith.constant 512 : i32
    %scan3A_66 = arith.addi %scan3A_64, %scan3A_65 : i32
    %scan3A_67 = arith.constant 1 : i32
    scf.for %scan3A_84 = %scan3A_64 to %scan3A_66 step %scan3A_67  : i32 {
      %mul3A_85 = arith.constant 16 : i32
      %mul3A_86 = arith.muli %scan3A_84, %mul3A_85 : i32
      %get3A_87 = arith.index_cast %mul3A_86 : i32 to index
      %get3A_88 = tpu.vector_load %arg7[%get3A_87] {strides = array<i32>} : memref<8192xf32, #tpu.memory_space<vmem>>, vector<16xf32>,
      %get3A_89 = arith.index_cast %mul3A_86 : i32 to index
      %get3A_90 = tpu.vector_load %arg8[%get3A_89] {strides = array<i32>} : memref<8192xf32, #tpu.memory_space<vmem>>, vector<16xf32>,
      %get3A_91 = arith.index_cast %mul3A_86 : i32 to index
      %get3A_92 = tpu.vector_load %arg9[%get3A_91] {strides = array<i32>} : memref<8192xf32, #tpu.memory_space<vmem>>, vector<16xf32>,
      %mul3A_93 = arith.mulf %get3A_88, %get3A_88 : vector<16xf32>
      %mul3A_94 = arith.mulf %get3A_90, %get3A_90 : vector<16xf32>
      %add3A_95 = arith.addf %mul3A_93, %mul3A_94 : vector<16xf32>
      %mul3A_96 = arith.mulf %get3A_92, %get3A_92 : vector<16xf32>
      %add3A_97 = arith.addf %add3A_95, %mul3A_96 : vector<16xf32>
      %swap3A = arith.index_cast %mul3A_86 : i32 to index
      %swap3A_98 = tpu.vector_load %arg10[%swap3A] {strides = array<i32>} : memref<8192xf32, #tpu.memory_space<vmem>>, vector<16xf32>,
      tpu.vector_store %arg10[%swap3A], %add3A_97 {strides = array<i32>} : memref<8192xf32, #tpu.memory_space<vmem>>, vector<16xf32>,
    }
    %scan3A_68 = arith.constant 512 : i32
    %scan3A_69 = arith.constant 0 : i32
    %scan3A_70 = arith.constant 0 : i32
    %scan3A_71 = arith.constant 128 : i32
    %scan3A_72 = arith.addi %scan3A_70, %scan3A_71 : i32
    %scan3A_73 = arith.constant 1 : i32
    scf.for %scan3A_84 = %scan3A_70 to %scan3A_72 step %scan3A_73  : i32 {
      %mul3A_85 = arith.constant 128 : i32
      %mul3A_86 = arith.muli %select_n3A_31, %mul3A_85 : i32
      %add3A_87 = arith.addi %mul3A_86, %scan3A_84 : i32
      %broadcast_in_dim3A = vector.broadcast %add3A_87 : i32 to vector<16xi32>
      %gather3A = tpu.vector_load_idx %arg11[%broadcast_in_dim3A] : memref<256xf32, #tpu.memory_space<vmem>>[vector<16xi32>], vector<16xf32>,
      %gather3A_88 = tpu.vector_load_idx %arg12[%broadcast_in_dim3A] : memref<256xf32, #tpu.memory_space<vmem>>[vector<16xi32>], vector<16xf32>,
      %gather3A_89 = tpu.vector_load_idx %arg13[%broadcast_in_dim3A] : memref<256xf32, #tpu.memory_space<vmem>>[vector<16xi32>], vector<16xf32>,
      %mul3A_90 = arith.mulf %gather3A, %gather3A : vector<16xf32>
      %mul3A_91 = arith.mulf %gather3A_88, %gather3A_88 : vector<16xf32>
      %add3A_92 = arith.addf %mul3A_90, %mul3A_91 : vector<16xf32>
      %mul3A_93 = arith.mulf %gather3A_89, %gather3A_89 : vector<16xf32>
      %add3A_94 = arith.addf %add3A_92, %mul3A_93 : vector<16xf32>
      %iota3A_95 = tpu.iota {dimensions = array<i32: 0>} : vector<16xi32>
      %scan3A_96 = arith.constant 0 : i32
      %scan3A_97 = arith.constant 0 : i32
      %scan3A_98 = arith.constant 512 : i32
      %scan3A_99 = arith.addi %scan3A_97, %scan3A_98 : i32
      %scan3A_100 = arith.constant 1 : i32
      %scan3A_101 = scf.for %scan3A_171 = %scan3A_97 to %scan3A_99 step %scan3A_100 iter_args(%scan3A_172 = %scan3A_96) -> (i32)  : i32 {
        %mul3A_173 = arith.constant 16 : i32
        %mul3A_174 = arith.muli %scan3A_171, %mul3A_173 : i32
        %get3A_175 = arith.index_cast %mul3A_174 : i32 to index
        %get3A_176 = tpu.vector_load %arg7[%get3A_175] {strides = array<i32>} : memref<8192xf32, #tpu.memory_space<vmem>>, vector<16xf32>,
        %get3A_177 = arith.index_cast %mul3A_174 : i32 to index
        %get3A_178 = tpu.vector_load %arg8[%get3A_177] {strides = array<i32>} : memref<8192xf32, #tpu.memory_space<vmem>>, vector<16xf32>,
        %get3A_179 = arith.index_cast %mul3A_174 : i32 to index
        %get3A_180 = tpu.vector_load %arg9[%get3A_179] {strides = array<i32>} : memref<8192xf32, #tpu.memory_space<vmem>>, vector<16xf32>,
        %get3A_181 = arith.index_cast %mul3A_174 : i32 to index
        %get3A_182 = tpu.vector_load %arg10[%get3A_181] {strides = array<i32>} : memref<8192xf32, #tpu.memory_space<vmem>>, vector<16xf32>,
        %mul3A_183 = arith.mulf %get3A_176, %gather3A : vector<16xf32>
        %mul3A_184 = arith.mulf %get3A_178, %gather3A_88 : vector<16xf32>
        %add3A_185 = arith.addf %mul3A_183, %mul3A_184 : vector<16xf32>
        %mul3A_186 = arith.mulf %get3A_180, %gather3A_89 : vector<16xf32>
        %add3A_187 = arith.addf %add3A_185, %mul3A_186 : vector<16xf32>
        %mul3A_188 = arith.constant -2.000000e+00 : f32
        %mul3A_189 = vector.broadcast %mul3A_188 : f32 to vector<16xf32>
        %mul3A_190 = arith.mulf %mul3A_189, %add3A_187 : vector<16xf32>
        %add3A_191 = arith.addf %mul3A_190, %get3A_182 : vector<16xf32>
        %add3A_192 = arith.addf %add3A_191, %add3A_94 : vector<16xf32>
        %le3A = vector.broadcast %squeeze3A : f32 to vector<16xf32>
        %le3A_193 = arith.cmpf ole, %add3A_192, %le3A : vector<16xf32>
        %jit3A_194 = arith.constant 1 : i32
        %jit3A_195 = arith.constant 0 : i32
        %broadcast_in_dim3A_196 = vector.broadcast %jit3A_194 : i32 to vector<16xi32>
        %broadcast_in_dim3A_197 = vector.broadcast %jit3A_195 : i32 to vector<16xi32>
        %select_n3A_198 = arith.select %le3A_193, %broadcast_in_dim3A_196, %broadcast_in_dim3A_197 : vector<16xi1>, vector<16xi32>
        %broadcast_in_dim3A_199 = arith.constant true
        %broadcast_in_dim3A_200 = vector.broadcast %broadcast_in_dim3A_199 : i1 to vector<16xi1>
        %masked_cumsum3A = tpu.scan <sum>, %select_n3A_198 masked %broadcast_in_dim3A_200 : vector<16xi32>, vector<16xi1> -> vector<16xi32>
        %add3A_201 = vector.broadcast %scan3A_172 : i32 to vector<16xi32>
        %add3A_202 = arith.addi %add3A_201, %masked_cumsum3A : vector<16xi32>
        %sub3A_203 = arith.constant 1 : i32
        %sub3A_204 = vector.broadcast %sub3A_203 : i32 to vector<16xi32>
        %sub3A_205 = arith.subi %add3A_202, %sub3A_204 : vector<16xi32>
        %lt3A_206 = arith.constant 48 : i32
        %lt3A_207 = vector.broadcast %lt3A_206 : i32 to vector<16xi32>
        %lt3A_208 = arith.cmpi slt, %sub3A_205, %lt3A_207 : vector<16xi32>
        %and3A_209 = arith.andi %le3A_193, %lt3A_208 : vector<16xi1>
        %sub3A_210 = arith.subf %get3A_176, %gather3A : vector<16xf32>
        tpu.vector_store_idx %arg14[%sub3A_205], %sub3A_210 masked %and3A_209 : memref<64xf32, #tpu.memory_space<vmem>>[vector<16xi32>], vector<16xf32>, vector<16xi1>
        %sub3A_211 = arith.subf %get3A_178, %gather3A_88 : vector<16xf32>
        tpu.vector_store_idx %arg15[%sub3A_205], %sub3A_211 masked %and3A_209 : memref<64xf32, #tpu.memory_space<vmem>>[vector<16xi32>], vector<16xf32>, vector<16xi1>
        %sub3A_212 = arith.subf %get3A_180, %gather3A_89 : vector<16xf32>
        tpu.vector_store_idx %arg16[%sub3A_205], %sub3A_212 masked %and3A_209 : memref<64xf32, #tpu.memory_space<vmem>>[vector<16xi32>], vector<16xf32>, vector<16xi1>
        %reduce_sum3A = arith.constant true
        %reduce_sum3A_213 = vector.broadcast %reduce_sum3A : i1 to vector<16xi1>
        %reduce_sum3A_214 = tpu.scan <sum>, %select_n3A_198 masked %reduce_sum3A_213 : vector<16xi32>, vector<16xi1> -> vector<16xi32>
        %reduce_sum3A_215 = vector.extract %reduce_sum3A_214[15] : i32 from vector<16xi32>
        %add3A_216 = arith.addi %scan3A_172, %reduce_sum3A_215 : i32
        scf.yield %add3A_216 : i32
      }
      %scan3A_102 = arith.constant 512 : i32
      %mul3A_103 = arith.constant 3 : i32
      %mul3A_104 = arith.muli %scan3A_84, %mul3A_103 : i32
      %mul3A_105 = arith.constant 32 : i32
      %mul3A_106 = arith.muli %mul3A_104, %mul3A_105 : i32
      %broadcast_in_dim3A_107 = arith.constant 0 : i32
      %broadcast_in_dim3A_108 = vector.broadcast %broadcast_in_dim3A_107 : i32 to vector<16xi32>
      %gather3A_109 = tpu.vector_load_idx %arg14[%broadcast_in_dim3A_108] : memref<64xf32, #tpu.memory_space<vmem>>[vector<16xi32>], vector<16xf32>,
      %gather3A_110 = tpu.vector_load_idx %arg15[%broadcast_in_dim3A_108] : memref<64xf32, #tpu.memory_space<vmem>>[vector<16xi32>], vector<16xf32>,
      %gather3A_111 = tpu.vector_load_idx %arg16[%broadcast_in_dim3A_108] : memref<64xf32, #tpu.memory_space<vmem>>[vector<16xi32>], vector<16xf32>,
      %add3A_112 = arith.constant 0 : i32
      %add3A_113 = vector.broadcast %add3A_112 : i32 to vector<16xi32>
      %add3A_114 = arith.addi %iota3A_95, %add3A_113 : vector<16xi32>
      %lt3A_115 = vector.broadcast %scan3A_101 : i32 to vector<16xi32>
      %lt3A_116 = arith.cmpi slt, %add3A_114, %lt3A_115 : vector<16xi32>
      %get3A_117 = arith.constant 0 : index
      %get3A_118 = tpu.vector_load %arg14[%get3A_117] {strides = array<i32>} : memref<64xf32, #tpu.memory_space<vmem>>, vector<16xf32>,
      %select_n3A_119 = arith.select %lt3A_116, %get3A_118, %gather3A_109 : vector<16xi1>, vector<16xf32>
      %get3A_120 = arith.constant 0 : index
      %get3A_121 = tpu.vector_load %arg15[%get3A_120] {strides = array<i32>} : memref<64xf32, #tpu.memory_space<vmem>>, vector<16xf32>,
      %select_n3A_122 = arith.select %lt3A_116, %get3A_121, %gather3A_110 : vector<16xi1>, vector<16xf32>
      %get3A_123 = arith.constant 0 : index
      %get3A_124 = tpu.vector_load %arg16[%get3A_123] {strides = array<i32>} : memref<64xf32, #tpu.memory_space<vmem>>, vector<16xf32>,
      %select_n3A_125 = arith.select %lt3A_116, %get3A_124, %gather3A_111 : vector<16xi1>, vector<16xf32>
      %add3A_126 = arith.constant 0 : i32
      %add3A_127 = arith.addi %mul3A_106, %add3A_126 : i32
      %swap3A = arith.index_cast %add3A_127 : i32 to index
      %swap3A_128 = tpu.vector_load %arg19[%swap3A] {strides = array<i32>} : memref<12288xf32, #tpu.memory_space<vmem>>, vector<16xf32>,
      tpu.vector_store %arg19[%swap3A], %select_n3A_119 {strides = array<i32>} : memref<12288xf32, #tpu.memory_space<vmem>>, vector<16xf32>,
      %add3A_129 = arith.constant 32 : i32
      %add3A_130 = arith.addi %mul3A_106, %add3A_129 : i32
      %add3A_131 = arith.constant 0 : i32
      %add3A_132 = arith.addi %add3A_130, %add3A_131 : i32
      %swap3A_133 = arith.index_cast %add3A_132 : i32 to index
      %swap3A_134 = tpu.vector_load %arg19[%swap3A_133] {strides = array<i32>} : memref<12288xf32, #tpu.memory_space<vmem>>, vector<16xf32>,
      tpu.vector_store %arg19[%swap3A_133], %select_n3A_122 {strides = array<i32>} : memref<12288xf32, #tpu.memory_space<vmem>>, vector<16xf32>,
      %add3A_135 = arith.constant 64 : i32
      %add3A_136 = arith.addi %mul3A_106, %add3A_135 : i32
      %add3A_137 = arith.constant 0 : i32
      %add3A_138 = arith.addi %add3A_136, %add3A_137 : i32
      %swap3A_139 = arith.index_cast %add3A_138 : i32 to index
      %swap3A_140 = tpu.vector_load %arg19[%swap3A_139] {strides = array<i32>} : memref<12288xf32, #tpu.memory_space<vmem>>, vector<16xf32>,
      tpu.vector_store %arg19[%swap3A_139], %select_n3A_125 {strides = array<i32>} : memref<12288xf32, #tpu.memory_space<vmem>>, vector<16xf32>,
      %add3A_141 = arith.constant 16 : i32
      %add3A_142 = vector.broadcast %add3A_141 : i32 to vector<16xi32>
      %add3A_143 = arith.addi %iota3A_95, %add3A_142 : vector<16xi32>
      %lt3A_144 = vector.broadcast %scan3A_101 : i32 to vector<16xi32>
      %lt3A_145 = arith.cmpi slt, %add3A_143, %lt3A_144 : vector<16xi32>
      %get3A_146 = arith.constant 16 : index
      %get3A_147 = tpu.vector_load %arg14[%get3A_146] {strides = array<i32>} : memref<64xf32, #tpu.memory_space<vmem>>, vector<16xf32>,
      %select_n3A_148 = arith.select %lt3A_145, %get3A_147, %gather3A_109 : vector<16xi1>, vector<16xf32>
      %get3A_149 = arith.constant 16 : index
      %get3A_150 = tpu.vector_load %arg15[%get3A_149] {strides = array<i32>} : memref<64xf32, #tpu.memory_space<vmem>>, vector<16xf32>,
      %select_n3A_151 = arith.select %lt3A_145, %get3A_150, %gather3A_110 : vector<16xi1>, vector<16xf32>
      %get3A_152 = arith.constant 16 : index
      %get3A_153 = tpu.vector_load %arg16[%get3A_152] {strides = array<i32>} : memref<64xf32, #tpu.memory_space<vmem>>, vector<16xf32>,
      %select_n3A_154 = arith.select %lt3A_145, %get3A_153, %gather3A_111 : vector<16xi1>, vector<16xf32>
      %add3A_155 = arith.constant 16 : i32
      %add3A_156 = arith.addi %mul3A_106, %add3A_155 : i32
      %swap3A_157 = arith.index_cast %add3A_156 : i32 to index
      %swap3A_158 = tpu.vector_load %arg19[%swap3A_157] {strides = array<i32>} : memref<12288xf32, #tpu.memory_space<vmem>>, vector<16xf32>,
      tpu.vector_store %arg19[%swap3A_157], %select_n3A_148 {strides = array<i32>} : memref<12288xf32, #tpu.memory_space<vmem>>, vector<16xf32>,
      %add3A_159 = arith.constant 32 : i32
      %add3A_160 = arith.addi %mul3A_106, %add3A_159 : i32
      %add3A_161 = arith.constant 16 : i32
      %add3A_162 = arith.addi %add3A_160, %add3A_161 : i32
      %swap3A_163 = arith.index_cast %add3A_162 : i32 to index
      %swap3A_164 = tpu.vector_load %arg19[%swap3A_163] {strides = array<i32>} : memref<12288xf32, #tpu.memory_space<vmem>>, vector<16xf32>,
      tpu.vector_store %arg19[%swap3A_163], %select_n3A_151 {strides = array<i32>} : memref<12288xf32, #tpu.memory_space<vmem>>, vector<16xf32>,
      %add3A_165 = arith.constant 64 : i32
      %add3A_166 = arith.addi %mul3A_106, %add3A_165 : i32
      %add3A_167 = arith.constant 16 : i32
      %add3A_168 = arith.addi %add3A_166, %add3A_167 : i32
      %swap3A_169 = arith.index_cast %add3A_168 : i32 to index
      %swap3A_170 = tpu.vector_load %arg19[%swap3A_169] {strides = array<i32>} : memref<12288xf32, #tpu.memory_space<vmem>>, vector<16xf32>,
      tpu.vector_store %arg19[%swap3A_169], %select_n3A_154 {strides = array<i32>} : memref<12288xf32, #tpu.memory_space<vmem>>, vector<16xf32>,
    }
    %scan3A_74 = arith.constant 128 : i32
    %mul3A_75 = arith.constant 256 : i32
    %mul3A_76 = arith.muli %select_n3A, %mul3A_75 : i32
    %mul3A_77 = arith.constant 128 : i32
    %mul3A_78 = arith.muli %select_n3A_31, %mul3A_77 : i32
    %add3A_79 = arith.addi %mul3A_76, %mul3A_78 : i32
    %mul3A_80 = arith.constant 3 : i32
    %mul3A_81 = arith.muli %add3A_79, %mul3A_80 : i32
    %mul3A_82 = arith.constant 32 : i32
    %mul3A_83 = arith.muli %mul3A_81, %mul3A_82 : i32
    "tpu.region"() ({
      %run_scoped3A = tpu.sem_alloc : memref<!tpu.dma_semaphore, #tpu.memory_space<semaphore_mem>>
      %dma_start3A = tpu.memref_slice %arg6[%mul3A_83] : memref<393216xf32, #tpu.memory_space<hbm>> -> memref<12288xf32, #tpu.memory_space<hbm>>
      %dma_start3A_84 = tpu.memref_slice %arg6[%mul3A_83] : memref<393216xf32, #tpu.memory_space<hbm>> -> memref<12288xf32, #tpu.memory_space<hbm>>
      tpu.enqueue_dma source(%arg19 : memref<12288xf32, #tpu.memory_space<vmem>>) target(%dma_start3A_84 : memref<12288xf32, #tpu.memory_space<hbm>>) target_semaphore(%run_scoped3A : memref<!tpu.dma_semaphore, #tpu.memory_space<semaphore_mem>>)
      %dma_wait3A = tpu.memref_slice %arg6[%mul3A_83] : memref<393216xf32, #tpu.memory_space<hbm>> -> memref<12288xf32, #tpu.memory_space<hbm>>
      %dma_wait3A_85 = tpu.memref_slice %arg6[%mul3A_83] : memref<393216xf32, #tpu.memory_space<hbm>> -> memref<12288xf32, #tpu.memory_space<hbm>>
      tpu.wait_dma2 semaphore(%run_scoped3A : memref<!tpu.dma_semaphore, #tpu.memory_space<semaphore_mem>>) src(%arg19 : memref<12288xf32, #tpu.memory_space<vmem>>) dst(%dma_wait3A_85 : memref<12288xf32, #tpu.memory_space<hbm>>)
      tpu.yield
    }) : () -> ()
    return
  }
}

module attributes {stable_mosaic.version = 14 : i64} {
  func.func @_fps_kernel_body(%arg0: memref<16x8192xf32, #tpu.memory_space<vmem>>, %arg1: memref<16x8192xf32, #tpu.memory_space<vmem>>, %arg2: memref<16x8192xf32, #tpu.memory_space<vmem>>, %arg3: memref<16x256xf32, #tpu.memory_space<vmem>>, %arg4: memref<16x256xf32, #tpu.memory_space<vmem>>, %arg5: memref<16x256xf32, #tpu.memory_space<vmem>>, %arg6: memref<16x8192xf32, #tpu.memory_space<vmem>>) attributes {dimension_semantics = [], scalar_prefetch = 0 : i64, scratch_operands = 1 : i64, tpu.core_type = #tpu.core_type<tc>} {
    %get3A = arith.constant 0 : index
    %get3A_0 = arith.constant 0 : index
    %get3A_1 = vector.load %arg0[%get3A, %get3A_0] : memref<16x8192xf32, #tpu.memory_space<vmem>>, vector<16x8192xf32>
    %get3A_2 = arith.constant 0 : index
    %get3A_3 = arith.constant 0 : index
    %get3A_4 = vector.load %arg1[%get3A_2, %get3A_3] : memref<16x8192xf32, #tpu.memory_space<vmem>>, vector<16x8192xf32>
    %get3A_5 = arith.constant 0 : index
    %get3A_6 = arith.constant 0 : index
    %get3A_7 = vector.load %arg2[%get3A_5, %get3A_6] : memref<16x8192xf32, #tpu.memory_space<vmem>>, vector<16x8192xf32>
    %iota3A = tpu.iota {dimensions = array<i32: 1>} : vector<16x8192xi32>
    %iota3A_8 = tpu.iota {dimensions = array<i32: 1>} : vector<16x256xi32>
    %broadcast_in_dim3A = arith.constant 1.000000e+10 : f32
    %broadcast_in_dim3A_9 = vector.broadcast %broadcast_in_dim3A : f32 to vector<16x8192xf32>
    %swap3A = arith.constant 0 : index
    %swap3A_10 = arith.constant 0 : index
    %swap3A_11 = vector.load %arg6[%swap3A, %swap3A_10] : memref<16x8192xf32, #tpu.memory_space<vmem>>, vector<16x8192xf32>
    tpu.vector_store %arg6[%swap3A, %swap3A_10], %broadcast_in_dim3A_9 {strides = array<i32>} : memref<16x8192xf32, #tpu.memory_space<vmem>>, vector<16x8192xf32>,
    %broadcast_in_dim3A_12 = arith.constant 0.000000e+00 : f32
    %broadcast_in_dim3A_13 = vector.broadcast %broadcast_in_dim3A_12 : f32 to vector<16x256xf32>
    %broadcast_in_dim3A_14 = arith.constant 0 : i32
    %broadcast_in_dim3A_15 = vector.broadcast %broadcast_in_dim3A_14 : i32 to vector<16x1xi32>
    %scan3A = arith.constant 0 : i32
    %scan3A_16 = arith.constant 256 : i32
    %scan3A_17 = arith.addi %scan3A, %scan3A_16 : i32
    %scan3A_18 = arith.constant 1 : i32
    %scan3A_19:4 = scf.for %scan3A_30 = %scan3A to %scan3A_17 step %scan3A_18 iter_args(%scan3A_31 = %broadcast_in_dim3A_15, %scan3A_32 = %broadcast_in_dim3A_13, %scan3A_33 = %broadcast_in_dim3A_13, %scan3A_34 = %broadcast_in_dim3A_13) -> (vector<16x1xi32>, vector<16x256xf32>, vector<16x256xf32>, vector<16x256xf32>)  : i32 {
      %eq3A = vector.broadcast %scan3A_31 : vector<16x1xi32> to vector<16x8192xi32>
      %eq3A_35 = arith.cmpi eq, %iota3A, %eq3A : vector<16x8192xi32>
      %jit3A = arith.constant 0.000000e+00 : f32
      %broadcast_in_dim3A_36 = vector.broadcast %jit3A : f32 to vector<16x8192xf32>
      %select_n3A = arith.select %eq3A_35, %get3A_1, %broadcast_in_dim3A_36 : vector<16x8192xi1>, vector<16x8192xf32>
      %reduce_sum3A = arith.constant dense<0.000000e+00> : vector<16xf32>
      %reduce_sum3A_37 = vector.multi_reduction <add>, %select_n3A, %reduce_sum3A [1] : vector<16x8192xf32> to vector<16xf32>
      %broadcast_in_dim3A_38 = vector.shape_cast %reduce_sum3A_37 : vector<16xf32> to vector<16x1xf32>
      %jit3A_39 = arith.constant 0.000000e+00 : f32
      %broadcast_in_dim3A_40 = vector.broadcast %jit3A_39 : f32 to vector<16x8192xf32>
      %select_n3A_41 = arith.select %eq3A_35, %get3A_4, %broadcast_in_dim3A_40 : vector<16x8192xi1>, vector<16x8192xf32>
      %reduce_sum3A_42 = arith.constant dense<0.000000e+00> : vector<16xf32>
      %reduce_sum3A_43 = vector.multi_reduction <add>, %select_n3A_41, %reduce_sum3A_42 [1] : vector<16x8192xf32> to vector<16xf32>
      %broadcast_in_dim3A_44 = vector.shape_cast %reduce_sum3A_43 : vector<16xf32> to vector<16x1xf32>
      %jit3A_45 = arith.constant 0.000000e+00 : f32
      %broadcast_in_dim3A_46 = vector.broadcast %jit3A_45 : f32 to vector<16x8192xf32>
      %select_n3A_47 = arith.select %eq3A_35, %get3A_7, %broadcast_in_dim3A_46 : vector<16x8192xi1>, vector<16x8192xf32>
      %reduce_sum3A_48 = arith.constant dense<0.000000e+00> : vector<16xf32>
      %reduce_sum3A_49 = vector.multi_reduction <add>, %select_n3A_47, %reduce_sum3A_48 [1] : vector<16x8192xf32> to vector<16xf32>
      %broadcast_in_dim3A_50 = vector.shape_cast %reduce_sum3A_49 : vector<16xf32> to vector<16x1xf32>
      %eq3A_51 = vector.broadcast %scan3A_30 : i32 to vector<16x256xi32>
      %eq3A_52 = arith.cmpi eq, %iota3A_8, %eq3A_51 : vector<16x256xi32>
      %broadcast_in_dim3A_53 = vector.shape_cast %broadcast_in_dim3A_38 : vector<16x1xf32> to vector<16x1xf32>
      %broadcast_in_dim3A_54 = vector.broadcast %broadcast_in_dim3A_53 : vector<16x1xf32> to vector<16x256xf32>
      %select_n3A_55 = arith.select %eq3A_52, %broadcast_in_dim3A_54, %scan3A_32 : vector<16x256xi1>, vector<16x256xf32>
      %broadcast_in_dim3A_56 = vector.shape_cast %broadcast_in_dim3A_44 : vector<16x1xf32> to vector<16x1xf32>
      %broadcast_in_dim3A_57 = vector.broadcast %broadcast_in_dim3A_56 : vector<16x1xf32> to vector<16x256xf32>
      %select_n3A_58 = arith.select %eq3A_52, %broadcast_in_dim3A_57, %scan3A_33 : vector<16x256xi1>, vector<16x256xf32>
      %broadcast_in_dim3A_59 = vector.shape_cast %broadcast_in_dim3A_50 : vector<16x1xf32> to vector<16x1xf32>
      %broadcast_in_dim3A_60 = vector.broadcast %broadcast_in_dim3A_59 : vector<16x1xf32> to vector<16x256xf32>
      %select_n3A_61 = arith.select %eq3A_52, %broadcast_in_dim3A_60, %scan3A_34 : vector<16x256xi1>, vector<16x256xf32>
      %sub3A = vector.broadcast %broadcast_in_dim3A_38 : vector<16x1xf32> to vector<16x8192xf32>
      %sub3A_62 = arith.subf %get3A_1, %sub3A : vector<16x8192xf32>
      %integer_pow3A = arith.mulf %sub3A_62, %sub3A_62 : vector<16x8192xf32>
      %sub3A_63 = vector.broadcast %broadcast_in_dim3A_44 : vector<16x1xf32> to vector<16x8192xf32>
      %sub3A_64 = arith.subf %get3A_4, %sub3A_63 : vector<16x8192xf32>
      %integer_pow3A_65 = arith.mulf %sub3A_64, %sub3A_64 : vector<16x8192xf32>
      %add3A = arith.addf %integer_pow3A, %integer_pow3A_65 : vector<16x8192xf32>
      %sub3A_66 = vector.broadcast %broadcast_in_dim3A_50 : vector<16x1xf32> to vector<16x8192xf32>
      %sub3A_67 = arith.subf %get3A_7, %sub3A_66 : vector<16x8192xf32>
      %integer_pow3A_68 = arith.mulf %sub3A_67, %sub3A_67 : vector<16x8192xf32>
      %add3A_69 = arith.addf %add3A, %integer_pow3A_68 : vector<16x8192xf32>
      %get3A_70 = arith.constant 0 : index
      %get3A_71 = arith.constant 0 : index
      %get3A_72 = vector.load %arg6[%get3A_70, %get3A_71] : memref<16x8192xf32, #tpu.memory_space<vmem>>, vector<16x8192xf32>
      %min3A = arith.minimumf %get3A_72, %add3A_69 : vector<16x8192xf32>
      %swap3A_73 = arith.constant 0 : index
      %swap3A_74 = arith.constant 0 : index
      %swap3A_75 = vector.load %arg6[%swap3A_73, %swap3A_74] : memref<16x8192xf32, #tpu.memory_space<vmem>>, vector<16x8192xf32>
      tpu.vector_store %arg6[%swap3A_73, %swap3A_74], %min3A {strides = array<i32>} : memref<16x8192xf32, #tpu.memory_space<vmem>>, vector<16x8192xf32>,
      %reduce_max3A = arith.constant dense<0xFF800000> : vector<16xf32>
      %reduce_max3A_76 = vector.multi_reduction <maximumf>, %min3A, %reduce_max3A [1] : vector<16x8192xf32> to vector<16xf32>
      %broadcast_in_dim3A_77 = vector.shape_cast %reduce_max3A_76 : vector<16xf32> to vector<16x1xf32>
      %eq3A_78 = vector.broadcast %broadcast_in_dim3A_77 : vector<16x1xf32> to vector<16x8192xf32>
      %eq3A_79 = arith.cmpf oeq, %min3A, %eq3A_78 : vector<16x8192xf32>
      %jit3A_80 = arith.constant 8192 : i32
      %broadcast_in_dim3A_81 = vector.broadcast %jit3A_80 : i32 to vector<16x8192xi32>
      %select_n3A_82 = arith.select %eq3A_79, %iota3A, %broadcast_in_dim3A_81 : vector<16x8192xi1>, vector<16x8192xi32>
      %reduce_min3A = arith.constant dense<2147483647> : vector<16xi32>
      %reduce_min3A_83 = vector.multi_reduction <minsi>, %select_n3A_82, %reduce_min3A [1] : vector<16x8192xi32> to vector<16xi32>
      %broadcast_in_dim3A_84 = vector.shape_cast %reduce_min3A_83 : vector<16xi32> to vector<16x1xi32>
      scf.yield %broadcast_in_dim3A_84, %select_n3A_55, %select_n3A_58, %select_n3A_61 : vector<16x1xi32>, vector<16x256xf32>, vector<16x256xf32>, vector<16x256xf32>
    }
    %scan3A_20 = arith.constant 256 : i32
    %swap3A_21 = arith.constant 0 : index
    %swap3A_22 = arith.constant 0 : index
    %swap3A_23 = vector.load %arg3[%swap3A_21, %swap3A_22] : memref<16x256xf32, #tpu.memory_space<vmem>>, vector<16x256xf32>
    tpu.vector_store %arg3[%swap3A_21, %swap3A_22], %scan3A_19#1 {strides = array<i32>} : memref<16x256xf32, #tpu.memory_space<vmem>>, vector<16x256xf32>,
    %swap3A_24 = arith.constant 0 : index
    %swap3A_25 = arith.constant 0 : index
    %swap3A_26 = vector.load %arg4[%swap3A_24, %swap3A_25] : memref<16x256xf32, #tpu.memory_space<vmem>>, vector<16x256xf32>
    tpu.vector_store %arg4[%swap3A_24, %swap3A_25], %scan3A_19#2 {strides = array<i32>} : memref<16x256xf32, #tpu.memory_space<vmem>>, vector<16x256xf32>,
    %swap3A_27 = arith.constant 0 : index
    %swap3A_28 = arith.constant 0 : index
    %swap3A_29 = vector.load %arg5[%swap3A_27, %swap3A_28] : memref<16x256xf32, #tpu.memory_space<vmem>>, vector<16x256xf32>
    tpu.vector_store %arg5[%swap3A_27, %swap3A_28], %scan3A_19#3 {strides = array<i32>} : memref<16x256xf32, #tpu.memory_space<vmem>>, vector<16x256xf32>,
    return
  }
}

module attributes {stable_mosaic.version = 14 : i64} {
  func.func @_fps_kernel_body(%arg0: memref<16x256xf32, #tpu.memory_space<vmem>>, %arg1: memref<16x256xf32, #tpu.memory_space<vmem>>, %arg2: memref<16x256xf32, #tpu.memory_space<vmem>>, %arg3: memref<16x128xf32, #tpu.memory_space<vmem>>, %arg4: memref<16x128xf32, #tpu.memory_space<vmem>>, %arg5: memref<16x128xf32, #tpu.memory_space<vmem>>, %arg6: memref<16x256xf32, #tpu.memory_space<vmem>>) attributes {dimension_semantics = [], scalar_prefetch = 0 : i64, scratch_operands = 1 : i64, tpu.core_type = #tpu.core_type<tc>} {
    %get3A = arith.constant 0 : index
    %get3A_0 = arith.constant 0 : index
    %get3A_1 = vector.load %arg0[%get3A, %get3A_0] : memref<16x256xf32, #tpu.memory_space<vmem>>, vector<16x256xf32>
    %get3A_2 = arith.constant 0 : index
    %get3A_3 = arith.constant 0 : index
    %get3A_4 = vector.load %arg1[%get3A_2, %get3A_3] : memref<16x256xf32, #tpu.memory_space<vmem>>, vector<16x256xf32>
    %get3A_5 = arith.constant 0 : index
    %get3A_6 = arith.constant 0 : index
    %get3A_7 = vector.load %arg2[%get3A_5, %get3A_6] : memref<16x256xf32, #tpu.memory_space<vmem>>, vector<16x256xf32>
    %iota3A = tpu.iota {dimensions = array<i32: 1>} : vector<16x256xi32>
    %iota3A_8 = tpu.iota {dimensions = array<i32: 1>} : vector<16x128xi32>
    %broadcast_in_dim3A = arith.constant 1.000000e+10 : f32
    %broadcast_in_dim3A_9 = vector.broadcast %broadcast_in_dim3A : f32 to vector<16x256xf32>
    %swap3A = arith.constant 0 : index
    %swap3A_10 = arith.constant 0 : index
    %swap3A_11 = vector.load %arg6[%swap3A, %swap3A_10] : memref<16x256xf32, #tpu.memory_space<vmem>>, vector<16x256xf32>
    tpu.vector_store %arg6[%swap3A, %swap3A_10], %broadcast_in_dim3A_9 {strides = array<i32>} : memref<16x256xf32, #tpu.memory_space<vmem>>, vector<16x256xf32>,
    %broadcast_in_dim3A_12 = arith.constant 0.000000e+00 : f32
    %broadcast_in_dim3A_13 = vector.broadcast %broadcast_in_dim3A_12 : f32 to vector<16x128xf32>
    %broadcast_in_dim3A_14 = arith.constant 0 : i32
    %broadcast_in_dim3A_15 = vector.broadcast %broadcast_in_dim3A_14 : i32 to vector<16x1xi32>
    %scan3A = arith.constant 0 : i32
    %scan3A_16 = arith.constant 128 : i32
    %scan3A_17 = arith.addi %scan3A, %scan3A_16 : i32
    %scan3A_18 = arith.constant 1 : i32
    %scan3A_19:4 = scf.for %scan3A_30 = %scan3A to %scan3A_17 step %scan3A_18 iter_args(%scan3A_31 = %broadcast_in_dim3A_15, %scan3A_32 = %broadcast_in_dim3A_13, %scan3A_33 = %broadcast_in_dim3A_13, %scan3A_34 = %broadcast_in_dim3A_13) -> (vector<16x1xi32>, vector<16x128xf32>, vector<16x128xf32>, vector<16x128xf32>)  : i32 {
      %eq3A = vector.broadcast %scan3A_31 : vector<16x1xi32> to vector<16x256xi32>
      %eq3A_35 = arith.cmpi eq, %iota3A, %eq3A : vector<16x256xi32>
      %jit3A = arith.constant 0.000000e+00 : f32
      %broadcast_in_dim3A_36 = vector.broadcast %jit3A : f32 to vector<16x256xf32>
      %select_n3A = arith.select %eq3A_35, %get3A_1, %broadcast_in_dim3A_36 : vector<16x256xi1>, vector<16x256xf32>
      %reduce_sum3A = arith.constant dense<0.000000e+00> : vector<16xf32>
      %reduce_sum3A_37 = vector.multi_reduction <add>, %select_n3A, %reduce_sum3A [1] : vector<16x256xf32> to vector<16xf32>
      %broadcast_in_dim3A_38 = vector.shape_cast %reduce_sum3A_37 : vector<16xf32> to vector<16x1xf32>
      %jit3A_39 = arith.constant 0.000000e+00 : f32
      %broadcast_in_dim3A_40 = vector.broadcast %jit3A_39 : f32 to vector<16x256xf32>
      %select_n3A_41 = arith.select %eq3A_35, %get3A_4, %broadcast_in_dim3A_40 : vector<16x256xi1>, vector<16x256xf32>
      %reduce_sum3A_42 = arith.constant dense<0.000000e+00> : vector<16xf32>
      %reduce_sum3A_43 = vector.multi_reduction <add>, %select_n3A_41, %reduce_sum3A_42 [1] : vector<16x256xf32> to vector<16xf32>
      %broadcast_in_dim3A_44 = vector.shape_cast %reduce_sum3A_43 : vector<16xf32> to vector<16x1xf32>
      %jit3A_45 = arith.constant 0.000000e+00 : f32
      %broadcast_in_dim3A_46 = vector.broadcast %jit3A_45 : f32 to vector<16x256xf32>
      %select_n3A_47 = arith.select %eq3A_35, %get3A_7, %broadcast_in_dim3A_46 : vector<16x256xi1>, vector<16x256xf32>
      %reduce_sum3A_48 = arith.constant dense<0.000000e+00> : vector<16xf32>
      %reduce_sum3A_49 = vector.multi_reduction <add>, %select_n3A_47, %reduce_sum3A_48 [1] : vector<16x256xf32> to vector<16xf32>
      %broadcast_in_dim3A_50 = vector.shape_cast %reduce_sum3A_49 : vector<16xf32> to vector<16x1xf32>
      %eq3A_51 = vector.broadcast %scan3A_30 : i32 to vector<16x128xi32>
      %eq3A_52 = arith.cmpi eq, %iota3A_8, %eq3A_51 : vector<16x128xi32>
      %broadcast_in_dim3A_53 = vector.shape_cast %broadcast_in_dim3A_38 : vector<16x1xf32> to vector<16x1xf32>
      %broadcast_in_dim3A_54 = vector.broadcast %broadcast_in_dim3A_53 : vector<16x1xf32> to vector<16x128xf32>
      %select_n3A_55 = arith.select %eq3A_52, %broadcast_in_dim3A_54, %scan3A_32 : vector<16x128xi1>, vector<16x128xf32>
      %broadcast_in_dim3A_56 = vector.shape_cast %broadcast_in_dim3A_44 : vector<16x1xf32> to vector<16x1xf32>
      %broadcast_in_dim3A_57 = vector.broadcast %broadcast_in_dim3A_56 : vector<16x1xf32> to vector<16x128xf32>
      %select_n3A_58 = arith.select %eq3A_52, %broadcast_in_dim3A_57, %scan3A_33 : vector<16x128xi1>, vector<16x128xf32>
      %broadcast_in_dim3A_59 = vector.shape_cast %broadcast_in_dim3A_50 : vector<16x1xf32> to vector<16x1xf32>
      %broadcast_in_dim3A_60 = vector.broadcast %broadcast_in_dim3A_59 : vector<16x1xf32> to vector<16x128xf32>
      %select_n3A_61 = arith.select %eq3A_52, %broadcast_in_dim3A_60, %scan3A_34 : vector<16x128xi1>, vector<16x128xf32>
      %sub3A = vector.broadcast %broadcast_in_dim3A_38 : vector<16x1xf32> to vector<16x256xf32>
      %sub3A_62 = arith.subf %get3A_1, %sub3A : vector<16x256xf32>
      %integer_pow3A = arith.mulf %sub3A_62, %sub3A_62 : vector<16x256xf32>
      %sub3A_63 = vector.broadcast %broadcast_in_dim3A_44 : vector<16x1xf32> to vector<16x256xf32>
      %sub3A_64 = arith.subf %get3A_4, %sub3A_63 : vector<16x256xf32>
      %integer_pow3A_65 = arith.mulf %sub3A_64, %sub3A_64 : vector<16x256xf32>
      %add3A = arith.addf %integer_pow3A, %integer_pow3A_65 : vector<16x256xf32>
      %sub3A_66 = vector.broadcast %broadcast_in_dim3A_50 : vector<16x1xf32> to vector<16x256xf32>
      %sub3A_67 = arith.subf %get3A_7, %sub3A_66 : vector<16x256xf32>
      %integer_pow3A_68 = arith.mulf %sub3A_67, %sub3A_67 : vector<16x256xf32>
      %add3A_69 = arith.addf %add3A, %integer_pow3A_68 : vector<16x256xf32>
      %get3A_70 = arith.constant 0 : index
      %get3A_71 = arith.constant 0 : index
      %get3A_72 = vector.load %arg6[%get3A_70, %get3A_71] : memref<16x256xf32, #tpu.memory_space<vmem>>, vector<16x256xf32>
      %min3A = arith.minimumf %get3A_72, %add3A_69 : vector<16x256xf32>
      %swap3A_73 = arith.constant 0 : index
      %swap3A_74 = arith.constant 0 : index
      %swap3A_75 = vector.load %arg6[%swap3A_73, %swap3A_74] : memref<16x256xf32, #tpu.memory_space<vmem>>, vector<16x256xf32>
      tpu.vector_store %arg6[%swap3A_73, %swap3A_74], %min3A {strides = array<i32>} : memref<16x256xf32, #tpu.memory_space<vmem>>, vector<16x256xf32>,
      %reduce_max3A = arith.constant dense<0xFF800000> : vector<16xf32>
      %reduce_max3A_76 = vector.multi_reduction <maximumf>, %min3A, %reduce_max3A [1] : vector<16x256xf32> to vector<16xf32>
      %broadcast_in_dim3A_77 = vector.shape_cast %reduce_max3A_76 : vector<16xf32> to vector<16x1xf32>
      %eq3A_78 = vector.broadcast %broadcast_in_dim3A_77 : vector<16x1xf32> to vector<16x256xf32>
      %eq3A_79 = arith.cmpf oeq, %min3A, %eq3A_78 : vector<16x256xf32>
      %jit3A_80 = arith.constant 256 : i32
      %broadcast_in_dim3A_81 = vector.broadcast %jit3A_80 : i32 to vector<16x256xi32>
      %select_n3A_82 = arith.select %eq3A_79, %iota3A, %broadcast_in_dim3A_81 : vector<16x256xi1>, vector<16x256xi32>
      %reduce_min3A = arith.constant dense<2147483647> : vector<16xi32>
      %reduce_min3A_83 = vector.multi_reduction <minsi>, %select_n3A_82, %reduce_min3A [1] : vector<16x256xi32> to vector<16xi32>
      %broadcast_in_dim3A_84 = vector.shape_cast %reduce_min3A_83 : vector<16xi32> to vector<16x1xi32>
      scf.yield %broadcast_in_dim3A_84, %select_n3A_55, %select_n3A_58, %select_n3A_61 : vector<16x1xi32>, vector<16x128xf32>, vector<16x128xf32>, vector<16x128xf32>
    }
    %scan3A_20 = arith.constant 128 : i32
    %swap3A_21 = arith.constant 0 : index
    %swap3A_22 = arith.constant 0 : index
    %swap3A_23 = vector.load %arg3[%swap3A_21, %swap3A_22] : memref<16x128xf32, #tpu.memory_space<vmem>>, vector<16x128xf32>
    tpu.vector_store %arg3[%swap3A_21, %swap3A_22], %scan3A_19#1 {strides = array<i32>} : memref<16x128xf32, #tpu.memory_space<vmem>>, vector<16x128xf32>,
    %swap3A_24 = arith.constant 0 : index
    %swap3A_25 = arith.constant 0 : index
    %swap3A_26 = vector.load %arg4[%swap3A_24, %swap3A_25] : memref<16x128xf32, #tpu.memory_space<vmem>>, vector<16x128xf32>
    tpu.vector_store %arg4[%swap3A_24, %swap3A_25], %scan3A_19#2 {strides = array<i32>} : memref<16x128xf32, #tpu.memory_space<vmem>>, vector<16x128xf32>,
    %swap3A_27 = arith.constant 0 : index
    %swap3A_28 = arith.constant 0 : index
    %swap3A_29 = vector.load %arg5[%swap3A_27, %swap3A_28] : memref<16x128xf32, #tpu.memory_space<vmem>>, vector<16x128xf32>
    tpu.vector_store %arg5[%swap3A_27, %swap3A_28], %scan3A_19#3 {strides = array<i32>} : memref<16x128xf32, #tpu.memory_space<vmem>>, vector<16x128xf32>,
    return
  }
}

module attributes {stable_mosaic.version = 14 : i64} {
  func.func @_tail_kernel(%arg0: memref<16x128x3xf32, #tpu.memory_space<vmem>>, %arg1: memref<16x128x16xf32, #tpu.memory_space<vmem>>, %arg2: memref<19x16xf32, #tpu.memory_space<vmem>>, %arg3: memref<16xf32, #tpu.memory_space<vmem>>, %arg4: memref<16x16xf32, #tpu.memory_space<vmem>>, %arg5: memref<16xf32, #tpu.memory_space<vmem>>, %arg6: memref<16x16xf32, #tpu.memory_space<vmem>>, %arg7: memref<16xf32, #tpu.memory_space<vmem>>, %arg8: memref<16x1xf32, #tpu.memory_space<vmem>>, %arg9: memref<1xf32, #tpu.memory_space<vmem>>, %arg10: memref<16x1xf32, #tpu.memory_space<vmem>>) attributes {dimension_semantics = [], scalar_prefetch = 0 : i64, scratch_operands = 0 : i64, tpu.core_type = #tpu.core_type<tc>} {
    %get3A = arith.constant 0 : index
    %get3A_0 = arith.constant 0 : index
    %get3A_1 = arith.constant 0 : index
    %get3A_2 = vector.load %arg0[%get3A, %get3A_0, %get3A_1] : memref<16x128x3xf32, #tpu.memory_space<vmem>>, vector<16x128x3xf32>
    %get3A_3 = arith.constant 0 : index
    %get3A_4 = arith.constant 0 : index
    %get3A_5 = arith.constant 0 : index
    %get3A_6 = vector.load %arg1[%get3A_3, %get3A_4, %get3A_5] : memref<16x128x16xf32, #tpu.memory_space<vmem>>, vector<16x128x16xf32>
    %concatenate3A = tpu.concatenate %get3A_2, %get3A_6 in 2 : vector<16x128x3xf32>, vector<16x128x16xf32> -> vector<16x128x19xf32>
    %reshape3A = vector.shape_cast %concatenate3A : vector<16x128x19xf32> to vector<2048x19xf32>
    %get3A_7 = arith.constant 0 : index
    %get3A_8 = arith.constant 0 : index
    %get3A_9 = vector.load %arg2[%get3A_7, %get3A_8] : memref<19x16xf32, #tpu.memory_space<vmem>>, vector<19x16xf32>
    %dot_general3A = arith.constant dense<0.000000e+00> : vector<2048x16xf32>
    %dot_general3A_10 = tpu.matmul %reshape3A, %get3A_9, %dot_general3A {dimension_numbers = #tpu.dot_dimension_numbers<[1], [0], [0], [1], [0, 0, 1, 1], [], []>, transpose_lhs_hint = false} : vector<2048x19xf32>, vector<19x16xf32>, vector<2048x16xf32> -> vector<2048x16xf32>
    %get3A_11 = arith.constant 0 : index
    %get3A_12 = vector.load %arg3[%get3A_11] : memref<16xf32, #tpu.memory_space<vmem>>, vector<16xf32>
    %broadcast_in_dim3A = vector.shape_cast %get3A_12 : vector<16xf32> to vector<1x16xf32>
    %add3A = vector.broadcast %broadcast_in_dim3A : vector<1x16xf32> to vector<2048x16xf32>
    %add3A_13 = arith.addf %dot_general3A_10, %add3A : vector<2048x16xf32>
    %max3A = arith.constant 0.000000e+00 : f32
    %max3A_14 = vector.broadcast %max3A : f32 to vector<2048x16xf32>
    %max3A_15 = arith.maximumf %add3A_13, %max3A_14 : vector<2048x16xf32>
    %get3A_16 = arith.constant 0 : index
    %get3A_17 = arith.constant 0 : index
    %get3A_18 = vector.load %arg4[%get3A_16, %get3A_17] : memref<16x16xf32, #tpu.memory_space<vmem>>, vector<16x16xf32>
    %dot_general3A_19 = arith.constant dense<0.000000e+00> : vector<2048x16xf32>
    %dot_general3A_20 = tpu.matmul %max3A_15, %get3A_18, %dot_general3A_19 {dimension_numbers = #tpu.dot_dimension_numbers<[1], [0], [0], [1], [0, 0, 1, 1], [], []>, transpose_lhs_hint = false} : vector<2048x16xf32>, vector<16x16xf32>, vector<2048x16xf32> -> vector<2048x16xf32>
    %get3A_21 = arith.constant 0 : index
    %get3A_22 = vector.load %arg5[%get3A_21] : memref<16xf32, #tpu.memory_space<vmem>>, vector<16xf32>
    %broadcast_in_dim3A_23 = vector.shape_cast %get3A_22 : vector<16xf32> to vector<1x16xf32>
    %add3A_24 = vector.broadcast %broadcast_in_dim3A_23 : vector<1x16xf32> to vector<2048x16xf32>
    %add3A_25 = arith.addf %dot_general3A_20, %add3A_24 : vector<2048x16xf32>
    %max3A_26 = arith.constant 0.000000e+00 : f32
    %max3A_27 = vector.broadcast %max3A_26 : f32 to vector<2048x16xf32>
    %max3A_28 = arith.maximumf %add3A_25, %max3A_27 : vector<2048x16xf32>
    %reshape3A_29 = vector.shape_cast %max3A_28 : vector<2048x16xf32> to vector<16x128x16xf32>
    %reduce_max3A = arith.constant dense<0xFF800000> : vector<16x16xf32>
    %reduce_max3A_30 = vector.multi_reduction <maximumf>, %reshape3A_29, %reduce_max3A [1] : vector<16x128x16xf32> to vector<16x16xf32>
    %get3A_31 = arith.constant 0 : index
    %get3A_32 = arith.constant 0 : index
    %get3A_33 = vector.load %arg6[%get3A_31, %get3A_32] : memref<16x16xf32, #tpu.memory_space<vmem>>, vector<16x16xf32>
    %dot_general3A_34 = arith.constant dense<0.000000e+00> : vector<16x16xf32>
    %dot_general3A_35 = tpu.matmul %reduce_max3A_30, %get3A_33, %dot_general3A_34 {dimension_numbers = #tpu.dot_dimension_numbers<[1], [0], [0], [1], [0, 0, 1, 1], [], []>, transpose_lhs_hint = false} : vector<16x16xf32>, vector<16x16xf32>, vector<16x16xf32> -> vector<16x16xf32>
    %get3A_36 = arith.constant 0 : index
    %get3A_37 = vector.load %arg7[%get3A_36] : memref<16xf32, #tpu.memory_space<vmem>>, vector<16xf32>
    %broadcast_in_dim3A_38 = vector.shape_cast %get3A_37 : vector<16xf32> to vector<1x16xf32>
    %add3A_39 = vector.broadcast %broadcast_in_dim3A_38 : vector<1x16xf32> to vector<16x16xf32>
    %add3A_40 = arith.addf %dot_general3A_35, %add3A_39 : vector<16x16xf32>
    %max3A_41 = arith.constant 0.000000e+00 : f32
    %max3A_42 = vector.broadcast %max3A_41 : f32 to vector<16x16xf32>
    %max3A_43 = arith.maximumf %add3A_40, %max3A_42 : vector<16x16xf32>
    %get3A_44 = arith.constant 0 : index
    %get3A_45 = arith.constant 0 : index
    %get3A_46 = vector.load %arg8[%get3A_44, %get3A_45] : memref<16x1xf32, #tpu.memory_space<vmem>>, vector<16x1xf32>
    %dot_general3A_47 = arith.constant dense<0.000000e+00> : vector<16x1xf32>
    %dot_general3A_48 = tpu.matmul %max3A_43, %get3A_46, %dot_general3A_47 {dimension_numbers = #tpu.dot_dimension_numbers<[1], [0], [0], [1], [0, 0, 1, 1], [], []>, transpose_lhs_hint = false} : vector<16x16xf32>, vector<16x1xf32>, vector<16x1xf32> -> vector<16x1xf32>
    %get3A_49 = arith.constant 0 : index
    %get3A_50 = vector.load %arg9[%get3A_49] : memref<1xf32, #tpu.memory_space<vmem>>, vector<1xf32>
    %broadcast_in_dim3A_51 = vector.shape_cast %get3A_50 : vector<1xf32> to vector<1x1xf32>
    %add3A_52 = vector.broadcast %broadcast_in_dim3A_51 : vector<1x1xf32> to vector<16x1xf32>
    %add3A_53 = arith.addf %dot_general3A_48, %add3A_52 : vector<16x1xf32>
    %logistic3A = arith.negf %add3A_53 : vector<16x1xf32>
    %logistic3A_54 = math.exp %logistic3A : vector<16x1xf32>
    %logistic3A_55 = arith.constant 1.000000e+00 : f32
    %logistic3A_56 = vector.broadcast %logistic3A_55 : f32 to vector<16x1xf32>
    %logistic3A_57 = arith.addf %logistic3A_56, %logistic3A_54 : vector<16x1xf32>
    %logistic3A_58 = arith.divf %logistic3A_56, %logistic3A_57 : vector<16x1xf32>
    %swap3A = arith.constant 0 : index
    %swap3A_59 = arith.constant 0 : index
    %swap3A_60 = vector.load %arg10[%swap3A, %swap3A_59] : memref<16x1xf32, #tpu.memory_space<vmem>>, vector<16x1xf32>
    tpu.vector_store %arg10[%swap3A, %swap3A_59], %logistic3A_58 {strides = array<i32>} : memref<16x1xf32, #tpu.memory_space<vmem>>, vector<16x1xf32>,
    return
  }
}

</mosaic_0001>

<sc_bundles>
// kernel: kernel.10.cloned.1.call-start
scs
__scs_entry_jumppad:
0x0: {  	(pc) =	sbr.rel $0x88, $3  }
0x1: {  	(tag) =	ssettag $0x0;
	lr =	simm.s32 $0x1  }
0x2: {  	[smem:$0x3F90] =	sst lr;
	_ =	strace $0xD0000000  }
0x3: {  	_ = 	snop  }
0x4: {  	_ = 	snop  }
0x5: {  	_ = 	snop  }
0x6: {  	_ = 	snop  }
0x7: {  	_ = 	snop  }
__scs_overlays_trampoline_lowered:
0x8: {  	[smem:$0x3F9F] =	sst s0  }
0x9: {  	[smem:$0x3FA0] =	sst s1  }
0xa: {  	[smem:$0x3FA1] =	sst s2  }
0xb: {  	[smem:$0x3FA2] =	sst s3  }
0xc: {  	[smem:$0x3FA3] =	sst s4  }
0xd: {  	[smem:$0x3FA4] =	sst s5  }
0xe: {  	[smem:$0x3FA5] =	sst s6  }
0xf: {  	[smem:$0x3FA6] =	sst s7  }
0x10: {  	[smem:$0x3FA7] =	sst s8  }
0x11: {  	[smem:$0x3FA8] =	sst s9;
	s0 =	simm.s32 @!p0 $0x0  }
0x12: {  	s1 =	sld [smem:$0x3F8E];
	s0 =	simm.s32 @p0 $0x1  }
0x13: {  	[smem:$0x3FA9] =	sst s0;
	s0 =	simm.s32 @!p1 $0x0  }
0x14: {  	s2 =	sld [smem:$0x3F8D];
	s0 =	simm.s32 @p1 $0x1  }
0x15: {  	[smem:$0x3FAA] =	sst s0;
	s0 =	simm.s32 @!p2 $0x0  }
0x16: {  	s3 =	sld [smem:$0x3FDB];
	s0 =	simm.s32 @p2 $0x1  }
0x17: {  	s4 =	simm.s32 $0x1BF5;
	[smem:$0x3FAC] =	sst s0  }
0x18: {  	s0 =	sld [smem:$0x3F8F];
	_ =	swait.ge [sflag:s4], $0x0  }
0x19: {  	s7 =	sld [smem:$0x3F90]  }
0x1a: {  	s8 =	sadd.s32 $0xFFFFE003, lr  }
0x1b: {  	s9 =	sadd.s32 $0xFFFFFEF7, lr;
	s5 =	simm.s32 $0xFFFFFFFF;
	p2 =	slt.u32 s8, $0xFFFFF086  }
0x1c: {  	p1 =	slt.u32 s9, $0xF7A;
	s5 =	simm.s32 @!p2 $0x0  }
0x1d: {  	s5 =	simm.s32 @p1 $0x1;
	p0 =	seq.s32 s7, s2  }
0x1e: {  	s7 =	smul.u32 @!p0 $0xF7A, s2;
	p2 =	seq.s32 @!p0 s5, $0x0  }
0x1f: {  	s9 =	smul.u32 $0xF7A, s1;
	s8 =	simm.s32 @!p0 $0x1BF5;
	p2 =	por !p2, p0  }
0x20: {  	[sflag:s8] =	ssyncset.s32 @!p0 $0xFFFFF086;
	s6 =	sadd.s32 @!p0 s3, s7;
	s7 =	simm.s32 @!p0 $0x108  }
0x21: {  	s3 =	sadd.s32 s3, s9;
	s6 =	sadd.s32 @!p0 $0x88, s6;
	s7 =	simm.s32 @p2 $0x1082  }
0x22: {  	[simem:s7], [sflag:s8] =	dma.local @!p0 [hbm:s6], $0xF7A  }
0x23: {  	s9 =	sor.u32 $0xD0000000, s2;
	s6 =	simm.s32 $0x108;
	_ =	swait.ge @!p0 [sflag:s8], $0x0  }
0x24: {  	s3 =	sadd.s32 $0x88, s3;
	s6 =	simm.s32 @!p1 $0x1082;
	[sflag:s4] =	ssyncset.s32 $0xFFFFF086  }
0x25: {  	[simem:s6], [sflag:s4] =	dma.local [hbm:s3], $0xF7A  }
0x26: {  	[smem:$0x3F90] =	sst s1;
	(tag) =	ssettag s2;
	_ =	strace s9  }
0x27: {  	s1 =	sld [smem:$0x3FA0]  }
0x28: {  	s2 =	sld [smem:$0x3FA1]  }
0x29: {  	s4 =	sld [smem:$0x3FA3]  }
0x2a: {  	p0 =	seq.s32 s5, $0x0;
	s5 =	sld [smem:$0x3FA4]  }
0x2b: {  	s6 =	sld [smem:$0x3FA5]  }
0x2c: {  	s7 =	sld [smem:$0x3FA6]  }
0x2d: {  	s3 =	simm.s32 $0x108;
	s8 =	sld [smem:$0x3FA7]  }
0x2e: {  	s3 =	simm.s32 @!p0 $0x1082;
	s9 =	sld [smem:$0x3FA8]  }
0x2f: {  	lr =	sadd.s32 s0, s3;
	s0 =	sld [smem:$0x3F9F]  }
0x30: {  	s3 =	sld [smem:$0x3FA2]  }
0x31: {  	[smem:$0x3FAB] =	sst s10  }
0x32: {  	s10 =	sld [smem:$0x3FA9];
	_ =	sdelay $0x3  }
0x33: {  	p0 =	seq.s32 s10, $0x1;
	s10 =	sld [smem:$0x3FAB];
	_ =	sdelay $0x3  }
0x34: {  	[smem:$0x3FAB] =	sst s10  }
0x35: {  	s10 =	sld [smem:$0x3FAA];
	_ =	sdelay $0x3  }
0x36: {  	p1 =	seq.s32 s10, $0x1;
	s10 =	sld [smem:$0x3FAB];
	_ =	sdelay $0x3  }
0x37: {  	[smem:$0x3FAB] =	sst s10  }
0x38: {  	s10 =	sld [smem:$0x3FAC]  }
0x39: {  	_ = 	snop;
	(pc) =	sbr.ind lr, $3  }
0x3a: {  	_ = 	snop  }
0x3b: {  	_ = 	snop  }
0x3c: {  	p2 =	seq.s32 s10, $0x1;
	s10 =	sld [smem:$0x3FAB]  }
0x3d: {  	_ =	shalt  }
0x3e: {  	_ =	shalt  }
0x3f: {  	_ =	shalt  }
0x40: {  	_ =	shalt  }
0x41: {  	_ =	shalt  }
0x42: {  	_ =	shalt  }
0x43: {  	_ =	shalt  }
0x44: {  	_ =	shalt  }
0x45: {  	_ =	shalt  }
0x46: {  	_ =	shalt  }
0x47: {  	_ =	shalt  }
0x48: {  	_ =	shalt  }
0x49: {  	_ =	shalt  }
0x4a: {  	_ =	shalt  }
0x4b: {  	_ =	shalt  }
0x4c: {  	_ =	shalt  }
0x4d: {  	_ =	shalt  }
0x4e: {  	_ =	shalt  }
0x4f: {  	_ =	shalt  }
0x50: {  	_ =	shalt  }
0x51: {  	_ =	shalt  }
0x52: {  	_ =	shalt  }
0x53: {  	_ =	shalt  }
0x54: {  	_ =	shalt  }
0x55: {  	_ =	shalt  }
0x56: {  	_ =	shalt  }
0x57: {  	_ =	shalt  }
0x58: {  	_ =	shalt  }
0x59: {  	_ =	shalt  }
0x5a: {  	_ =	shalt  }
0x5b: {  	_ =	shalt  }
0x5c: {  	_ =	shalt  }
0x5d: {  	_ =	shalt  }
0x5e: {  	_ =	shalt  }
0x5f: {  	_ =	shalt  }
0x60: {  	_ =	shalt  }
0x61: {  	_ =	shalt  }
0x62: {  	_ =	shalt  }
0x63: {  	_ =	shalt  }
0x64: {  	_ =	shalt  }
0x65: {  	_ =	shalt  }
0x66: {  	_ =	shalt  }
0x67: {  	_ =	shalt  }
0x68: {  	_ =	shalt  }
0x69: {  	_ =	shalt  }
0x6a: {  	_ =	shalt  }
0x6b: {  	_ =	shalt  }
0x6c: {  	_ =	shalt  }
0x6d: {  	_ =	shalt  }
0x6e: {  	_ =	shalt  }
0x6f: {  	_ =	shalt  }
0x70: {  	_ =	shalt  }
0x71: {  	_ =	shalt  }
0x72: {  	_ =	shalt  }
0x73: {  	_ =	shalt  }
0x74: {  	_ =	shalt  }
0x75: {  	_ =	shalt  }
0x76: {  	_ =	shalt  }
0x77: {  	_ =	shalt  }
0x78: {  	_ =	shalt  }
0x79: {  	_ =	shalt  }
0x7a: {  	_ =	shalt  }
0x7b: {  	_ =	shalt  }
0x7c: {  	_ =	shalt  }
0x7d: {  	_ =	shalt  }
0x7e: {  	_ =	shalt  }
0x7f: {  	_ =	shalt  }
0x80: {  	_ =	shalt  }
0x81: {  	_ =	shalt  }
0x82: {  	_ =	shalt  }
0x83: {  	_ =	shalt  }
0x84: {  	_ =	shalt  }
0x85: {  	_ =	shalt  }
0x86: {  	_ =	shalt  }
0x87: {  	_ =	shalt  }
.Lfunc_end0:
.L_simem_size_0:
called_computation.1_lowered:
.L_overlay_start_0:
0x88: {  	s2 =	sld [smem:$0x3FD9]  }
0x89: {  	s3 =	sld [smem:$0x3FFE];
	_ =	sdelay $0x1  }
0x8a: {  	s1 =	srdreg.scid  }
0x8b: {  	s0 =	sand.u32 $0x1, s1  }
0x8c: {  	s17 =	sshll.u32 s0, $0xA;
	s2 =	sadd.s32 s3, s2  }
0x8d: {  	s2 =	sadd.s32 s2, s17  }
0x8e: {  	[smem:$0x3FB7] =	sst s2  }
0x8f: {  	_ = 	snop  }
0x90: {  	s2 =	sld [smem:$0x3FD0];
	(tm) =	ssettm $0x1  }
0x91: {  	s18 =	sld [smem:$0x3FFB];
	_ =	sdelay $0x3  }
0x92: {  	_ =	strace s18  }
0x93: {  	s3 =	sld [smem:$0x3FFC];
	_ =	sdelay $0x3  }
0x94: {  	_ =	strace s3  }
0x95: {  	s3 =	sld [smem:$0x3FFD];
	_ =	sdelay $0x3  }
0x96: {  	_ =	strace s3  }
0x97: {  	_ =	strace $0x8FFFFFFF  }
0x98: {  	s19 =	sld [smem:$0x3FDB];
	_ =	sdelay $0x1  }
0x99: {  	s4 =	simm.s32 $_scs_section_size  }
0x9a: {  	s5 =	simm.s32 $_size__tile_overlayer_lowered;
	s6 =	simm.s32 $_tile_overlayer_lowered  }
0x9b: {  	s22 =	simm.s32 $0x1BFF;
	s21 =	sshll.u32 s6, $0x1;
	s3 =	sadd.s32 s4, s19  }
0x9c: {  	s7 =	simm.s32 $0x0;
	s20 =	sshll.u32 s5, $0x1;
	s5 =	sadd.s32 s21, s3  }
0x9d: {  	[timem:s7], [sflag:s22] =	dma.local [hbm:s5], s20  }
0x9e: {  	_ =	swait.ge [sflag:s22], s20  }
0x9f: {  	s4 =	ssub.s32 $0x0, s20;
	[sflag:s22] =	ssyncset.done $0x0  }
0xa0: {  	[sflag:s22] =	ssyncadd.s32 s4;
	_ =	sdelay $0x1  }
0xa1: {  	s23 =	simm.s32 $0x1B8B  }
0xa2: {  	_ =	swait.ge [sflag:s23], $0x1  }
0xa3: {  	[sflag:s23] =	ssyncset.done $0x0  }
0xa4: {  	s25 =	simm.s32 $0x1B8E;
	s24 =	sld [smem:$0x3FFE];
	[sflag:s23] =	ssyncadd.s32 $0xFFFFFFFF  }
0xa5: {  	s26 =	simm.s32 $execute0_lowered;
	[smem:$0x3FD2] =	sst s25  }
0xa6: {  	s5 =	sshll.u32 s26, $0x1;
	_ =	strace $0x80000049;
	[dreg:$0x1] =	wrdreg $0xFFFFFFFF  }
0xa7: {  	s28 =	simm.s32 $_size_execute0_lowered;
	s3 =	sadd.s32 s3, s5;
	[dreg:$0x0] =	wrdreg $0x0  }
0xa8: {  	s5 =	sshll.u32 s28, $0x1;
	[dreg:$0x2] =	wrdreg s3  }
0xa9: {  	[dreg:$0x3] =	wrdreg s5  }
0xaa: {  	[dreg:$0x4] =	wrdreg $0xC0  }
0xab: {  	_ =	task [dreg:s7], $0x5FFFF  }
0xac: {  	[dreg:$0x1] =	wrdreg $0xFFFFFFFF  }
0xad: {  	[dreg:$0x0] =	wrdreg $0x60  }
0xae: {  	[dreg:$0x2] =	wrdreg s24  }
0xaf: {  	[dreg:$0x3] =	wrdreg s2  }
0xb0: {  	[dreg:$0x4] =	wrdreg $0x9  }
0xb1: {  	_ =	task.clear_ibuf [dreg:s7], $0x5FFFF;
	_ =	strace $0x90000049  }
0xb2: {  	s29 =	simm.s32 $0x9;
	_ =	strace $0x8000004B  }
0xb3: {  	_ =	swait.ge [sflag:s29], $0x1  }
0xb4: {  	[sflag:s29] =	ssyncadd.s32 $0xFFFFFFFF  }
0xb5: {  	_ =	strace $0x9000004B  }
0xb6: {  	_ =	sfence  }
0xb7: {  	s30 =	sld [smem:$0x0];
	_ =	sdelay $0x2  }
0xb8: {  	s31 =	sshll.u32 s1, $0xD;
	s1 =	sshrl.u32 s1, $0x2  }
0xb9: {  	s3 =	sand.u32 $0x4000, s31;
	s1 =	sadd.s32 s1, s30  }
0xba: {  	s0 =	sor.u32 s3, s0;
	s1 =	sshll.u32 s1, $0x11  }
0xbb: {  	s0 =	sor.u32 s1, s0  }
0xbc: {  	s0 =	sadd.s32 $0x8F2B, s0  }
0xbd: {  	[sflag:s0] =	ssyncadd.remote.s32 $0x1  }
0xbe: {  	_ =	sfence.sel $0xFFFF  }
0xbf: {  	[dreg:$0x0] =	wrdreg $0xFFFFFFFF;
	(pc) =	sbr.abs _section_cstart, $3  }
0xc0: {  	[dreg:$0x1] =	wrdreg $0xFFFFFFFF  }
0xc1: {  	_ =	task.clear_ibuf [dreg:s7], $0x2FFFF;
	_ =	strace $0x9FFFFFFF  }
0xc2: {  	(tm) =	ssettm $0x7FFFFFFF  }
0xc3: {  	_ =	shalt  }
tec
execute0_lowered:
.L_overlay_start_1:
0x0: {  	(tag) =	ssettag $0x1  }
0x1: {  	s0 =	srdreg.scid  }
0x2: {  	s4 =	stileid.u32;
	s23 =	rddreg [dreg:$0x0]  }
0x3: {  	s2 =	simm.s32 $0x1;
	s3 =	simm.s32 $0x0;
	s0 =	sand.u32 $0x1, s0  }
0x4: {  	s18 =	simm.s32 $0x400;
	s19 =	simm.s32 $0x480;
	s1 =	sor.u32 s0, s4  }
0x5: {  	s20 =	simm.s32 $0x500;
	p1 =	seq.s32 s0, $0x1;
	p0 =	seq.s32 s1, $0x0  }
0x6: {  	s22 =	simm.s32 $0x580;
	s28 =	simm.s32 $0x0;
	p0 =	por !p0, !p1  }
0x7: {  	s29 =	simm.s32 $0x0;
	[smem:$0x7FF] =	sst s3;
	p0 =	por !p0, !p0  }
0x8: {  	s8 =	sadd.s32 $0x2200, s23;
	s11 =	sadd.s32 $0x1AA00, s23;
	s2 =	simm.s32 @!p0 $0x0  }
0x9: {  	_ =	strace $0x8000004A;
	s2 =	ssub.s32 s4, s2;
	s4 =	sshll.u32 s0, $0x6  }
0xa: {  	s0 =	ssub.s32 $0x2, s0;
	s5 =	sshll.u32 s2, $0x7;
	s10 =	smul.u32 $0x300, s2  }
0xb: {  	s6 =	sshll.u32 s2, $0x9;
	s9 =	sshrl.u32 s0, $0x1;
	s2 =	smul.u32 $0x180, s2  }
0xc: {  	s5 =	sor.u32 s4, s5;
	s6 =	sand.u32 $0x1FFFFE00, s6;
	s0 =	ssub.s32 s0, s9  }
0xd: {  	s7 =	smul.u32 $0x4C0, s5;
	s5 =	simm.s32 $0x1;
	s12 =	sadd.s32 s6, s23  }
0xe: {  	s24 =	sshrl.u32 s10, $0x3;
	s25 =	sadd.s32 $0x100, s10;
	s26 =	sadd.s32 $0x200, s10  }
0xf: {  	v0 =	vimm.s32 $0x0;
	v1 =	vlaneseq.u32;
	s30 =	sshrl.u32 s2, $0x3;
	s31 =	sadd.s32 $0x80, s2;
	s2 =	sadd.s32 $0x100, s2  }
0x10: {  	v5 =	vimm.s32 $0x80;
	v6 =	vimm.s32 $0x100;
	v7 =	vimm.s32 $0x180;
	s14 =	smax.u32 s0, $0x1;
	s9 =	sshrl.u32 s26, $0x3;
	s6 =	sadd.s32 s8, s24  }
0x11: {  	v8 =	vimm.s32 $0x200;
	v9 =	vimm.s32 $0x280;
	v10 =	vimm.s32 $0x300;
	s10 =	sshrl.u32 s31, $0x3;
	s2 =	sshrl.u32 s2, $0x3;
	s12 =	sadd.s32 $0x2800, s12  }
0x12: {  	v11 =	vimm.s32 $0x380;
	v12 =	vimm.s32 $0x400;
	v13 =	vimm.s32 $0x480;
	s24 =	simm.s32 $0x680;
	s7 =	sshrl.u32 s7, $0x3;
	s10 =	sadd.s32 s11, s10  }
0x13: {  	v14 =	vimm.s32 $0x500;
	v15 =	vimm.s32 $0x580;
	v16 =	vimm.s32 $0x600;
	s1 =	sadd.s32 s7, s23;
	s7 =	sshrl.u32 s25, $0x3;
	s23 =	simm.s32 $0x600  }
0x14: {  	v17 =	vimm.s32 $0x680;
	v18 =	vimm.s32 $0x700;
	v19 =	vimm.s32 $0x780;
	s25 =	simm.s32 $0x1700;
	s7 =	sadd.s32 s8, s7;
	s8 =	sadd.s32 s8, s9  }
0x15: {  	v2 =	vor.u32 $0x10, v1;
	v3 =	vor.u32 $0x20, v1;
	v4 =	vor.u32 $0x30, v1;
	s9 =	sadd.s32 s11, s30;
	s11 =	sadd.s32 s11, s2;
	s13 =	sadd.s32 $0x1AE00, s1  }
.LBB2_1:
0x16: {  	s0 =	rddreg [dreg:$0x1];
	s1 =	simm.s32 $0x14F00  }
0x17: {  	[tilespmem:s1], [sflag:$0x1] =	stream.linear.gather [hbm4b:s0+s3], $0x1, $0x38;
	[tilespmem:$0x14F80] =	vst v63  }
0x18: {  	_ =	swait.ge [sflag:s5], $0x1  }
0x19: {  	[sflag:s5] =	ssyncset.done $0x0  }
0x1a: {  	[sflag:s5] =	ssyncadd.s32 $0xFFFFFFFF  }
0x1b: {  	v20 =	vld [tilespmem:$0x14F00];
	[tilespmem:s3], [sflag:$0x1] =	stream.linear.gather [hbm4b:s6+s3], $0x100, $0x38  }
0x1c: {  	_ =	swait.ge [sflag:s5], $0x100  }
0x1d: {  	[sflag:s5] =	ssyncset.done $0x0  }
0x1e: {  	s26 =	simm.s32 $0x100;
	[sflag:s5] =	ssyncadd.s32 $0xFFFFFF00  }
0x1f: {  	[tilespmem:s26], [sflag:$0x1] =	stream.linear.gather [hbm4b:s7+s3], $0x100, $0x38;
	[tilespmem:$0x14F80] =	vst v63  }
0x20: {  	_ =	swait.ge [sflag:s5], $0x100  }
0x21: {  	[sflag:s5] =	ssyncset.done $0x0  }
0x22: {  	s30 =	simm.s32 $0x200;
	[sflag:s5] =	ssyncadd.s32 $0xFFFFFF00  }
0x23: {  	[tilespmem:s30], [sflag:$0x1] =	stream.linear.gather [hbm4b:s8+s3], $0x100, $0x38;
	[tilespmem:$0x14F80] =	vst v63  }
0x24: {  	_ =	swait.ge [sflag:s5], $0x100  }
0x25: {  	[sflag:s5] =	ssyncset.done $0x0  }
0x26: {  	[sflag:s5] =	ssyncadd.s32 $0xFFFFFF00  }
0x27: {  	[tilespmem:s18], [sflag:$0x1] =	stream.linear.gather [hbm4b:s9+s3], $0x80, $0x38;
	[tilespmem:$0x14F80] =	vst v63  }
0x28: {  	_ =	swait.ge [sflag:s5], $0x80  }
0x29: {  	[sflag:s5] =	ssyncset.done $0x0  }
0x2a: {  	[sflag:s5] =	ssyncadd.s32 $0xFFFFFF80  }
0x2b: {  	[tilespmem:s19], [sflag:$0x1] =	stream.linear.gather [hbm4b:s10+s3], $0x80, $0x38;
	[tilespmem:$0x14F80] =	vst v63  }
0x2c: {  	_ =	swait.ge [sflag:s5], $0x80  }
0x2d: {  	[sflag:s5] =	ssyncset.done $0x0  }
0x2e: {  	[sflag:s5] =	ssyncadd.s32 $0xFFFFFF80  }
0x2f: {  	[tilespmem:s20], [sflag:$0x1] =	stream.linear.gather [hbm4b:s11+s3], $0x80, $0x38;
	[tilespmem:$0x14F80] =	vst v63  }
0x30: {  	_ =	swait.ge [sflag:s5], $0x80  }
0x31: {  	[sflag:s5] =	ssyncset.done $0x0  }
0x32: {  	s31 =	simm.s32 $0x700;
	[sflag:s5] =	ssyncadd.s32 $0xFFFFFF80  }
0x33: {  	[tilespmem:s31], [sflag:$0x1] =	stream.linear.gather [hbm4b:s12+s3], $0x1000, $0x38;
	[tilespmem:$0x14F80] =	vst v63  }
0x34: {  	_ =	swait.ge [sflag:s5], $0x1000  }
0x35: {  	[sflag:s5] =	ssyncset.done $0x0  }
0x36: {  	s0 =	simm.s32 $0x0;
	[sflag:s5] =	ssyncadd.s32 $0xFFFFF000  }
0x37: {  	v21 =	vld [tilespmem:s0+$0x0]  }
0x38: {  	v22 =	vld [tilespmem:s0+$0x100]  }
0x39: {  	v23 =	vld [tilespmem:s0+$0x200];
	_ =	sdelay $0x2  }
0x3a: {  	s1 =	simm.s32 $0x10  }
0x3b: {  	v24 =	vmul.f32 v21, v21;
	v22 =	vmul.f32 v22, v22;
	v21 =	vld [tilespmem:s1+$0x0]  }
0x3c: {  	v25 =	vmul.f32 v23, v23;
	v23 =	vld [tilespmem:s1+$0x100]  }
0x3d: {  	v24 =	vadd.f32 v22, v24  }
0x3e: {  	v22 =	vld [tilespmem:s1+$0x200]  }
0x3f: {  	s2 =	simm.s32 $0x80;
	v24 =	vadd.f32 v25, v24  }
.LBB2_2:
0x40: {  	s15 =	sshra.s32 s2, $0x2;
	p0 =	seq.s32 s2, $0x3C0  }
.Ltmp0:
0x41: {  	s2 =	sadd.s32 $0x40, s2;
	v25 =	vmul.f32 v21, v21;
	v21 =	vld [tilespmem:s15+$0x0];
	v26 =	vmul.f32 v23, v23;
	[tilespmem:s0+$0x300] =	vst v24;
	(pc) =	sbr.rel @!p0 .LBB2_2-.Ltmp0, $4  }
0x42: {  	s0 =	smov.u32 s1;
	s1 =	smov.u32 s15;
	v23 =	vld [tilespmem:s15+$0x100]  }
0x43: {  	v24 =	vadd.f32 v26, v25;
	v25 =	vmul.f32 v22, v22  }
0x44: {  	v22 =	vld [tilespmem:s1+$0x200]  }
0x45: {  	v24 =	vadd.f32 v25, v24  }
0x46: {  	_ = 	snop  }
0x47: {  	v21 =	vmul.f32 v21, v21;
	v23 =	vmul.f32 v23, v23;
	_ =	sdelay $0x1  }
0x48: {  	v21 =	vadd.f32 v23, v21;
	v22 =	vmul.f32 v22, v22;
	_ =	sdelay $0x1  }
0x49: {  	v21 =	vadd.f32 v22, v21  }
0x4a: {  	[tilespmem:s0+$0x300] =	vst v24  }
0x4b: {  	v20 =	vbroadcast v20, $0x0;
	s30 =	simm.s32 $0x0;
	[tilespmem:s1+$0x300] =	vst v21  }
.LBB2_4:
0x4c: {  	s0 =	sadd.s32 s4, s30  }
0x4d: {  	v23 =	vmov s0;
	_ =	sdelay $0x2  }
0x4e: {  	s31 =	simm.s32 $0x100;
	v25 =	vld [tilespmem:s29+$0x0]  }
0x4f: {  	v26 =	vld [tilespmem:s31+$0x0]  }
0x50: {  	v21 =	vld.idx.msk [tilespmem:v23+s18+$0x0], $0xffff  }
0x51: {  	s1 =	simm.s32 $0x200;
	v22 =	vld.idx.msk [tilespmem:v23+s19+$0x0], $0xffff  }
0x52: {  	v27 =	vld [tilespmem:s1+$0x0]  }
0x53: {  	v23 =	vld.idx.msk [tilespmem:v23+s20+$0x0], $0xffff;
	_ =	sdelay $0x2  }
0x54: {  	v24 =	vmul.f32 v25, v21;
	v28 =	vmul.f32 v26, v22;
	_ =	sdelay $0x1  }
0x55: {  	s17 =	simm.s32 $0x300;
	v58 =	vmul.f32 v27, v23;
	v24 =	vadd.f32 v28, v24  }
0x56: {  	v29 =	vld [tilespmem:s17+$0x0]  }
0x57: {  	v30 =	vmul.f32 v21, v21;
	v59 =	vmul.f32 v22, v22;
	v24 =	vadd.f32 v58, v24;
	_ =	sdelay $0x1  }
0x58: {  	v60 =	vmul.f32 v23, v23;
	v28 =	vadd.f32 v59, v30;
	v31 =	vadd.f32 v24, v24;
	_ =	sdelay $0x1  }
0x59: {  	v24 =	vadd.f32 v60, v28;
	v61 =	vsub.f32 v29, v31;
	_ =	sdelay $0x1  }
0x5a: {  	v28 =	vadd.f32 v61, v24;
	_ =	sdelay $0x1  }
0x5b: {  	vm0 =	vle.f32 v28, v20  }
0x5c: {  	v28 =	vsel vm0, $0x1, v0  }
0x5d: {  	(xrf0) =	vadd.scan.msk.s32 $0xffff, v28;
	_ =	sdelay $0x5  }
0x5e: {  	v28, _, _ =	vpop (xrf0)  }
0x5f: {  	v62 =	vadd.s32 s29, v28  }
0x60: {  	v63 =	vadd.s32 $0xFFFFFFFF, v62  }
0x61: {  	vm1 =	vlt.s32 v63, $0x70  }
0x62: {  	vm0 =	vmand vm0, vm1;
	_ =	sdelay $0x3  }
0x63: {  	v25 =	vsub.f32 v25, v21  }
0x64: {  	v26 =	vsub.f32 v26, v22  }
0x65: {  	[tilespmem:v63+s22+$0x0] =	vst.idx.msk vm0, v25;
	v25 =	vsub.f32 v27, v23  }
0x66: {  	[tilespmem:v63+s23+$0x0] =	vst.idx.msk vm0, v26  }
0x67: {  	s21 =	simm.s32 $0x700;
	[tilespmem:v63+s24+$0x0] =	vst.idx.msk vm0, v25  }
0x68: {  	v25 =	vld [tilespmem:s21+$0x0];
	_ =	sdelay $0x4  }
0x69: {  	s15 =	sand.u32 $0xF0, s29;
	[tilespmem:v63+s25+$0x0] =	vst.idx.msk vm0, v25  }
0x6a: {  	v26 =	vadd.s32 $0x7F, v62;
	v25 =	vld [tilespmem:s15+$0x800];
	_ =	sdelay $0x4  }
0x6b: {  	[tilespmem:v26+s25+$0x0] =	vst.idx.msk vm0, v25  }
0x6c: {  	v26 =	vadd.s32 $0xFF, v62;
	v25 =	vld [tilespmem:s15+$0x900];
	_ =	sdelay $0x4  }
0x6d: {  	[tilespmem:v26+s25+$0x0] =	vst.idx.msk vm0, v25  }
0x6e: {  	v26 =	vadd.s32 $0x17F, v62;
	v25 =	vld [tilespmem:s15+$0xA00];
	_ =	sdelay $0x4  }
0x6f: {  	[tilespmem:v26+s25+$0x0] =	vst.idx.msk vm0, v25  }
0x70: {  	v26 =	vadd.s32 $0x1FF, v62;
	v25 =	vld [tilespmem:s15+$0xB00];
	_ =	sdelay $0x4  }
0x71: {  	[tilespmem:v26+s25+$0x0] =	vst.idx.msk vm0, v25  }
0x72: {  	v26 =	vadd.s32 $0x27F, v62;
	v25 =	vld [tilespmem:s15+$0xC00];
	_ =	sdelay $0x4  }
0x73: {  	[tilespmem:v26+s25+$0x0] =	vst.idx.msk vm0, v25  }
0x74: {  	v26 =	vadd.s32 $0x2FF, v62;
	v25 =	vld [tilespmem:s15+$0xD00];
	_ =	sdelay $0x4  }
0x75: {  	[tilespmem:v26+s25+$0x0] =	vst.idx.msk vm0, v25  }
0x76: {  	v26 =	vadd.s32 $0x37F, v62;
	v25 =	vld [tilespmem:s15+$0xE00];
	_ =	sdelay $0x4  }
0x77: {  	[tilespmem:v26+s25+$0x0] =	vst.idx.msk vm0, v25  }
0x78: {  	v26 =	vadd.s32 $0x3FF, v62;
	v25 =	vld [tilespmem:s15+$0xF00];
	_ =	sdelay $0x4  }
0x79: {  	[tilespmem:v26+s25+$0x0] =	vst.idx.msk vm0, v25  }
0x7a: {  	v26 =	vadd.s32 $0x47F, v62;
	v25 =	vld [tilespmem:s15+$0x1000];
	_ =	sdelay $0x4  }
0x7b: {  	[tilespmem:v26+s25+$0x0] =	vst.idx.msk vm0, v25  }
0x7c: {  	v26 =	vadd.s32 $0x4FF, v62;
	v25 =	vld [tilespmem:s15+$0x1100];
	_ =	sdelay $0x4  }
0x7d: {  	[tilespmem:v26+s25+$0x0] =	vst.idx.msk vm0, v25  }
0x7e: {  	v26 =	vadd.s32 $0x57F, v62;
	v25 =	vld [tilespmem:s15+$0x1200];
	_ =	sdelay $0x4  }
0x7f: {  	[tilespmem:v26+s25+$0x0] =	vst.idx.msk vm0, v25  }
0x80: {  	v26 =	vadd.s32 $0x5FF, v62;
	v25 =	vld [tilespmem:s15+$0x1300];
	_ =	sdelay $0x4  }
0x81: {  	[tilespmem:v26+s25+$0x0] =	vst.idx.msk vm0, v25  }
0x82: {  	(v2sf) =	vpush v28, $0xF;
	v26 =	vadd.s32 $0x67F, v62;
	v25 =	vld [tilespmem:s15+$0x1400];
	_ =	sdelay $0x4  }
0x83: {  	[tilespmem:v26+s25+$0x0] =	vst.idx.msk vm0, v25  }
0x84: {  	v26 =	vadd.s32 $0x6FF, v62;
	v25 =	vld [tilespmem:s15+$0x1500];
	_ =	sdelay $0x4  }
0x85: {  	[tilespmem:v26+s25+$0x0] =	vst.idx.msk vm0, v25  }
0x86: {  	v25 =	vadd.s32 $0x77F, v62;
	v26 =	vld [tilespmem:s15+$0x1600];
	_ =	sdelay $0x2  }
0x87: {  	s2 =	simm.s32 $0x10;
	s16 =	simm.s32 $0x710;
	s26 =	spop (v2sf)  }
0x88: {  	s17 =	simm.s32 $0x0;
	s0 =	sadd.s32 $0x0, s26;
	s15 =	simm.s32 $0x310  }
.LBB2_5:
0x89: {  	[tilespmem:v25+s25+$0x0] =	vst.idx.msk vm0, v26;
	s17 =	sadd.s32 $0x10, s17;
	s31 =	sadd.s32 $0x10, s31;
	s1 =	sadd.s32 $0x10, s1  }
0x8a: {  	p0 =	sne.s32 s2, $0xF0;
	s21 =	smov.u32 s2;
	s2 =	sadd.s32 $0x10, s2;
	v26 =	vld [tilespmem:s17+$0x0]  }
0x8b: {  	v27 =	vld [tilespmem:s31+$0x0];
	_ =	sdelay $0x1  }
0x8c: {  	v28 =	vld [tilespmem:s1+$0x0];
	_ =	sdelay $0x2  }
0x8d: {  	v25 =	vmul.f32 v26, v21;
	v29 =	vmul.f32 v27, v22;
	_ =	sdelay $0x1  }
0x8e: {  	v25 =	vadd.f32 v29, v25;
	v29 =	vmul.f32 v28, v23  }
0x8f: {  	v30 =	vld [tilespmem:s15+$0x0]  }
0x90: {  	v25 =	vadd.f32 v29, v25;
	_ =	sdelay $0x1  }
0x91: {  	v25 =	vadd.f32 v25, v25;
	_ =	sdelay $0x1  }
0x92: {  	v25 =	vsub.f32 v30, v25;
	_ =	sdelay $0x1  }
0x93: {  	v25 =	vadd.f32 v25, v24;
	_ =	sdelay $0x1  }
0x94: {  	vm0 =	vle.f32 v25, v20  }
0x95: {  	v25 =	vsel vm0, $0x1, v0  }
0x96: {  	(xrf0) =	vadd.scan.msk.s32 $0xffff, v25;
	_ =	sdelay $0x5  }
0x97: {  	v29, _, _ =	vpop (xrf0)  }
0x98: {  	v25 =	vadd.s32 s0, v29;
	(v2sf) =	vpush v29, $0xF  }
0x99: {  	v29 =	vadd.s32 $0xFFFFFFFF, v25  }
0x9a: {  	vm1 =	vlt.s32 v29, $0x70  }
0x9b: {  	vm0 =	vmand vm0, vm1;
	_ =	sdelay $0x3  }
0x9c: {  	v26 =	vsub.f32 v26, v21  }
0x9d: {  	v27 =	vsub.f32 v27, v22  }
0x9e: {  	[tilespmem:v29+s22+$0x0] =	vst.idx.msk vm0, v26;
	v26 =	vsub.f32 v28, v23  }
0x9f: {  	[tilespmem:v29+s23+$0x0] =	vst.idx.msk vm0, v27  }
0xa0: {  	[tilespmem:v29+s24+$0x0] =	vst.idx.msk vm0, v26  }
0xa1: {  	v26 =	vld [tilespmem:s16+$0x0];
	_ =	sdelay $0x2  }
0xa2: {  	s26 =	spop (v2sf)  }
0xa3: {  	s0 =	sadd.s32 s0, s26  }
0xa4: {  	s21 =	sand.u32 $0xF0, s21;
	[tilespmem:v29+s25+$0x0] =	vst.idx.msk vm0, v26  }
0xa5: {  	v27 =	vadd.s32 $0x7F, v25;
	v26 =	vld [tilespmem:s21+$0x800];
	_ =	sdelay $0x4  }
0xa6: {  	[tilespmem:v27+s25+$0x0] =	vst.idx.msk vm0, v26  }
0xa7: {  	v27 =	vadd.s32 $0xFF, v25;
	v26 =	vld [tilespmem:s21+$0x900];
	_ =	sdelay $0x4  }
0xa8: {  	[tilespmem:v27+s25+$0x0] =	vst.idx.msk vm0, v26  }
0xa9: {  	v27 =	vadd.s32 $0x17F, v25;
	v26 =	vld [tilespmem:s21+$0xA00];
	_ =	sdelay $0x4  }
0xaa: {  	[tilespmem:v27+s25+$0x0] =	vst.idx.msk vm0, v26  }
0xab: {  	v27 =	vadd.s32 $0x1FF, v25;
	v26 =	vld [tilespmem:s21+$0xB00];
	_ =	sdelay $0x4  }
0xac: {  	[tilespmem:v27+s25+$0x0] =	vst.idx.msk vm0, v26  }
0xad: {  	v27 =	vadd.s32 $0x27F, v25;
	v26 =	vld [tilespmem:s21+$0xC00];
	_ =	sdelay $0x4  }
0xae: {  	[tilespmem:v27+s25+$0x0] =	vst.idx.msk vm0, v26  }
0xaf: {  	v27 =	vadd.s32 $0x2FF, v25;
	v26 =	vld [tilespmem:s21+$0xD00];
	_ =	sdelay $0x4  }
0xb0: {  	[tilespmem:v27+s25+$0x0] =	vst.idx.msk vm0, v26  }
0xb1: {  	v27 =	vadd.s32 $0x37F, v25;
	v26 =	vld [tilespmem:s21+$0xE00];
	_ =	sdelay $0x4  }
0xb2: {  	[tilespmem:v27+s25+$0x0] =	vst.idx.msk vm0, v26  }
0xb3: {  	v27 =	vadd.s32 $0x3FF, v25;
	v26 =	vld [tilespmem:s21+$0xF00];
	_ =	sdelay $0x4  }
0xb4: {  	[tilespmem:v27+s25+$0x0] =	vst.idx.msk vm0, v26  }
0xb5: {  	v27 =	vadd.s32 $0x47F, v25;
	v26 =	vld [tilespmem:s21+$0x1000];
	_ =	sdelay $0x4  }
0xb6: {  	[tilespmem:v27+s25+$0x0] =	vst.idx.msk vm0, v26  }
0xb7: {  	v27 =	vadd.s32 $0x4FF, v25;
	v26 =	vld [tilespmem:s21+$0x1100];
	_ =	sdelay $0x4  }
0xb8: {  	[tilespmem:v27+s25+$0x0] =	vst.idx.msk vm0, v26  }
0xb9: {  	v27 =	vadd.s32 $0x57F, v25;
	v26 =	vld [tilespmem:s21+$0x1200];
	_ =	sdelay $0x4  }
0xba: {  	[tilespmem:v27+s25+$0x0] =	vst.idx.msk vm0, v26  }
0xbb: {  	v27 =	vadd.s32 $0x5FF, v25;
	v26 =	vld [tilespmem:s21+$0x1300];
	_ =	sdelay $0x4  }
0xbc: {  	[tilespmem:v27+s25+$0x0] =	vst.idx.msk vm0, v26  }
0xbd: {  	v27 =	vadd.s32 $0x67F, v25;
	v26 =	vld [tilespmem:s21+$0x1400];
	_ =	sdelay $0x4  }
0xbe: {  	[tilespmem:v27+s25+$0x0] =	vst.idx.msk vm0, v26  }
0xbf: {  	v27 =	vadd.s32 $0x6FF, v25;
	v26 =	vld [tilespmem:s21+$0x1500];
	_ =	sdelay $0x4  }
0xc0: {  	[tilespmem:v27+s25+$0x0] =	vst.idx.msk vm0, v26  }
.Ltmp1:
0xc1: {  	v25 =	vadd.s32 $0x77F, v25;
	v26 =	vld [tilespmem:s21+$0x1600];
	(pc) =	sbr.rel @p0 .LBB2_5-.Ltmp1, $2  }
0xc2: {  	_ =	sdelay $0x2  }
0xc3: {  	s15 =	sadd.s32 $0x10, s15;
	s16 =	sadd.s32 $0x10, s16  }
0xc4: {  	_ =	sdelay $0x4  }
0xc5: {  	[tilespmem:v25+s25+$0x0] =	vst.idx.msk vm0, v26  }
0xc6: {  	v21 =	vld.msk [tilespmem:s22+$0x0], $0xffff  }
0xc7: {  	v22 =	vld.msk [tilespmem:s23+$0x0], $0xffff  }
0xc8: {  	v23 =	vld.msk [tilespmem:s24+$0x0], $0xffff  }
0xc9: {  	v24 =	vld [tilespmem:$0x580]  }
0xca: {  	v25 =	vld [tilespmem:$0x600]  }
0xcb: {  	v26 =	vld [tilespmem:$0x680]  }
0xcc: {  	v27 =	vmov s0  }
0xcd: {  	s1 =	smul.u32 $0x4C0, s30;
	vm15 =	vgt.s32 v27, v1  }
0xce: {  	v24 =	vsel vm15, v24, v21  }
0xcf: {  	v25 =	vsel vm15, v25, v22;
	[tilespmem:s1+$0x1F00] =	vst v24  }
0xd0: {  	s31 =	sand.u32 $0x1FFC0, s1;
	v58 =	vsel vm15, v26, v23;
	[tilespmem:s1+$0x1F40] =	vst v25  }
0xd1: {  	[tilespmem:s31+$0x1F80] =	vst v58  }
0xd2: {  	v24 =	vld [tilespmem:$0x590]  }
0xd3: {  	v25 =	vld [tilespmem:$0x610]  }
0xd4: {  	v59 =	vld [tilespmem:$0x690];
	_ =	sdelay $0x1  }
0xd5: {  	vm1 =	vgt.s32 v27, v2  }
0xd6: {  	v24 =	vsel vm1, v24, v21  }
0xd7: {  	v25 =	vsel vm1, v25, v22;
	[tilespmem:s1+$0x1F10] =	vst v24  }
0xd8: {  	v60 =	vsel vm1, v59, v23;
	[tilespmem:s1+$0x1F50] =	vst v25  }
0xd9: {  	[tilespmem:s1+$0x1F90] =	vst v60  }
0xda: {  	v24 =	vld [tilespmem:$0x5A0]  }
0xdb: {  	v25 =	vld [tilespmem:$0x620]  }
0xdc: {  	v61 =	vld [tilespmem:$0x6A0];
	_ =	sdelay $0x1  }
0xdd: {  	vm2 =	vgt.s32 v27, v3  }
0xde: {  	v24 =	vsel vm2, v24, v21  }
0xdf: {  	v25 =	vsel vm2, v25, v22;
	[tilespmem:s1+$0x1F20] =	vst v24  }
0xe0: {  	v62 =	vsel vm2, v61, v23;
	[tilespmem:s1+$0x1F60] =	vst v25  }
0xe1: {  	[tilespmem:s1+$0x1FA0] =	vst v62  }
0xe2: {  	v24 =	vld [tilespmem:$0x5B0]  }
0xe3: {  	v25 =	vld [tilespmem:$0x630]  }
0xe4: {  	v63 =	vld [tilespmem:$0x6B0];
	_ =	sdelay $0x1  }
0xe5: {  	vm3 =	vgt.s32 v27, v4  }
0xe6: {  	v21 =	vsel vm3, v24, v21  }
0xe7: {  	v22 =	vsel vm3, v25, v22;
	[tilespmem:s1+$0x1F30] =	vst v21  }
0xe8: {  	v21 =	vsel vm3, v63, v23;
	[tilespmem:s1+$0x1F70] =	vst v22  }
0xe9: {  	[tilespmem:s1+$0x1FB0] =	vst v21  }
0xea: {  	v21 =	vld.msk [tilespmem:s25+$0x0], $0xffff  }
0xeb: {  	v22 =	vld [tilespmem:$0x1700];
	_ =	sdelay $0x4  }
0xec: {  	v22 =	vsel vm15, v22, v21  }
0xed: {  	[tilespmem:s1+$0x1FC0] =	vst v22  }
0xee: {  	v22 =	vld [tilespmem:$0x1710];
	_ =	sdelay $0x4  }
0xef: {  	v22 =	vsel vm1, v22, v21  }
0xf0: {  	[tilespmem:s1+$0x1FD0] =	vst v22  }
0xf1: {  	v22 =	vld [tilespmem:$0x1720];
	_ =	sdelay $0x4  }
0xf2: {  	v22 =	vsel vm2, v22, v21  }
0xf3: {  	[tilespmem:s1+$0x1FE0] =	vst v22  }
0xf4: {  	v22 =	vld [tilespmem:$0x1730];
	_ =	sdelay $0x4  }
0xf5: {  	v21 =	vsel vm3, v22, v21  }
0xf6: {  	[tilespmem:s1+$0x1FF0] =	vst v21  }
0xf7: {  	v21 =	vld.idx.msk [tilespmem:v5+s25+$0x0], $0xffff  }
0xf8: {  	v22 =	vld [tilespmem:$0x1780];
	_ =	sdelay $0x4  }
0xf9: {  	v22 =	vsel vm15, v22, v21  }
0xfa: {  	[tilespmem:s31+$0x2000] =	vst v22  }
0xfb: {  	v22 =	vld [tilespmem:$0x1790];
	_ =	sdelay $0x4  }
0xfc: {  	v22 =	vsel vm1, v22, v21  }
0xfd: {  	[tilespmem:s1+$0x2010] =	vst v22  }
0xfe: {  	v22 =	vld [tilespmem:$0x17A0];
	_ =	sdelay $0x4  }
0xff: {  	v22 =	vsel vm2, v22, v21  }
0x100: {  	[tilespmem:s1+$0x2020] =	vst v22  }
0x101: {  	v22 =	vld [tilespmem:$0x17B0];
	_ =	sdelay $0x4  }
0x102: {  	v21 =	vsel vm3, v22, v21  }
0x103: {  	[tilespmem:s1+$0x2030] =	vst v21  }
0x104: {  	v21 =	vld.idx.msk [tilespmem:v6+s25+$0x0], $0xffff  }
0x105: {  	v22 =	vld [tilespmem:$0x1800];
	_ =	sdelay $0x4  }
0x106: {  	v22 =	vsel vm15, v22, v21  }
0x107: {  	[tilespmem:s1+$0x2040] =	vst v22  }
0x108: {  	v22 =	vld [tilespmem:$0x1810];
	_ =	sdelay $0x4  }
0x109: {  	v22 =	vsel vm1, v22, v21  }
0x10a: {  	[tilespmem:s1+$0x2050] =	vst v22  }
0x10b: {  	v22 =	vld [tilespmem:$0x1820];
	_ =	sdelay $0x4  }
0x10c: {  	v22 =	vsel vm2, v22, v21  }
0x10d: {  	[tilespmem:s1+$0x2060] =	vst v22  }
0x10e: {  	v22 =	vld [tilespmem:$0x1830];
	_ =	sdelay $0x4  }
0x10f: {  	v21 =	vsel vm3, v22, v21  }
0x110: {  	[tilespmem:s1+$0x2070] =	vst v21  }
0x111: {  	v21 =	vld.idx.msk [tilespmem:v7+s25+$0x0], $0xffff  }
0x112: {  	v22 =	vld [tilespmem:$0x1880];
	_ =	sdelay $0x4  }
0x113: {  	v22 =	vsel vm15, v22, v21  }
0x114: {  	[tilespmem:s31+$0x2080] =	vst v22  }
0x115: {  	v22 =	vld [tilespmem:$0x1890];
	_ =	sdelay $0x4  }
0x116: {  	v22 =	vsel vm1, v22, v21  }
0x117: {  	[tilespmem:s1+$0x2090] =	vst v22  }
0x118: {  	v22 =	vld [tilespmem:$0x18A0];
	_ =	sdelay $0x4  }
0x119: {  	v22 =	vsel vm2, v22, v21  }
0x11a: {  	[tilespmem:s1+$0x20A0] =	vst v22  }
0x11b: {  	v22 =	vld [tilespmem:$0x18B0];
	_ =	sdelay $0x4  }
0x11c: {  	v21 =	vsel vm3, v22, v21  }
0x11d: {  	[tilespmem:s1+$0x20B0] =	vst v21  }
0x11e: {  	v21 =	vld.idx.msk [tilespmem:v8+s25+$0x0], $0xffff  }
0x11f: {  	v22 =	vld [tilespmem:$0x1900];
	_ =	sdelay $0x4  }
0x120: {  	v22 =	vsel vm15, v22, v21  }
0x121: {  	[tilespmem:s1+$0x20C0] =	vst v22  }
0x122: {  	v22 =	vld [tilespmem:$0x1910];
	_ =	sdelay $0x4  }
0x123: {  	v22 =	vsel vm1, v22, v21  }
0x124: {  	[tilespmem:s1+$0x20D0] =	vst v22  }
0x125: {  	v22 =	vld [tilespmem:$0x1920];
	_ =	sdelay $0x4  }
0x126: {  	v22 =	vsel vm2, v22, v21  }
0x127: {  	[tilespmem:s1+$0x20E0] =	vst v22  }
0x128: {  	v22 =	vld [tilespmem:$0x1930];
	_ =	sdelay $0x4  }
0x129: {  	v21 =	vsel vm3, v22, v21  }
0x12a: {  	[tilespmem:s1+$0x20F0] =	vst v21  }
0x12b: {  	v21 =	vld.idx.msk [tilespmem:v9+s25+$0x0], $0xffff  }
0x12c: {  	v22 =	vld [tilespmem:$0x1980];
	_ =	sdelay $0x4  }
0x12d: {  	v22 =	vsel vm15, v22, v21  }
0x12e: {  	[tilespmem:s31+$0x2100] =	vst v22  }
0x12f: {  	v22 =	vld [tilespmem:$0x1990];
	_ =	sdelay $0x4  }
0x130: {  	v22 =	vsel vm1, v22, v21  }
0x131: {  	[tilespmem:s1+$0x2110] =	vst v22  }
0x132: {  	v22 =	vld [tilespmem:$0x19A0];
	_ =	sdelay $0x4  }
0x133: {  	v22 =	vsel vm2, v22, v21  }
0x134: {  	[tilespmem:s1+$0x2120] =	vst v22  }
0x135: {  	v22 =	vld [tilespmem:$0x19B0];
	_ =	sdelay $0x4  }
0x136: {  	v21 =	vsel vm3, v22, v21  }
0x137: {  	[tilespmem:s1+$0x2130] =	vst v21  }
0x138: {  	v21 =	vld.idx.msk [tilespmem:v10+s25+$0x0], $0xffff  }
0x139: {  	v22 =	vld [tilespmem:$0x1A00];
	_ =	sdelay $0x4  }
0x13a: {  	v22 =	vsel vm15, v22, v21  }
0x13b: {  	[tilespmem:s1+$0x2140] =	vst v22  }
0x13c: {  	v22 =	vld [tilespmem:$0x1A10];
	_ =	sdelay $0x4  }
0x13d: {  	v22 =	vsel vm1, v22, v21  }
0x13e: {  	[tilespmem:s1+$0x2150] =	vst v22  }
0x13f: {  	v22 =	vld [tilespmem:$0x1A20];
	_ =	sdelay $0x4  }
0x140: {  	v22 =	vsel vm2, v22, v21  }
0x141: {  	[tilespmem:s1+$0x2160] =	vst v22  }
0x142: {  	v22 =	vld [tilespmem:$0x1A30];
	_ =	sdelay $0x4  }
0x143: {  	v21 =	vsel vm3, v22, v21  }
0x144: {  	[tilespmem:s1+$0x2170] =	vst v21  }
0x145: {  	v21 =	vld.idx.msk [tilespmem:v11+s25+$0x0], $0xffff  }
0x146: {  	v22 =	vld [tilespmem:$0x1A80];
	_ =	sdelay $0x4  }
0x147: {  	v22 =	vsel vm15, v22, v21  }
0x148: {  	[tilespmem:s31+$0x2180] =	vst v22  }
0x149: {  	v22 =	vld [tilespmem:$0x1A90];
	_ =	sdelay $0x4  }
0x14a: {  	v22 =	vsel vm1, v22, v21  }
0x14b: {  	[tilespmem:s1+$0x2190] =	vst v22  }
0x14c: {  	v22 =	vld [tilespmem:$0x1AA0];
	_ =	sdelay $0x4  }
0x14d: {  	v22 =	vsel vm2, v22, v21  }
0x14e: {  	[tilespmem:s1+$0x21A0] =	vst v22  }
0x14f: {  	v22 =	vld [tilespmem:$0x1AB0];
	_ =	sdelay $0x4  }
0x150: {  	v21 =	vsel vm3, v22, v21  }
0x151: {  	[tilespmem:s1+$0x21B0] =	vst v21  }
0x152: {  	v21 =	vld.idx.msk [tilespmem:v12+s25+$0x0], $0xffff  }
0x153: {  	v22 =	vld [tilespmem:$0x1B00];
	_ =	sdelay $0x4  }
0x154: {  	v22 =	vsel vm15, v22, v21  }
0x155: {  	[tilespmem:s1+$0x21C0] =	vst v22  }
0x156: {  	v22 =	vld [tilespmem:$0x1B10];
	_ =	sdelay $0x4  }
0x157: {  	v22 =	vsel vm1, v22, v21  }
0x158: {  	[tilespmem:s1+$0x21D0] =	vst v22  }
0x159: {  	v22 =	vld [tilespmem:$0x1B20];
	_ =	sdelay $0x4  }
0x15a: {  	v22 =	vsel vm2, v22, v21  }
0x15b: {  	[tilespmem:s1+$0x21E0] =	vst v22  }
0x15c: {  	v22 =	vld [tilespmem:$0x1B30];
	_ =	sdelay $0x4  }
0x15d: {  	v21 =	vsel vm3, v22, v21  }
0x15e: {  	[tilespmem:s1+$0x21F0] =	vst v21  }
0x15f: {  	v21 =	vld.idx.msk [tilespmem:v13+s25+$0x0], $0xffff  }
0x160: {  	v22 =	vld [tilespmem:$0x1B80];
	_ =	sdelay $0x4  }
0x161: {  	v22 =	vsel vm15, v22, v21  }
0x162: {  	[tilespmem:s31+$0x2200] =	vst v22  }
0x163: {  	v22 =	vld [tilespmem:$0x1B90];
	_ =	sdelay $0x4  }
0x164: {  	v22 =	vsel vm1, v22, v21  }
0x165: {  	[tilespmem:s1+$0x2210] =	vst v22  }
0x166: {  	v22 =	vld [tilespmem:$0x1BA0];
	_ =	sdelay $0x4  }
0x167: {  	v22 =	vsel vm2, v22, v21  }
0x168: {  	[tilespmem:s1+$0x2220] =	vst v22  }
0x169: {  	v22 =	vld [tilespmem:$0x1BB0];
	_ =	sdelay $0x4  }
0x16a: {  	v21 =	vsel vm3, v22, v21  }
0x16b: {  	[tilespmem:s1+$0x2230] =	vst v21  }
0x16c: {  	v21 =	vld.idx.msk [tilespmem:v14+s25+$0x0], $0xffff  }
0x16d: {  	v22 =	vld [tilespmem:$0x1C00];
	_ =	sdelay $0x4  }
0x16e: {  	v22 =	vsel vm15, v22, v21  }
0x16f: {  	[tilespmem:s1+$0x2240] =	vst v22  }
0x170: {  	v22 =	vld [tilespmem:$0x1C10];
	_ =	sdelay $0x4  }
0x171: {  	v22 =	vsel vm1, v22, v21  }
0x172: {  	[tilespmem:s1+$0x2250] =	vst v22  }
0x173: {  	v22 =	vld [tilespmem:$0x1C20];
	_ =	sdelay $0x4  }
0x174: {  	v22 =	vsel vm2, v22, v21  }
0x175: {  	[tilespmem:s1+$0x2260] =	vst v22  }
0x176: {  	v22 =	vld [tilespmem:$0x1C30];
	_ =	sdelay $0x4  }
0x177: {  	v21 =	vsel vm3, v22, v21  }
0x178: {  	[tilespmem:s1+$0x2270] =	vst v21  }
0x179: {  	v21 =	vld.idx.msk [tilespmem:v15+s25+$0x0], $0xffff  }
0x17a: {  	v22 =	vld [tilespmem:$0x1C80];
	_ =	sdelay $0x4  }
0x17b: {  	v22 =	vsel vm15, v22, v21  }
0x17c: {  	[tilespmem:s31+$0x2280] =	vst v22  }
0x17d: {  	v22 =	vld [tilespmem:$0x1C90];
	_ =	sdelay $0x4  }
0x17e: {  	v22 =	vsel vm1, v22, v21  }
0x17f: {  	[tilespmem:s1+$0x2290] =	vst v22  }
0x180: {  	v22 =	vld [tilespmem:$0x1CA0];
	_ =	sdelay $0x4  }
0x181: {  	v22 =	vsel vm2, v22, v21  }
0x182: {  	[tilespmem:s1+$0x22A0] =	vst v22  }
0x183: {  	v22 =	vld [tilespmem:$0x1CB0];
	_ =	sdelay $0x4  }
0x184: {  	v21 =	vsel vm3, v22, v21  }
0x185: {  	[tilespmem:s1+$0x22B0] =	vst v21  }
0x186: {  	v21 =	vld.idx.msk [tilespmem:v16+s25+$0x0], $0xffff  }
0x187: {  	v22 =	vld [tilespmem:$0x1D00];
	_ =	sdelay $0x4  }
0x188: {  	v22 =	vsel vm15, v22, v21  }
0x189: {  	[tilespmem:s1+$0x22C0] =	vst v22  }
0x18a: {  	v22 =	vld [tilespmem:$0x1D10];
	_ =	sdelay $0x4  }
0x18b: {  	v22 =	vsel vm1, v22, v21  }
0x18c: {  	[tilespmem:s1+$0x22D0] =	vst v22  }
0x18d: {  	v22 =	vld [tilespmem:$0x1D20];
	_ =	sdelay $0x4  }
0x18e: {  	v22 =	vsel vm2, v22, v21  }
0x18f: {  	[tilespmem:s1+$0x22E0] =	vst v22  }
0x190: {  	v22 =	vld [tilespmem:$0x1D30];
	_ =	sdelay $0x4  }
0x191: {  	v21 =	vsel vm3, v22, v21  }
0x192: {  	[tilespmem:s1+$0x22F0] =	vst v21  }
0x193: {  	v21 =	vld.idx.msk [tilespmem:v17+s25+$0x0], $0xffff  }
0x194: {  	v22 =	vld [tilespmem:$0x1D80];
	_ =	sdelay $0x4  }
0x195: {  	v22 =	vsel vm15, v22, v21  }
0x196: {  	[tilespmem:s31+$0x2300] =	vst v22  }
0x197: {  	v22 =	vld [tilespmem:$0x1D90];
	_ =	sdelay $0x4  }
0x198: {  	v22 =	vsel vm1, v22, v21  }
0x199: {  	[tilespmem:s1+$0x2310] =	vst v22  }
0x19a: {  	v22 =	vld [tilespmem:$0x1DA0];
	_ =	sdelay $0x4  }
0x19b: {  	v22 =	vsel vm2, v22, v21  }
0x19c: {  	[tilespmem:s1+$0x2320] =	vst v22  }
0x19d: {  	v22 =	vld [tilespmem:$0x1DB0];
	_ =	sdelay $0x4  }
0x19e: {  	v21 =	vsel vm3, v22, v21  }
0x19f: {  	[tilespmem:s1+$0x2330] =	vst v21  }
0x1a0: {  	v21 =	vld.idx.msk [tilespmem:v18+s25+$0x0], $0xffff  }
0x1a1: {  	v22 =	vld [tilespmem:$0x1E00];
	_ =	sdelay $0x4  }
0x1a2: {  	v22 =	vsel vm15, v22, v21  }
0x1a3: {  	[tilespmem:s1+$0x2340] =	vst v22  }
0x1a4: {  	v22 =	vld [tilespmem:$0x1E10];
	_ =	sdelay $0x4  }
0x1a5: {  	v22 =	vsel vm1, v22, v21  }
0x1a6: {  	[tilespmem:s1+$0x2350] =	vst v22  }
0x1a7: {  	v22 =	vld [tilespmem:$0x1E20];
	_ =	sdelay $0x4  }
0x1a8: {  	v22 =	vsel vm2, v22, v21  }
0x1a9: {  	[tilespmem:s1+$0x2360] =	vst v22  }
0x1aa: {  	v22 =	vld [tilespmem:$0x1E30];
	_ =	sdelay $0x4  }
0x1ab: {  	v21 =	vsel vm3, v22, v21  }
0x1ac: {  	[tilespmem:s1+$0x2370] =	vst v21  }
0x1ad: {  	v21 =	vld.idx.msk [tilespmem:v19+s25+$0x0], $0xffff  }
0x1ae: {  	v22 =	vld [tilespmem:$0x1E80];
	_ =	sdelay $0x4  }
0x1af: {  	v22 =	vsel vm15, v22, v21  }
0x1b0: {  	[tilespmem:s31+$0x2380] =	vst v22  }
0x1b1: {  	v22 =	vld [tilespmem:$0x1E90];
	_ =	sdelay $0x4  }
0x1b2: {  	v22 =	vsel vm1, v22, v21  }
0x1b3: {  	[tilespmem:s1+$0x2390] =	vst v22  }
0x1b4: {  	v22 =	vld [tilespmem:$0x1EA0];
	_ =	sdelay $0x4  }
0x1b5: {  	v22 =	vsel vm2, v22, v21  }
0x1b6: {  	[tilespmem:s1+$0x23A0] =	vst v22  }
0x1b7: {  	s30 =	sadd.s32 $0x1, s30;
	v22 =	vld [tilespmem:$0x1EB0]  }
0x1b8: {  	p0 =	sne.s32 s30, $0x40  }
.Ltmp2:
0x1b9: {  	_ = 	snop;
	(pc) =	sbr.rel @p0 .LBB2_4-.Ltmp2, $3  }
0x1ba: {  	_ =	sdelay $0x1  }
0x1bb: {  	v21 =	vsel vm3, v22, v21  }
0x1bc: {  	[tilespmem:s1+$0x23B0] =	vst v21  }
0x1bd: {  	s28 =	sadd.s32 $0x1, s28  }
0x1be: {  	p0 =	sne.s32 s28, s14  }
.Ltmp3:
0x1bf: {  	s0 =	simm.s32 $0x1F00;
	(pc) =	sbr.rel @p0 .LBB2_1-.Ltmp3, $4  }
0x1c0: {  	[hbm4b:s13+s3] =	stream.linear.scatter [tilespmem:s0], [sflag:$0x1], $0x13000, $0x38;
	[tilespmem:$0x14F80] =	vst v63  }
0x1c1: {  	_ =	swait.ge [sflag:s5], $0x13000  }
0x1c2: {  	[sflag:s5] =	ssyncset.done $0x0  }
0x1c3: {  	[sflag:s5] =	ssyncadd.s32 $0xFFFED000  }
0x1c4: {  	_ =	sfence.sel $0x180000  }
0x1c5: {  	[bflag:$0x0] =	sbarrier.arrive $0xFFFF  }
0x1c6: {  	_ =	strace $0x9000004A  }
0x1c7: {  	s0 =	stileid.u32;
	[bflag:$0x2] =	sbarrier.arrive $0xFFFF  }
0x1c8: {  	p0 =	sne.s32 s0, $0x0;
	s0 =	rddreg [dreg:$0x2]  }
0x1c9: {  	s0 =	sadd.s32 @!p0 $0x100000, s0  }
0x1ca: {  	[sflag:s0] =	ssyncadd.tile.s32 @!p0 $0x1;
	_ =	shalt  }
.Lfunc_end2:
_tile_overlayer_lowered:
.L_overlay_start_2:
0x1cb: {  	(tag) =	ssettag $0x2  }
0x1cc: {  	s0 =	rddreg [dreg:$0x0];
	s2 =	stileid.u32  }
0x1cd: {  	s1 =	rddreg [dreg:$0x1];
	p0 =	sne.s32 s2, $0x0  }
0x1ce: {  	s3 =	rddreg [dreg:$0x2];
	[bflag:$0x3] =	sbarrier.arrive $0xFFFF;
	s2 =	simm.s32 @!p0 $0x1C01  }
0x1cf: {  	[timem:s3], [sflag:s2] =	dma.local @!p0 [hbm:s0], s1  }
0x1d0: {  	s0 =	simm.s32 @!p0 $0x1  }
0x1d1: {  	_ =	swait.ge @!p0 [sflag:s0], s1  }
0x1d2: {  	s1 =	ssub.s32 @!p0 $0x0, s1;
	[sflag:s0] =	ssyncset.done @!p0 $0x0  }
0x1d3: {  	[sflag:s0] =	ssyncadd.s32 @!p0 s1  }
0x1d4: {  	[bflag:$0x3] =	sbarrier.arrive $0xFFFF  }
0x1d5: {  	_ =	shalt  }

// kernel: kernel.7.cloned.1.call-start
scs
__scs_entry_jumppad:
0x0: {  	(pc) =	sbr.rel $0x88, $3  }
0x1: {  	(tag) =	ssettag $0x0;
	lr =	simm.s32 $0x1  }
0x2: {  	[smem:$0x3F90] =	sst lr;
	_ =	strace $0xD0000000  }
0x3: {  	_ = 	snop  }
0x4: {  	_ = 	snop  }
0x5: {  	_ = 	snop  }
0x6: {  	_ = 	snop  }
0x7: {  	_ = 	snop  }
__scs_overlays_trampoline_lowered:
0x8: {  	[smem:$0x3F9F] =	sst s0  }
0x9: {  	[smem:$0x3FA0] =	sst s1  }
0xa: {  	[smem:$0x3FA1] =	sst s2  }
0xb: {  	[smem:$0x3FA2] =	sst s3  }
0xc: {  	[smem:$0x3FA3] =	sst s4  }
0xd: {  	[smem:$0x3FA4] =	sst s5  }
0xe: {  	[smem:$0x3FA5] =	sst s6  }
0xf: {  	[smem:$0x3FA6] =	sst s7  }
0x10: {  	[smem:$0x3FA7] =	sst s8  }
0x11: {  	[smem:$0x3FA8] =	sst s9;
	s0 =	simm.s32 @!p0 $0x0  }
0x12: {  	s1 =	sld [smem:$0x3F8E];
	s0 =	simm.s32 @p0 $0x1  }
0x13: {  	[smem:$0x3FA9] =	sst s0;
	s0 =	simm.s32 @!p1 $0x0  }
0x14: {  	s2 =	sld [smem:$0x3F8D];
	s0 =	simm.s32 @p1 $0x1  }
0x15: {  	[smem:$0x3FAA] =	sst s0;
	s0 =	simm.s32 @!p2 $0x0  }
0x16: {  	s3 =	sld [smem:$0x3FDB];
	s0 =	simm.s32 @p2 $0x1  }
0x17: {  	s4 =	simm.s32 $0x1BF5;
	[smem:$0x3FAC] =	sst s0  }
0x18: {  	s0 =	sld [smem:$0x3F8F];
	_ =	swait.ge [sflag:s4], $0x0  }
0x19: {  	s7 =	sld [smem:$0x3F90]  }
0x1a: {  	s8 =	sadd.s32 $0xFFFFE003, lr  }
0x1b: {  	s9 =	sadd.s32 $0xFFFFFEF7, lr;
	s5 =	simm.s32 $0xFFFFFFFF;
	p2 =	slt.u32 s8, $0xFFFFF086  }
0x1c: {  	p1 =	slt.u32 s9, $0xF7A;
	s5 =	simm.s32 @!p2 $0x0  }
0x1d: {  	s5 =	simm.s32 @p1 $0x1;
	p0 =	seq.s32 s7, s2  }
0x1e: {  	s7 =	smul.u32 @!p0 $0xF7A, s2;
	p2 =	seq.s32 @!p0 s5, $0x0  }
0x1f: {  	s9 =	smul.u32 $0xF7A, s1;
	s8 =	simm.s32 @!p0 $0x1BF5;
	p2 =	por !p2, p0  }
0x20: {  	[sflag:s8] =	ssyncset.s32 @!p0 $0xFFFFF086;
	s6 =	sadd.s32 @!p0 s3, s7;
	s7 =	simm.s32 @!p0 $0x108  }
0x21: {  	s3 =	sadd.s32 s3, s9;
	s6 =	sadd.s32 @!p0 $0x88, s6;
	s7 =	simm.s32 @p2 $0x1082  }
0x22: {  	[simem:s7], [sflag:s8] =	dma.local @!p0 [hbm:s6], $0xF7A  }
0x23: {  	s9 =	sor.u32 $0xD0000000, s2;
	s6 =	simm.s32 $0x108;
	_ =	swait.ge @!p0 [sflag:s8], $0x0  }
0x24: {  	s3 =	sadd.s32 $0x88, s3;
	s6 =	simm.s32 @!p1 $0x1082;
	[sflag:s4] =	ssyncset.s32 $0xFFFFF086  }
0x25: {  	[simem:s6], [sflag:s4] =	dma.local [hbm:s3], $0xF7A  }
0x26: {  	[smem:$0x3F90] =	sst s1;
	(tag) =	ssettag s2;
	_ =	strace s9  }
0x27: {  	s1 =	sld [smem:$0x3FA0]  }
0x28: {  	s2 =	sld [smem:$0x3FA1]  }
0x29: {  	s4 =	sld [smem:$0x3FA3]  }
0x2a: {  	p0 =	seq.s32 s5, $0x0;
	s5 =	sld [smem:$0x3FA4]  }
0x2b: {  	s6 =	sld [smem:$0x3FA5]  }
0x2c: {  	s7 =	sld [smem:$0x3FA6]  }
0x2d: {  	s3 =	simm.s32 $0x108;
	s8 =	sld [smem:$0x3FA7]  }
0x2e: {  	s3 =	simm.s32 @!p0 $0x1082;
	s9 =	sld [smem:$0x3FA8]  }
0x2f: {  	lr =	sadd.s32 s0, s3;
	s0 =	sld [smem:$0x3F9F]  }
0x30: {  	s3 =	sld [smem:$0x3FA2]  }
0x31: {  	[smem:$0x3FAB] =	sst s10  }
0x32: {  	s10 =	sld [smem:$0x3FA9];
	_ =	sdelay $0x3  }
0x33: {  	p0 =	seq.s32 s10, $0x1;
	s10 =	sld [smem:$0x3FAB];
	_ =	sdelay $0x3  }
0x34: {  	[smem:$0x3FAB] =	sst s10  }
0x35: {  	s10 =	sld [smem:$0x3FAA];
	_ =	sdelay $0x3  }
0x36: {  	p1 =	seq.s32 s10, $0x1;
	s10 =	sld [smem:$0x3FAB];
	_ =	sdelay $0x3  }
0x37: {  	[smem:$0x3FAB] =	sst s10  }
0x38: {  	s10 =	sld [smem:$0x3FAC]  }
0x39: {  	_ = 	snop;
	(pc) =	sbr.ind lr, $3  }
0x3a: {  	_ = 	snop  }
0x3b: {  	_ = 	snop  }
0x3c: {  	p2 =	seq.s32 s10, $0x1;
	s10 =	sld [smem:$0x3FAB]  }
0x3d: {  	_ =	shalt  }
0x3e: {  	_ =	shalt  }
0x3f: {  	_ =	shalt  }
0x40: {  	_ =	shalt  }
0x41: {  	_ =	shalt  }
0x42: {  	_ =	shalt  }
0x43: {  	_ =	shalt  }
0x44: {  	_ =	shalt  }
0x45: {  	_ =	shalt  }
0x46: {  	_ =	shalt  }
0x47: {  	_ =	shalt  }
0x48: {  	_ =	shalt  }
0x49: {  	_ =	shalt  }
0x4a: {  	_ =	shalt  }
0x4b: {  	_ =	shalt  }
0x4c: {  	_ =	shalt  }
0x4d: {  	_ =	shalt  }
0x4e: {  	_ =	shalt  }
0x4f: {  	_ =	shalt  }
0x50: {  	_ =	shalt  }
0x51: {  	_ =	shalt  }
0x52: {  	_ =	shalt  }
0x53: {  	_ =	shalt  }
0x54: {  	_ =	shalt  }
0x55: {  	_ =	shalt  }
0x56: {  	_ =	shalt  }
0x57: {  	_ =	shalt  }
0x58: {  	_ =	shalt  }
0x59: {  	_ =	shalt  }
0x5a: {  	_ =	shalt  }
0x5b: {  	_ =	shalt  }
0x5c: {  	_ =	shalt  }
0x5d: {  	_ =	shalt  }
0x5e: {  	_ =	shalt  }
0x5f: {  	_ =	shalt  }
0x60: {  	_ =	shalt  }
0x61: {  	_ =	shalt  }
0x62: {  	_ =	shalt  }
0x63: {  	_ =	shalt  }
0x64: {  	_ =	shalt  }
0x65: {  	_ =	shalt  }
0x66: {  	_ =	shalt  }
0x67: {  	_ =	shalt  }
0x68: {  	_ =	shalt  }
0x69: {  	_ =	shalt  }
0x6a: {  	_ =	shalt  }
0x6b: {  	_ =	shalt  }
0x6c: {  	_ =	shalt  }
0x6d: {  	_ =	shalt  }
0x6e: {  	_ =	shalt  }
0x6f: {  	_ =	shalt  }
0x70: {  	_ =	shalt  }
0x71: {  	_ =	shalt  }
0x72: {  	_ =	shalt  }
0x73: {  	_ =	shalt  }
0x74: {  	_ =	shalt  }
0x75: {  	_ =	shalt  }
0x76: {  	_ =	shalt  }
0x77: {  	_ =	shalt  }
0x78: {  	_ =	shalt  }
0x79: {  	_ =	shalt  }
0x7a: {  	_ =	shalt  }
0x7b: {  	_ =	shalt  }
0x7c: {  	_ =	shalt  }
0x7d: {  	_ =	shalt  }
0x7e: {  	_ =	shalt  }
0x7f: {  	_ =	shalt  }
0x80: {  	_ =	shalt  }
0x81: {  	_ =	shalt  }
0x82: {  	_ =	shalt  }
0x83: {  	_ =	shalt  }
0x84: {  	_ =	shalt  }
0x85: {  	_ =	shalt  }
0x86: {  	_ =	shalt  }
0x87: {  	_ =	shalt  }
.Lfunc_end0:
.L_simem_size_0:
called_computation_lowered:
.L_overlay_start_0:
0x88: {  	s2 =	sld [smem:$0x3FD9]  }
0x89: {  	s3 =	sld [smem:$0x3FFE];
	_ =	sdelay $0x1  }
0x8a: {  	s1 =	srdreg.scid  }
0x8b: {  	s0 =	sand.u32 $0x1, s1  }
0x8c: {  	s16 =	sshll.u32 s0, $0xA;
	s2 =	sadd.s32 s3, s2  }
0x8d: {  	s2 =	sadd.s32 s2, s16  }
0x8e: {  	[smem:$0x3FB7] =	sst s2  }
0x8f: {  	_ = 	snop  }
0x90: {  	(tm) =	ssettm $0x1  }
0x91: {  	s17 =	sld [smem:$0x3FFB];
	_ =	sdelay $0x3  }
0x92: {  	_ =	strace s17  }
0x93: {  	s2 =	sld [smem:$0x3FFC];
	_ =	sdelay $0x3  }
0x94: {  	_ =	strace s2  }
0x95: {  	s2 =	sld [smem:$0x3FFD];
	_ =	sdelay $0x3  }
0x96: {  	_ =	strace s2  }
0x97: {  	_ =	strace $0x8FFFFFFF  }
0x98: {  	s18 =	sld [smem:$0x3FDB];
	_ =	sdelay $0x1  }
0x99: {  	s19 =	simm.s32 $_scs_section_size  }
0x9a: {  	s4 =	simm.s32 $_size__tile_overlayer_lowered;
	s5 =	simm.s32 $_tile_overlayer_lowered  }
0x9b: {  	s22 =	simm.s32 $0x1BFF;
	s21 =	sshll.u32 s5, $0x1;
	s2 =	sadd.s32 s19, s18  }
0x9c: {  	s6 =	simm.s32 $0x0;
	s20 =	sshll.u32 s4, $0x1;
	s4 =	sadd.s32 s21, s2  }
0x9d: {  	[timem:s6], [sflag:s22] =	dma.local [hbm:s4], s20  }
0x9e: {  	_ =	swait.ge [sflag:s22], s20  }
0x9f: {  	s3 =	ssub.s32 $0x0, s20;
	[sflag:s22] =	ssyncset.done $0x0  }
0xa0: {  	[sflag:s22] =	ssyncadd.s32 s3;
	_ =	sdelay $0x1  }
0xa1: {  	s23 =	simm.s32 $0x1B8B  }
0xa2: {  	_ =	swait.ge [sflag:s23], $0x1  }
0xa3: {  	[sflag:s23] =	ssyncset.done $0x0  }
0xa4: {  	s25 =	simm.s32 $0x1B8E;
	s24 =	sld [smem:$0x3FFE];
	[sflag:s23] =	ssyncadd.s32 $0xFFFFFFFF  }
0xa5: {  	s26 =	simm.s32 $execute0_lowered;
	[smem:$0x3FD2] =	sst s25  }
0xa6: {  	s4 =	sshll.u32 s26, $0x1;
	_ =	strace $0x80000046;
	[dreg:$0x1] =	wrdreg $0xFFFFFFFF  }
0xa7: {  	s28 =	simm.s32 $_size_execute0_lowered;
	s2 =	sadd.s32 s2, s4;
	[dreg:$0x0] =	wrdreg $0x0  }
0xa8: {  	s4 =	sshll.u32 s28, $0x1;
	[dreg:$0x2] =	wrdreg s2  }
0xa9: {  	[dreg:$0x3] =	wrdreg s4  }
0xaa: {  	[dreg:$0x4] =	wrdreg $0xC0  }
0xab: {  	_ =	task [dreg:s6], $0x5FFFF  }
0xac: {  	[dreg:$0x1] =	wrdreg $0xFFFFFFFF  }
0xad: {  	[dreg:$0x0] =	wrdreg $0x60  }
0xae: {  	[dreg:$0x2] =	wrdreg s24  }
0xaf: {  	[dreg:$0x3] =	wrdreg $0x9  }
0xb0: {  	_ =	task.clear_ibuf [dreg:s6], $0x4FFFF;
	_ =	strace $0x90000046  }
0xb1: {  	s29 =	simm.s32 $0x9;
	_ =	strace $0x80000048  }
0xb2: {  	_ =	swait.ge [sflag:s29], $0x1  }
0xb3: {  	[sflag:s29] =	ssyncadd.s32 $0xFFFFFFFF  }
0xb4: {  	_ =	strace $0x90000048  }
0xb5: {  	_ =	sfence  }
0xb6: {  	s30 =	sld [smem:$0x0];
	_ =	sdelay $0x2  }
0xb7: {  	s31 =	sshll.u32 s1, $0xD;
	s1 =	sshrl.u32 s1, $0x2  }
0xb8: {  	s3 =	sand.u32 $0x4000, s31;
	s1 =	sadd.s32 s1, s30  }
0xb9: {  	s0 =	sor.u32 s3, s0;
	s1 =	sshll.u32 s1, $0x11  }
0xba: {  	s0 =	sor.u32 s1, s0  }
0xbb: {  	s0 =	sadd.s32 $0x8F2B, s0  }
0xbc: {  	[sflag:s0] =	ssyncadd.remote.s32 $0x1  }
0xbd: {  	_ =	sfence.sel $0xFFFF  }
0xbe: {  	[dreg:$0x0] =	wrdreg $0xFFFFFFFF;
	(pc) =	sbr.abs _section_cstart, $3  }
0xbf: {  	[dreg:$0x1] =	wrdreg $0xFFFFFFFF  }
0xc0: {  	_ =	task.clear_ibuf [dreg:s6], $0x2FFFF;
	_ =	strace $0x9FFFFFFF  }
0xc1: {  	(tm) =	ssettm $0x7FFFFFFF  }
tec
execute0_lowered:
.L_overlay_start_1:
0x0: {  	(tag) =	ssettag $0x1  }
0x1: {  	s1 =	srdreg.scid;
	s0 =	stileid.u32;
	s2 =	simm.s32 $0x1  }
0x2: {  	s6 =	rddreg [dreg:$0x0];
	s16 =	simm.s32 $0x4000;
	s17 =	simm.s32 $0x8000  }
0x3: {  	s18 =	simm.s32 $0x8100;
	s19 =	simm.s32 $0x8200;
	s20 =	simm.s32 $0x8300  }
0x4: {  	s21 =	simm.s32 $0x8380;
	s22 =	simm.s32 $0x8400;
	s5 =	sand.u32 $0x1, s1  }
0x5: {  	s23 =	simm.s32 $0x8480;
	s24 =	simm.s32 $0x0;
	s1 =	sor.u32 s5, s0  }
0x6: {  	s8 =	sadd.s32 $0x2800, s6;
	p1 =	seq.s32 s5, $0x1;
	p0 =	seq.s32 s1, $0x0  }
0x7: {  	s11 =	sadd.s32 $0x2200, s6;
	s3 =	sshll.u32 s5, $0x7;
	p0 =	por !p0, !p1  }
0x8: {  	s10 =	ssub.s32 $0x2, s5;
	s5 =	simm.s32 $0x1;
	p0 =	por !p0, !p0  }
0x9: {  	s1 =	rddreg [dreg:$0x1];
	s12 =	sshrl.u32 s10, $0x1;
	s2 =	simm.s32 @!p0 $0x0  }
0xa: {  	s15 =	ssub.s32 s10, s12;
	s7 =	ssub.s32 s0, s2;
	s2 =	simm.s32 $0x0  }
0xb: {  	s4 =	sshll.u32 s7, $0x8;
	[smem:$0x7FF] =	sst s2;
	s13 =	smul.u32 $0x6000, s7  }
0xc: {  	s29 =	smul.u32 $0x300, s7;
	s4 =	sor.u32 s3, s4;
	_ =	strace $0x80000047  }
0xd: {  	s9 =	smul.u32 $0x60, s4;
	s4 =	sadd.s32 $0xE800, s6;
	s25 =	sshrl.u32 s13, $0x3  }
0xe: {  	s26 =	sadd.s32 $0x2000, s13;
	s28 =	sadd.s32 $0x4000, s13;
	s30 =	sshrl.u32 s29, $0x3  }
0xf: {  	s31 =	sadd.s32 $0x100, s29;
	s12 =	sadd.s32 $0x200, s29;
	s13 =	smax.u32 s15, $0x1  }
0x10: {  	s15 =	simm.s32 $0x2000;
	s10 =	sshrl.u32 s28, $0x3;
	s9 =	sshrl.u32 s9, $0x3  }
0x11: {  	s14 =	sadd.s32 s9, s6;
	s9 =	sshrl.u32 s26, $0x3;
	s6 =	sadd.s32 s8, s25  }
0x12: {  	s7 =	sadd.s32 s8, s9;
	s8 =	sadd.s32 s8, s10;
	s10 =	sshrl.u32 s31, $0x3  }
0x13: {  	v0 =	vlaneseq.u32;
	s12 =	sshrl.u32 s12, $0x3;
	s9 =	sadd.s32 s11, s30;
	s10 =	sadd.s32 s11, s10  }
0x14: {  	v1 =	vimm.s32 $0x0;
	v2 =	vor.u32 $0x10, v0;
	s11 =	sadd.s32 s11, s12;
	s12 =	sadd.s32 $0xEA00, s14;
	s14 =	simm.s32 $0xB480  }
.LBB2_1:
0x15: {  	[tilespmem:s14], [sflag:$0x1] =	stream.linear.gather [hbm4b:s4+s2], $0x1, $0x38;
	[tilespmem:$0xB500] =	vst v63  }
0x16: {  	_ =	swait.ge [sflag:s5], $0x1  }
0x17: {  	[sflag:s5] =	ssyncset.done $0x0  }
0x18: {  	[sflag:s5] =	ssyncadd.s32 $0xFFFFFFFF  }
0x19: {  	v3 =	vld [tilespmem:$0xB480];
	[tilespmem:s2], [sflag:$0x1] =	stream.linear.gather [hbm4b:s6+s2], $0x2000, $0x38  }
0x1a: {  	_ =	swait.ge [sflag:s5], $0x2000  }
0x1b: {  	[sflag:s5] =	ssyncset.done $0x0  }
0x1c: {  	[sflag:s5] =	ssyncadd.s32 $0xFFFFE000  }
0x1d: {  	[tilespmem:s15], [sflag:$0x1] =	stream.linear.gather [hbm4b:s7+s2], $0x2000, $0x38;
	[tilespmem:$0xB500] =	vst v63  }
0x1e: {  	_ =	swait.ge [sflag:s5], $0x2000  }
0x1f: {  	[sflag:s5] =	ssyncset.done $0x0  }
0x20: {  	[sflag:s5] =	ssyncadd.s32 $0xFFFFE000  }
0x21: {  	[tilespmem:s16], [sflag:$0x1] =	stream.linear.gather [hbm4b:s8+s2], $0x2000, $0x38;
	[tilespmem:$0xB500] =	vst v63  }
0x22: {  	_ =	swait.ge [sflag:s5], $0x2000  }
0x23: {  	[sflag:s5] =	ssyncset.done $0x0  }
0x24: {  	[sflag:s5] =	ssyncadd.s32 $0xFFFFE000  }
0x25: {  	[tilespmem:s17], [sflag:$0x1] =	stream.linear.gather [hbm4b:s9+s2], $0x100, $0x38;
	[tilespmem:$0xB500] =	vst v63  }
0x26: {  	_ =	swait.ge [sflag:s5], $0x100  }
0x27: {  	[sflag:s5] =	ssyncset.done $0x0  }
0x28: {  	[sflag:s5] =	ssyncadd.s32 $0xFFFFFF00  }
0x29: {  	[tilespmem:s18], [sflag:$0x1] =	stream.linear.gather [hbm4b:s10+s2], $0x100, $0x38;
	[tilespmem:$0xB500] =	vst v63  }
0x2a: {  	_ =	swait.ge [sflag:s5], $0x100  }
0x2b: {  	[sflag:s5] =	ssyncset.done $0x0  }
0x2c: {  	[sflag:s5] =	ssyncadd.s32 $0xFFFFFF00  }
0x2d: {  	[tilespmem:s19], [sflag:$0x1] =	stream.linear.gather [hbm4b:s11+s2], $0x100, $0x38;
	[tilespmem:$0xB500] =	vst v63  }
0x2e: {  	_ =	swait.ge [sflag:s5], $0x100  }
0x2f: {  	[sflag:s5] =	ssyncset.done $0x0  }
0x30: {  	s25 =	simm.s32 $0x0;
	[sflag:s5] =	ssyncadd.s32 $0xFFFFFF00  }
0x31: {  	v4 =	vld [tilespmem:s25+$0x0]  }
0x32: {  	v5 =	vld [tilespmem:s25+$0x2000]  }
0x33: {  	v6 =	vld [tilespmem:s25+$0x4000];
	_ =	sdelay $0x2  }
0x34: {  	s26 =	simm.s32 $0x10  }
0x35: {  	v7 =	vmul.f32 v4, v4;
	v5 =	vmul.f32 v5, v5;
	v4 =	vld [tilespmem:s26+$0x0]  }
0x36: {  	v8 =	vmul.f32 v6, v6;
	v6 =	vld [tilespmem:s26+$0x2000]  }
0x37: {  	v7 =	vadd.f32 v5, v7  }
0x38: {  	v5 =	vld [tilespmem:s26+$0x4000]  }
0x39: {  	s28 =	simm.s32 $0x80;
	v7 =	vadd.f32 v8, v7  }
.LBB2_2:
0x3a: {  	s29 =	sshra.s32 s28, $0x2;
	p0 =	seq.s32 s28, $0x7FC0  }
.Ltmp0:
0x3b: {  	s28 =	sadd.s32 $0x40, s28;
	v8 =	vmul.f32 v4, v4;
	v4 =	vld [tilespmem:s29+$0x0];
	v9 =	vmul.f32 v6, v6;
	[tilespmem:s25+$0x6000] =	vst v7;
	(pc) =	sbr.rel @!p0 .LBB2_2-.Ltmp0, $4  }
0x3c: {  	s25 =	smov.u32 s26;
	s26 =	smov.u32 s29;
	v6 =	vld [tilespmem:s29+$0x2000]  }
0x3d: {  	v7 =	vadd.f32 v9, v8;
	v8 =	vmul.f32 v5, v5  }
0x3e: {  	v5 =	vld [tilespmem:s26+$0x4000]  }
0x3f: {  	v7 =	vadd.f32 v8, v7  }
0x40: {  	_ = 	snop  }
0x41: {  	v4 =	vmul.f32 v4, v4;
	v6 =	vmul.f32 v6, v6;
	_ =	sdelay $0x1  }
0x42: {  	v4 =	vadd.f32 v6, v4;
	v5 =	vmul.f32 v5, v5;
	_ =	sdelay $0x1  }
0x43: {  	v4 =	vadd.f32 v5, v4  }
0x44: {  	[tilespmem:s25+$0x6000] =	vst v7  }
0x45: {  	v3 =	vbroadcast v3, $0x0;
	s25 =	simm.s32 $0x0;
	[tilespmem:s26+$0x6000] =	vst v4;
	s26 =	simm.s32 $0x0  }
.LBB2_4:
0x46: {  	s28 =	sadd.s32 s3, s26  }
0x47: {  	v6 =	vmov s28;
	_ =	sdelay $0x1  }
0x48: {  	s28 =	simm.s32 $0x0  }
0x49: {  	v8 =	vld [tilespmem:s28+$0x0]  }
0x4a: {  	v9 =	vld [tilespmem:s28+$0x2000]  }
0x4b: {  	v4 =	vld.idx.msk [tilespmem:v6+s17+$0x0], $0xffff  }
0x4c: {  	v5 =	vld.idx.msk [tilespmem:v6+s18+$0x0], $0xffff  }
0x4d: {  	v10 =	vld [tilespmem:s28+$0x4000]  }
0x4e: {  	v6 =	vld.idx.msk [tilespmem:v6+s19+$0x0], $0xffff;
	_ =	sdelay $0x2  }
0x4f: {  	v7 =	vmul.f32 v8, v4;
	v11 =	vmul.f32 v9, v5;
	_ =	sdelay $0x1  }
0x50: {  	v7 =	vadd.f32 v11, v7;
	v11 =	vmul.f32 v10, v6  }
0x51: {  	v12 =	vld [tilespmem:s28+$0x6000]  }
0x52: {  	v13 =	vmul.f32 v4, v4;
	v14 =	vmul.f32 v5, v5;
	v7 =	vadd.f32 v11, v7;
	_ =	sdelay $0x1  }
0x53: {  	v61 =	vmul.f32 v6, v6;
	v11 =	vadd.f32 v14, v13;
	v62 =	vadd.f32 v7, v7;
	_ =	sdelay $0x1  }
0x54: {  	v7 =	vadd.f32 v61, v11;
	v11 =	vsub.f32 v12, v62;
	_ =	sdelay $0x1  }
0x55: {  	v11 =	vadd.f32 v11, v7;
	_ =	sdelay $0x1  }
0x56: {  	vm0 =	vle.f32 v11, v3  }
0x57: {  	v11 =	vsel vm0, $0x1, v1  }
0x58: {  	(xrf0) =	vadd.scan.msk.s32 $0xffff, v11;
	_ =	sdelay $0x2  }
0x59: {  	v11 =	vmov s25  }
0x5a: {  	v11 =	vadd.s32 $0xFFFFFFFF, v11  }
0x5b: {  	v11 =	vbroadcast v11, $0x0  }
0x5c: {  	v63, _, _ =	vpop (xrf0)  }
0x5d: {  	v11 =	vadd.s32 v63, v11;
	(v2sf) =	vpush v63, $0xF  }
0x5e: {  	vm1 =	vlt.s32 v11, $0x30  }
0x5f: {  	vm0 =	vmand vm0, vm1;
	_ =	sdelay $0x3  }
0x60: {  	v8 =	vsub.f32 v8, v4  }
0x61: {  	v9 =	vsub.f32 v9, v5  }
0x62: {  	v10 =	vsub.f32 v10, v6;
	[tilespmem:v11+s20+$0x0] =	vst.idx.msk vm0, v8  }
0x63: {  	[tilespmem:v11+s21+$0x0] =	vst.idx.msk vm0, v9  }
0x64: {  	s30 =	simm.s32 $0x10;
	[tilespmem:v11+s22+$0x0] =	vst.idx.msk vm0, v10  }
0x65: {  	s29 =	simm.s32 $0x80;
	s28 =	simm.s32 $0x0;
	v8 =	vld [tilespmem:s30+$0x0]  }
.LBB2_5:
0x66: {  	p0 =	sne.s32 s29, $0x7FC0;
	v9 =	vld [tilespmem:s30+$0x2000]  }
0x67: {  	v10 =	vld [tilespmem:s30+$0x6000]  }
0x68: {  	v11 =	vld [tilespmem:s30+$0x4000]  }
0x69: {  	s30 =	spop (v2sf)  }
0x6a: {  	v12 =	vmul.f32 v8, v4;
	v8 =	vsub.f32 v8, v4;
	s28 =	sadd.s32 s28, s30  }
0x6b: {  	v13 =	vmul.f32 v9, v5;
	v14 =	vmov s28;
	v9 =	vsub.f32 v9, v5  }
0x6c: {  	v14 =	vadd.s32 $0xFFFFFFFF, v14  }
0x6d: {  	v12 =	vadd.f32 v13, v12;
	v13 =	vmul.f32 v11, v6;
	v14 =	vbroadcast v14, $0x0  }
0x6e: {  	v11 =	vsub.f32 v11, v6  }
0x6f: {  	v12 =	vadd.f32 v13, v12;
	_ =	sdelay $0x1  }
0x70: {  	v12 =	vadd.f32 v12, v12;
	_ =	sdelay $0x1  }
0x71: {  	v10 =	vsub.f32 v10, v12;
	_ =	sdelay $0x1  }
0x72: {  	v10 =	vadd.f32 v10, v7;
	_ =	sdelay $0x1  }
0x73: {  	vm0 =	vle.f32 v10, v3  }
0x74: {  	v10 =	vsel vm0, $0x1, v1  }
0x75: {  	(xrf0) =	vadd.scan.msk.s32 $0xffff, v10;
	_ =	sdelay $0x5  }
0x76: {  	v10, _, _ =	vpop (xrf0)  }
0x77: {  	v12 =	vadd.s32 v10, v14;
	(v2sf) =	vpush v10, $0xF  }
0x78: {  	vm1 =	vlt.s32 v12, $0x30  }
0x79: {  	vm0 =	vmand vm0, vm1;
	_ =	sdelay $0x4  }
.Ltmp1:
0x7a: {  	(pc) =	sbr.rel @p0 .LBB2_5-.Ltmp1, $4  }
0x7b: {  	[tilespmem:v12+s20+$0x0] =	vst.idx.msk vm0, v8  }
0x7c: {  	[tilespmem:v12+s21+$0x0] =	vst.idx.msk vm0, v9  }
0x7d: {  	s30 =	sshra.s32 s29, $0x2;
	[tilespmem:v12+s22+$0x0] =	vst.idx.msk vm0, v11  }
0x7e: {  	s29 =	sadd.s32 $0x40, s29;
	v8 =	vld [tilespmem:s30+$0x0]  }
0x7f: {  	v9 =	vld [tilespmem:s30+$0x2000];
	_ =	sdelay $0x1  }
0x80: {  	v10 =	vld [tilespmem:s30+$0x4000];
	_ =	sdelay $0x2  }
0x81: {  	v11 =	vmul.f32 v8, v4;
	v12 =	vmul.f32 v9, v5;
	_ =	sdelay $0x1  }
0x82: {  	v55 =	vmul.f32 v10, v6;
	v11 =	vadd.f32 v12, v11  }
0x83: {  	v13 =	vld [tilespmem:s30+$0x6000]  }
0x84: {  	v11 =	vadd.f32 v55, v11;
	_ =	sdelay $0x1  }
0x85: {  	v11 =	vadd.f32 v11, v11;
	_ =	sdelay $0x1  }
0x86: {  	v11 =	vsub.f32 v13, v11;
	_ =	sdelay $0x1  }
0x87: {  	v7 =	vadd.f32 v11, v7;
	_ =	sdelay $0x1  }
0x88: {  	vm0 =	vle.f32 v7, v3  }
0x89: {  	v7 =	vsel vm0, $0x1, v1  }
0x8a: {  	(xrf0) =	vadd.scan.msk.s32 $0xffff, v7  }
0x8b: {  	s29 =	spop (v2sf)  }
0x8c: {  	s28 =	sadd.s32 s28, s29  }
0x8d: {  	v56 =	vmov s28  }
0x8e: {  	v7 =	vadd.s32 $0xFFFFFFFF, v56  }
0x8f: {  	v7 =	vbroadcast v7, $0x0  }
0x90: {  	v57, _, _ =	vpop (xrf0)  }
0x91: {  	v7 =	vadd.s32 v57, v7;
	(v2sf) =	vpush v57, $0xF  }
0x92: {  	vm1 =	vlt.s32 v7, $0x30  }
0x93: {  	vm0 =	vmand vm0, vm1;
	_ =	sdelay $0x3  }
0x94: {  	v4 =	vsub.f32 v8, v4  }
0x95: {  	v5 =	vsub.f32 v9, v5  }
0x96: {  	v58 =	vsub.f32 v10, v6;
	[tilespmem:v7+s20+$0x0] =	vst.idx.msk vm0, v4  }
0x97: {  	[tilespmem:v7+s21+$0x0] =	vst.idx.msk vm0, v5  }
0x98: {  	[tilespmem:v7+s22+$0x0] =	vst.idx.msk vm0, v58  }
0x99: {  	v4 =	vld.msk [tilespmem:s20+$0x0], $0xffff  }
0x9a: {  	v5 =	vld.msk [tilespmem:s21+$0x0], $0xffff  }
0x9b: {  	v6 =	vld.msk [tilespmem:s22+$0x0], $0xffff  }
0x9c: {  	v7 =	vld [tilespmem:$0x8300]  }
0x9d: {  	v59 =	vld [tilespmem:$0x8380];
	s30 =	spop (v2sf)  }
0x9e: {  	v60 =	vld [tilespmem:$0x8400];
	s28 =	sadd.s32 s28, s30  }
0x9f: {  	s31 =	smul.u32 $0x180, s26;
	v61 =	vmov s28  }
0xa0: {  	vm14 =	vgt.s32 v61, v0  }
0xa1: {  	s28 =	sshra.s32 s31, $0x2;
	v7 =	vsel vm14, v7, v4  }
0xa2: {  	v8 =	vsel vm14, v59, v5;
	[tilespmem:s28+$0x8480] =	vst v7  }
0xa3: {  	v62 =	vsel vm14, v60, v6;
	[tilespmem:s28+$0x84A0] =	vst v8  }
0xa4: {  	[tilespmem:s28+$0x84C0] =	vst v62  }
0xa5: {  	v7 =	vld [tilespmem:$0x8310]  }
0xa6: {  	v8 =	vld [tilespmem:$0x8390]  }
0xa7: {  	s26 =	sadd.s32 $0x1, s26;
	v63 =	vld [tilespmem:$0x8410]  }
0xa8: {  	p0 =	sne.s32 s26, $0x80  }
.Ltmp2:
0xa9: {  	vm15 =	vgt.s32 v61, v2;
	(pc) =	sbr.rel @p0 .LBB2_4-.Ltmp2, $4  }
0xaa: {  	v4 =	vsel vm15, v7, v4  }
0xab: {  	v5 =	vsel vm15, v8, v5;
	[tilespmem:s28+$0x8490] =	vst v4  }
0xac: {  	v4 =	vsel vm15, v63, v6;
	[tilespmem:s28+$0x84B0] =	vst v5  }
0xad: {  	[tilespmem:s28+$0x84D0] =	vst v4  }
0xae: {  	s24 =	sadd.s32 $0x1, s24  }
0xaf: {  	p0 =	sne.s32 s24, s13  }
.Ltmp3:
0xb0: {  	_ = 	snop;
	(pc) =	sbr.rel @p0 .LBB2_1-.Ltmp3, $4  }
0xb1: {  	[hbm4b:s12+s2] =	stream.linear.scatter [tilespmem:s23], [sflag:$0x1], $0x3000, $0x38;
	[tilespmem:$0xB500] =	vst v63  }
0xb2: {  	_ =	swait.ge [sflag:s5], $0x3000  }
0xb3: {  	[sflag:s5] =	ssyncset.done $0x0  }
0xb4: {  	[sflag:s5] =	ssyncadd.s32 $0xFFFFD000  }
0xb5: {  	_ =	sfence.sel $0x180000  }
0xb6: {  	[bflag:$0x0] =	sbarrier.arrive $0xFFFF  }
0xb7: {  	p0 =	sne.s32 s0, $0x0;
	_ =	strace $0x90000047  }
0xb8: {  	s0 =	sadd.s32 @!p0 $0x100000, s1;
	[bflag:$0x2] =	sbarrier.arrive $0xFFFF  }
0xb9: {  	[sflag:s0] =	ssyncadd.tile.s32 @!p0 $0x1;
	_ =	shalt  }
.Lfunc_end2:
_tile_overlayer_lowered:
.L_overlay_start_2:
0xba: {  	(tag) =	ssettag $0x2  }
0xbb: {  	s0 =	rddreg [dreg:$0x0];
	s2 =	stileid.u32  }
0xbc: {  	s1 =	rddreg [dreg:$0x1];
	p0 =	sne.s32 s2, $0x0  }
0xbd: {  	s3 =	rddreg [dreg:$0x2];
	[bflag:$0x3] =	sbarrier.arrive $0xFFFF;
	s2 =	simm.s32 @!p0 $0x1C01  }
0xbe: {  	[timem:s3], [sflag:s2] =	dma.local @!p0 [hbm:s0], s1  }
0xbf: {  	s0 =	simm.s32 @!p0 $0x1  }
0xc0: {  	_ =	swait.ge @!p0 [sflag:s0], s1  }
0xc1: {  	s1 =	ssub.s32 @!p0 $0x0, s1;
	[sflag:s0] =	ssyncset.done @!p0 $0x0  }
0xc2: {  	[sflag:s0] =	ssyncadd.s32 @!p0 s1  }
0xc3: {  	[bflag:$0x3] =	sbarrier.arrive $0xFFFF  }
0xc4: {  	_ =	shalt  }

</sc_bundles>
